<compile_context>
chip_gen: v7x
topology: tpu7x:2x2x1
jax: 0.10.2.dev20260603
libtpu: 0.0.44.dev20260713+nightly
codegen_flags: <defaults>
</compile_context>

<pallas_src>
import functools

import jax
import jax.numpy as jnp
from jax import lax
from jax.experimental import pallas as pl
from jax.experimental.pallas import tpu as pltpu
from jax.experimental.pallas import tpu_sc as plsc

NC = 2
NS = 16
L = 16
SLOPE = 0.2
EPS = 1e-16

ROWS_BLK = 512
CH = 64
NB = 2


def _leaky(v):
    return jnp.where(v >= 0, v, SLOPE * v)




def _dense_attn_body(x_ref, w_ref, asr_ref, adr_ref, h_ref, as_ref, ad_ref,
                     mx_ref):
    h = jnp.dot(x_ref[...], w_ref[...], preferred_element_type=jnp.float32)
    h_ref[...] = h
    a_s = jnp.sum(h * asr_ref[...], axis=1)[None, :]
    a_d = jnp.sum(h * adr_ref[...], axis=1)[None, :]
    as_ref[...] = a_s
    ad_ref[...] = a_d
    i = pl.program_id(0)
    prev = jnp.where(i == 0, jnp.full((1, 1), -jnp.inf), mx_ref[...])
    mx_ref[...] = jnp.maximum(prev, jnp.max(a_s).reshape(1, 1))


def _dense_attn(x, w, a_src, a_dst):
    npad = x.shape[0]
    f = x.shape[1]
    hdim = w.shape[1]
    grid = npad // ROWS_BLK
    return pl.pallas_call(
        _dense_attn_body,
        grid=(grid,),
        in_specs=[
            pl.BlockSpec((ROWS_BLK, f), lambda i: (i, 0)),
            pl.BlockSpec((f, hdim), lambda i: (0, 0)),
            pl.BlockSpec((1, f), lambda i: (0, 0)),
            pl.BlockSpec((1, f), lambda i: (0, 0)),
        ],
        out_specs=[
            pl.BlockSpec((ROWS_BLK, hdim), lambda i: (i, 0)),
            pl.BlockSpec((1, ROWS_BLK), lambda i: (0, i)),
            pl.BlockSpec((1, ROWS_BLK), lambda i: (0, i)),
            pl.BlockSpec((1, 1), lambda i: (0, 0)),
        ],
        out_shape=[
            jax.ShapeDtypeStruct((npad, hdim), jnp.float32),
            jax.ShapeDtypeStruct((1, npad), jnp.float32),
            jax.ShapeDtypeStruct((1, npad), jnp.float32),
            jax.ShapeDtypeStruct((1, 1), jnp.float32),
        ],
    )(x, w, a_src[None, :], a_dst[None, :])


def _norm_dense_attn_body(o_ref, d_ref, b_ref, w_ref, asr_ref, adr_ref,
                          h_ref, as_ref, ad_ref, mx_ref):
    den = jnp.sum(d_ref[...], axis=(0, 1))
    agg = (o_ref[0] + o_ref[1]) / (den + EPS)[:, None] + b_ref[...]
    agg = jnp.maximum(agg, 0.0)
    h = jnp.dot(agg, w_ref[...], preferred_element_type=jnp.float32)
    h_ref[...] = h
    a_s = jnp.sum(h * asr_ref[...], axis=1)[None, :]
    a_d = jnp.sum(h * adr_ref[...], axis=1)[None, :]
    as_ref[...] = a_s
    ad_ref[...] = a_d
    i = pl.program_id(0)
    prev = jnp.where(i == 0, jnp.full((1, 1), -jnp.inf), mx_ref[...])
    mx_ref[...] = jnp.maximum(prev, jnp.max(a_s).reshape(1, 1))


def _norm_dense_attn(o, den, b, w, a_src, a_dst):
    npad = o.shape[1]
    h1 = o.shape[2]
    h2 = w.shape[1]
    grid = npad // ROWS_BLK
    return pl.pallas_call(
        _norm_dense_attn_body,
        grid=(grid,),
        in_specs=[
            pl.BlockSpec((NC, ROWS_BLK, h1), lambda i: (0, i, 0)),
            pl.BlockSpec((NC, NS, ROWS_BLK), lambda i: (0, 0, i)),
            pl.BlockSpec((1, h1), lambda i: (0, 0)),
            pl.BlockSpec((h1, h2), lambda i: (0, 0)),
            pl.BlockSpec((1, h2), lambda i: (0, 0)),
            pl.BlockSpec((1, h2), lambda i: (0, 0)),
        ],
        out_specs=[
            pl.BlockSpec((ROWS_BLK, h2), lambda i: (i, 0)),
            pl.BlockSpec((1, ROWS_BLK), lambda i: (0, i)),
            pl.BlockSpec((1, ROWS_BLK), lambda i: (0, i)),
            pl.BlockSpec((1, 1), lambda i: (0, 0)),
        ],
        out_shape=[
            jax.ShapeDtypeStruct((npad, h2), jnp.float32),
            jax.ShapeDtypeStruct((1, npad), jnp.float32),
            jax.ShapeDtypeStruct((1, npad), jnp.float32),
            jax.ShapeDtypeStruct((1, 1), jnp.float32),
        ],
    )(o, den, b[None, :], w, a_src[None, :], a_dst[None, :])


def _norm_tanh_body(o_ref, d_ref, b_ref, z_ref):
    hout = b_ref.shape[1]
    den = jnp.sum(d_ref[...], axis=(0, 1))
    o_sum = o_ref[0][:, :hout] + o_ref[1][:, :hout]
    agg = o_sum / (den + EPS)[:, None] + b_ref[...]
    z_ref[...] = jnp.tanh(agg)


def _norm_tanh(o, den, b):
    npad = o.shape[1]
    hdim = o.shape[2]
    hout = b.shape[0]
    grid = npad // ROWS_BLK
    return pl.pallas_call(
        _norm_tanh_body,
        grid=(grid,),
        in_specs=[
            pl.BlockSpec((NC, ROWS_BLK, hdim), lambda i: (0, i, 0)),
            pl.BlockSpec((NC, NS, ROWS_BLK), lambda i: (0, 0, i)),
            pl.BlockSpec((1, hout), lambda i: (0, 0)),
        ],
        out_specs=pl.BlockSpec((ROWS_BLK, hout), lambda i: (i, 0)),
        out_shape=jax.ShapeDtypeStruct((npad, hout), jnp.float32),
    )(o, den, b[None, :])


def _decode_body(zi_ref, zj_ref, out_ref):
    prod = lax.dot_general(zi_ref[...], zj_ref[...],
                           (((1,), (1,)), ((), ())),
                           preferred_element_type=jnp.float32)
    out_ref[...] = 0.5 * jnp.tanh(0.5 * prod) + 0.5


def _decode(za, zb, n):
    hdim = za.shape[1]
    grid = pl.cdiv(n, ROWS_BLK)
    return pl.pallas_call(
        _decode_body,
        grid=(grid, grid),
        in_specs=[
            pl.BlockSpec((ROWS_BLK, hdim), lambda i, j: (i, 0)),
            pl.BlockSpec((ROWS_BLK, hdim), lambda i, j: (j, 0)),
        ],
        out_specs=pl.BlockSpec((ROWS_BLK, ROWS_BLK), lambda i, j: (i, j)),
        out_shape=jax.ShapeDtypeStruct((n, n), jnp.float32),
    )(za, zb)




def _make_sc_agg(npad, hdim, nchunk, hdim_out=None):
    rpt = npad // NS
    grp = CH // L
    hout = hdim if hdim_out is None else hdim_out

    def body(as_hbm, ad_hbm, mx_hbm, src_hbm, dst_hbm, h_hbm, zrow_hbm,
             out_hbm, den_hbm,

             mx_v, src_v, dst_v, a_b, asg_b, adg_b, rows_b, den_v,
             sh_out, gsem, ssem):
        ci = lax.axis_index("c")
        si = lax.axis_index("s")
        wid = ci * NS + si
        pltpu.sync_copy(mx_hbm, mx_v)
        pltpu.sync_copy(src_hbm.at[wid], src_v)
        pltpu.sync_copy(dst_hbm.at[wid], dst_v)
        tile_rows = pl.ds(si * rpt, rpt)
        pltpu.sync_copy(zrow_hbm, sh_out.at[tile_rows])

        def zero_den(i, c0):
            den_v[pl.ds(i * L, L)] = jnp.zeros((L,), jnp.float32)
            return c0

        lax.fori_loop(0, npad // L, zero_den, 0, unroll=8)
        plsc.subcore_barrier()
        mxv = mx_v[...]

        def issue_gathers(k, bo):
            slc = pl.ds(bo, CH)
            pltpu.async_copy(h_hbm.at[src_v.at[k]], rows_b.at[slc], gsem)
            pltpu.async_copy(as_hbm.at[src_v.at[k]], asg_b.at[slc], gsem)
            pltpu.async_copy(ad_hbm.at[dst_v.at[k]], adg_b.at[slc], gsem)

        issue_gathers(0, 0)

        def chunk(k, carry):
            bo = (k % NB) * CH
            po = CH - bo
            slc = pl.ds(bo, CH)
            rows_slc = rows_b.at[slc]
            pltpu.make_async_copy(h_hbm.at[src_v.at[k]], rows_slc,
                                  gsem).wait()
            pltpu.make_async_copy(as_hbm.at[src_v.at[k]], asg_b.at[slc],
                                  gsem).wait()
            pltpu.make_async_copy(ad_hbm.at[dst_v.at[k]], adg_b.at[slc],
                                  gsem).wait()

            @pl.when(k >= 1)
            def _():
                pltpu.make_async_copy(h_hbm.at[pl.ds(0, CH)],
                                      rows_b.at[pl.ds(po, CH)],
                                      ssem).wait()

            @pl.when(k + 1 < nchunk)
            def _():
                issue_gathers(k + 1, po)

            for g in range(grp):
                sl = pl.ds(bo + g * L, L)
                d16 = dst_v[k, pl.ds(g * L, L)]
                e = _leaky(asg_b[sl] + adg_b[sl])
                c = _leaky(mxv + adg_b[sl])
                a16 = jnp.exp(e - c)
                a_b[sl] = a16
                plsc.addupdate_scatter(den_v, [d16], a16)

            def scale(j, c2):
                sv = plsc.load_gather(a_b, [lax.broadcast(bo + j, (L,))])
                for g2 in range(hout // L):
                    sl2 = pl.ds(g2 * L, L)
                    rows_b[bo + j, sl2] = rows_b[bo + j, sl2] * sv
                return c2

            lax.fori_loop(0, CH, scale, 0, unroll=4)
            pltpu.async_copy(rows_slc, sh_out.at[dst_v.at[k]], ssem,
                             add=True)
            return carry

        lax.fori_loop(0, nchunk, chunk, 0)
        lo = ((nchunk - 1) % NB) * CH
        pltpu.make_async_copy(h_hbm.at[pl.ds(0, CH)],
                              rows_b.at[pl.ds(lo, CH)], ssem).wait()
        pltpu.sync_copy(den_v, den_hbm.at[ci, si])
        plsc.subcore_barrier()
        pltpu.sync_copy(sh_out.at[tile_rows], out_hbm.at[ci, tile_rows])

    mesh = plsc.VectorSubcoreMesh(core_axis_name="c", subcore_axis_name="s",
                                  num_cores=NC, num_subcores=NS)
    return pl.kernel(
        body,
        out_type=[
            jax.ShapeDtypeStruct((NC, npad, hdim), jnp.float32),
            jax.ShapeDtypeStruct((NC, NS, npad), jnp.float32),
        ],
        mesh=mesh,
        compiler_params=pltpu.CompilerParams(needs_layout_passes=False),
        scratch_types=[
            pltpu.VMEM((L,), jnp.float32),
            pltpu.VMEM((nchunk, CH), jnp.int32),
            pltpu.VMEM((nchunk, CH), jnp.int32),
            pltpu.VMEM((NB * CH,), jnp.float32),
            pltpu.VMEM((NB * CH,), jnp.float32),
            pltpu.VMEM((NB * CH,), jnp.float32),
            pltpu.VMEM((NB * CH, hdim), jnp.float32),
            pltpu.VMEM((npad,), jnp.float32),
            pltpu.VMEM_SHARED((npad, hdim), jnp.float32),
            pltpu.SemaphoreType.DMA,
            pltpu.SemaphoreType.DMA,
        ],
    )




@jax.jit
def kernel(x, edge_index, W1, a_src1, a_dst1, b1, W2, a_src2, a_dst2, b2):
    n = x.shape[0]
    e = edge_index.shape[1]
    h1 = W1.shape[1]
    h2 = W2.shape[1]

    npad = ((n + ROWS_BLK) // ROWS_BLK) * ROWS_BLK
    nw = NC * NS
    ewp = pl.cdiv(e, nw * NB * CH) * NB * CH
    nchunk = ewp // CH
    epad = nw * ewp

    xp = jnp.pad(x, ((0, npad - n), (0, 0)))
    pad_node = jnp.full((epad - e,), n, dtype=jnp.int32)
    src = jnp.concatenate([edge_index[0], pad_node]).reshape(nw, nchunk, CH)
    dst = jnp.concatenate([edge_index[1], pad_node]).reshape(nw, nchunk, CH)

    h2p = max(h2, 128)
    W2p = jnp.pad(W2, ((0, 0), (0, h2p - h2)))
    a_src2p = jnp.pad(a_src2, (0, h2p - h2))
    a_dst2p = jnp.pad(a_dst2, (0, h2p - h2))

    rpt = npad // NS
    zrow1 = jnp.zeros((rpt, h1), jnp.float32)
    zrow2 = jnp.zeros((rpt, h2p), jnp.float32)

    h, a_s, a_d, mx = _dense_attn(xp, W1, a_src1, a_dst1)
    mx16 = jnp.full((L,), mx[0, 0], jnp.float32)
    o1, d1 = _make_sc_agg(npad, h1, nchunk)(
        a_s[0], a_d[0], mx16, src, dst, h, zrow1)

    h, a_s, a_d, mx = _norm_dense_attn(o1, d1, b1, W2p, a_src2p, a_dst2p)
    mx16 = jnp.full((L,), mx[0, 0], jnp.float32)
    o2, d2 = _make_sc_agg(npad, h2p, nchunk, hdim_out=h2)(
        a_s[0], a_d[0], mx16, src, dst, h, zrow2)

    z = _norm_tanh(o2, d2, b2)[:n]
    adj = _decode(z, z, n)
    return (adj, z)

# --- scband reference (transcript-rebuilt; emitter-appended) ---
"""Pipeline reference for scband-gat-24833500905997 (READ-ONLY COPY).

The authoritative reference and input builder live on the scoring server;
editing this copy changes nothing except your own understanding.
"""

import jax, jax.numpy as jnp
import numpy as np


def gat_conv(x, edge_index, W, att_src, att_dst, b):
    # Single-head PyG-style GATConv: h = xW; e_ij = LeakyReLU(a_s.h_src + a_d.h_dst);
    # softmax over edges grouped by dst; out = sum_j alpha_ij * h_src_j + b
    N = x.shape[0]
    h = x @ W
    src = edge_index[0]
    dst = edge_index[1]
    alpha_src = (h * att_src).sum(-1)
    alpha_dst = (h * att_dst).sum(-1)
    e = alpha_src[src] + alpha_dst[dst]
    e = jax.nn.leaky_relu(e, 0.2)
    e_max = jax.ops.segment_max(e, dst, num_segments=N)
    e_max = jnp.where(jnp.isfinite(e_max), e_max, 0.0)
    a = jnp.exp(e - e_max[dst])
    denom = jax.ops.segment_sum(a, dst, num_segments=N)
    alpha = a / (denom[dst] + 1e-16)
    out = jax.ops.segment_sum(alpha[:, None] * h[src], dst, num_segments=N)
    return out + b


def setup_inputs(seed: int = 0) -> dict:
    key = jax.random.key(seed)
    ks = jax.random.split(key, 12)
    N, F, H1, H2, E = 10000, 128, 128, 64, 160000
    x = jax.random.normal(ks[0], (N, F), dtype=jnp.float32)
    edge_index = jax.random.randint(ks[1], (2, E), 0, N, dtype=jnp.int32)
    W1 = jax.random.normal(ks[2], (F, H1), dtype=jnp.float32) * (1.0 / np.sqrt(F))
    a_src1 = jax.random.normal(ks[3], (H1,), dtype=jnp.float32) * 0.1
    a_dst1 = jax.random.normal(ks[4], (H1,), dtype=jnp.float32) * 0.1
    b1 = jnp.zeros((H1,), dtype=jnp.float32)
    W2 = jax.random.normal(ks[5], (H1, H2), dtype=jnp.float32) * (1.0 / np.sqrt(H1))
    a_src2 = jax.random.normal(ks[6], (H2,), dtype=jnp.float32) * 0.1
    a_dst2 = jax.random.normal(ks[7], (H2,), dtype=jnp.float32) * 0.1
    b2 = jnp.zeros((H2,), dtype=jnp.float32)
    return {"x": x, "edge_index": edge_index, "W1": W1, "a_src1": a_src1, "a_dst1": a_dst1, "b1": b1, "W2": W2, "a_src2": a_src2, "a_dst2": a_dst2, "b2": b2}


def reference(x, edge_index, W1, a_src1, a_dst1, b1, W2, a_src2, a_dst2, b2):
    h = gat_conv(x, edge_index, W1, a_src1, a_dst1, b1)
    h = jax.nn.relu(h)
    h = gat_conv(h, edge_index, W2, a_src2, a_dst2, b2)
    z = jnp.tanh(h)
    adj_recon = jax.nn.sigmoid(z @ z.T)
    return (adj_recon, z)

if __name__ == "__main__":
    import jax
    _d = setup_inputs()
    print(jax.jit(kernel)(*tuple(_d.values())))

</pallas_src>

<mosaic_0001>
#map = affine_map<(d0, d1) -> (0)>
#map1 = affine_map<(d0, d1) -> (0, 0, 0)>
#map2 = affine_map<(d0, d1) -> (0, 0)>
module attributes {stable_mosaic.version = 14 : i64} {
  func.func @body(%arg0: i32, %arg1: i32, %arg2: memref<10240xf32, #tpu.memory_space<hbm>>, %arg3: memref<10240xf32, #tpu.memory_space<hbm>>, %arg4: memref<16xf32, #tpu.memory_space<hbm>>, %arg5: memref<32x80x64xi32, #tpu.memory_space<hbm>>, %arg6: memref<32x80x64xi32, #tpu.memory_space<hbm>>, %arg7: memref<10240x128xf32, #tpu.memory_space<hbm>>, %arg8: memref<640x128xf32, #tpu.memory_space<hbm>>, %arg9: memref<2x10240x128xf32, #tpu.memory_space<hbm>>, %arg10: memref<2x16x10240xf32, #tpu.memory_space<hbm>>, %arg11: memref<16xf32, #tpu.memory_space<vmem>>, %arg12: memref<80x64xi32, #tpu.memory_space<vmem>>, %arg13: memref<80x64xi32, #tpu.memory_space<vmem>>, %arg14: memref<128xf32, #tpu.memory_space<vmem>>, %arg15: memref<128xf32, #tpu.memory_space<vmem>>, %arg16: memref<128xf32, #tpu.memory_space<vmem>>, %arg17: memref<128x128xf32, #tpu.memory_space<vmem>>, %arg18: memref<10240xf32, #tpu.memory_space<vmem>>, %arg19: memref<10240x128xf32, #tpu.memory_space<vmem_shared>>, %arg20: memref<!tpu.dma_semaphore, #tpu.memory_space<semaphore_mem>>, %arg21: memref<!tpu.dma_semaphore, #tpu.memory_space<semaphore_mem>>) attributes {dimension_semantics = [#tpu.dimension_semantics<core_parallel>, #tpu.dimension_semantics<subcore_parallel>], iteration_bounds = array<i64: 2, 16>, scalar_prefetch = 0 : i64, scratch_operands = 11 : i64, tpu.core_type = #tpu.core_type<sc_vector_subcore>, window_params = [{transform_indices = #map}, {transform_indices = #map}, {transform_indices = #map}, {transform_indices = #map1}, {transform_indices = #map1}, {transform_indices = #map2}, {transform_indices = #map2}, {transform_indices = #map1}, {transform_indices = #map1}]} {
    %mul3A = arith.constant 16 : i32
    %mul3A_0 = arith.muli %arg0, %mul3A : i32
    %add3A = arith.addi %mul3A_0, %arg1 : i32
    "tpu.region"() ({
      %run_scoped3A = tpu.sem_alloc : memref<!tpu.dma_semaphore, #tpu.memory_space<semaphore_mem>>
      tpu.enqueue_dma source(%arg4 : memref<16xf32, #tpu.memory_space<hbm>>) target(%arg11 : memref<16xf32, #tpu.memory_space<vmem>>) target_semaphore(%run_scoped3A : memref<!tpu.dma_semaphore, #tpu.memory_space<semaphore_mem>>)
      tpu.wait_dma2 semaphore(%run_scoped3A : memref<!tpu.dma_semaphore, #tpu.memory_space<semaphore_mem>>) src(%arg4 : memref<16xf32, #tpu.memory_space<hbm>>) dst(%arg11 : memref<16xf32, #tpu.memory_space<vmem>>)
      tpu.yield
    }) : () -> ()
    "tpu.region"() ({
      %run_scoped3A = tpu.sem_alloc : memref<!tpu.dma_semaphore, #tpu.memory_space<semaphore_mem>>
      %dma_start3A_52 = arith.constant 0 : i32
      %dma_start3A_53 = arith.constant 0 : i32
      %dma_start3A_54 = tpu.memref_slice %arg5[%add3A, %dma_start3A_52, %dma_start3A_53] : memref<32x80x64xi32, #tpu.memory_space<hbm>> -> memref<1x80x64xi32, #tpu.memory_space<hbm>>
      %dma_start3A_55 = tpu.memref_squeeze %dma_start3A_54 : memref<1x80x64xi32, #tpu.memory_space<hbm>> -> memref<80x64xi32, #tpu.memory_space<hbm>>
      %dma_start3A_56 = arith.constant 0 : i32
      %dma_start3A_57 = arith.constant 0 : i32
      %dma_start3A_58 = tpu.memref_slice %arg5[%add3A, %dma_start3A_56, %dma_start3A_57] : memref<32x80x64xi32, #tpu.memory_space<hbm>> -> memref<1x80x64xi32, #tpu.memory_space<hbm>>
      %dma_start3A_59 = tpu.memref_squeeze %dma_start3A_58 : memref<1x80x64xi32, #tpu.memory_space<hbm>> -> memref<80x64xi32, #tpu.memory_space<hbm>>
      tpu.enqueue_dma source(%dma_start3A_59 : memref<80x64xi32, #tpu.memory_space<hbm>>) target(%arg12 : memref<80x64xi32, #tpu.memory_space<vmem>>) target_semaphore(%run_scoped3A : memref<!tpu.dma_semaphore, #tpu.memory_space<semaphore_mem>>)
      %dma_wait3A_60 = arith.constant 0 : i32
      %dma_wait3A_61 = arith.constant 0 : i32
      %dma_wait3A_62 = tpu.memref_slice %arg5[%add3A, %dma_wait3A_60, %dma_wait3A_61] : memref<32x80x64xi32, #tpu.memory_space<hbm>> -> memref<1x80x64xi32, #tpu.memory_space<hbm>>
      %dma_wait3A_63 = tpu.memref_squeeze %dma_wait3A_62 : memref<1x80x64xi32, #tpu.memory_space<hbm>> -> memref<80x64xi32, #tpu.memory_space<hbm>>
      %dma_wait3A_64 = arith.constant 0 : i32
      %dma_wait3A_65 = arith.constant 0 : i32
      %dma_wait3A_66 = tpu.memref_slice %arg5[%add3A, %dma_wait3A_64, %dma_wait3A_65] : memref<32x80x64xi32, #tpu.memory_space<hbm>> -> memref<1x80x64xi32, #tpu.memory_space<hbm>>
      %dma_wait3A_67 = tpu.memref_squeeze %dma_wait3A_66 : memref<1x80x64xi32, #tpu.memory_space<hbm>> -> memref<80x64xi32, #tpu.memory_space<hbm>>
      tpu.wait_dma2 semaphore(%run_scoped3A : memref<!tpu.dma_semaphore, #tpu.memory_space<semaphore_mem>>) src(%dma_wait3A_67 : memref<80x64xi32, #tpu.memory_space<hbm>>) dst(%arg12 : memref<80x64xi32, #tpu.memory_space<vmem>>)
      tpu.yield
    }) : () -> ()
    "tpu.region"() ({
      %run_scoped3A = tpu.sem_alloc : memref<!tpu.dma_semaphore, #tpu.memory_space<semaphore_mem>>
      %dma_start3A_52 = arith.constant 0 : i32
      %dma_start3A_53 = arith.constant 0 : i32
      %dma_start3A_54 = tpu.memref_slice %arg6[%add3A, %dma_start3A_52, %dma_start3A_53] : memref<32x80x64xi32, #tpu.memory_space<hbm>> -> memref<1x80x64xi32, #tpu.memory_space<hbm>>
      %dma_start3A_55 = tpu.memref_squeeze %dma_start3A_54 : memref<1x80x64xi32, #tpu.memory_space<hbm>> -> memref<80x64xi32, #tpu.memory_space<hbm>>
      %dma_start3A_56 = arith.constant 0 : i32
      %dma_start3A_57 = arith.constant 0 : i32
      %dma_start3A_58 = tpu.memref_slice %arg6[%add3A, %dma_start3A_56, %dma_start3A_57] : memref<32x80x64xi32, #tpu.memory_space<hbm>> -> memref<1x80x64xi32, #tpu.memory_space<hbm>>
      %dma_start3A_59 = tpu.memref_squeeze %dma_start3A_58 : memref<1x80x64xi32, #tpu.memory_space<hbm>> -> memref<80x64xi32, #tpu.memory_space<hbm>>
      tpu.enqueue_dma source(%dma_start3A_59 : memref<80x64xi32, #tpu.memory_space<hbm>>) target(%arg13 : memref<80x64xi32, #tpu.memory_space<vmem>>) target_semaphore(%run_scoped3A : memref<!tpu.dma_semaphore, #tpu.memory_space<semaphore_mem>>)
      %dma_wait3A_60 = arith.constant 0 : i32
      %dma_wait3A_61 = arith.constant 0 : i32
      %dma_wait3A_62 = tpu.memref_slice %arg6[%add3A, %dma_wait3A_60, %dma_wait3A_61] : memref<32x80x64xi32, #tpu.memory_space<hbm>> -> memref<1x80x64xi32, #tpu.memory_space<hbm>>
      %dma_wait3A_63 = tpu.memref_squeeze %dma_wait3A_62 : memref<1x80x64xi32, #tpu.memory_space<hbm>> -> memref<80x64xi32, #tpu.memory_space<hbm>>
      %dma_wait3A_64 = arith.constant 0 : i32
      %dma_wait3A_65 = arith.constant 0 : i32
      %dma_wait3A_66 = tpu.memref_slice %arg6[%add3A, %dma_wait3A_64, %dma_wait3A_65] : memref<32x80x64xi32, #tpu.memory_space<hbm>> -> memref<1x80x64xi32, #tpu.memory_space<hbm>>
      %dma_wait3A_67 = tpu.memref_squeeze %dma_wait3A_66 : memref<1x80x64xi32, #tpu.memory_space<hbm>> -> memref<80x64xi32, #tpu.memory_space<hbm>>
      tpu.wait_dma2 semaphore(%run_scoped3A : memref<!tpu.dma_semaphore, #tpu.memory_space<semaphore_mem>>) src(%dma_wait3A_67 : memref<80x64xi32, #tpu.memory_space<hbm>>) dst(%arg13 : memref<80x64xi32, #tpu.memory_space<vmem>>)
      tpu.yield
    }) : () -> ()
    %mul3A_1 = arith.constant 640 : i32
    %mul3A_2 = arith.muli %arg1, %mul3A_1 : i32
    "tpu.region"() ({
      %run_scoped3A = tpu.sem_alloc : memref<!tpu.dma_semaphore, #tpu.memory_space<semaphore_mem>>
      %dma_start3A_52 = arith.constant 0 : i32
      %dma_start3A_53 = tpu.memref_slice %arg19[%mul3A_2, %dma_start3A_52] : memref<10240x128xf32, #tpu.memory_space<vmem_shared>> -> memref<640x128xf32, #tpu.memory_space<vmem_shared>>
      tpu.enqueue_dma source(%arg8 : memref<640x128xf32, #tpu.memory_space<hbm>>) target(%dma_start3A_53 : memref<640x128xf32, #tpu.memory_space<vmem_shared>>) target_semaphore(%run_scoped3A : memref<!tpu.dma_semaphore, #tpu.memory_space<semaphore_mem>>)
      %dma_wait3A_54 = arith.constant 0 : i32
      %dma_wait3A_55 = tpu.memref_slice %arg19[%mul3A_2, %dma_wait3A_54] : memref<10240x128xf32, #tpu.memory_space<vmem_shared>> -> memref<640x128xf32, #tpu.memory_space<vmem_shared>>
      tpu.wait_dma2 semaphore(%run_scoped3A : memref<!tpu.dma_semaphore, #tpu.memory_space<semaphore_mem>>) src(%arg8 : memref<640x128xf32, #tpu.memory_space<hbm>>) dst(%dma_wait3A_55 : memref<640x128xf32, #tpu.memory_space<vmem_shared>>)
      tpu.yield
    }) : () -> ()
    %scan3A = arith.constant 0 : i32
    %scan3A_3 = arith.constant 0 : i32
    %scan3A_4 = arith.constant 640 : i32
    %scan3A_5 = arith.addi %scan3A_3, %scan3A_4 : i32
    %scan3A_6 = arith.constant 8 : i32
    scf.for %scan3A_52 = %scan3A_3 to %scan3A_5 step %scan3A_6  : i32 {
      %broadcast_in_dim3A = arith.constant 0.000000e+00 : f32
      %broadcast_in_dim3A_53 = vector.broadcast %broadcast_in_dim3A : f32 to vector<16xf32>
      %mul3A_54 = arith.constant 16 : i32
      %mul3A_55 = arith.muli %scan3A_52, %mul3A_54 : i32
      %swap3A = arith.index_cast %mul3A_55 : i32 to index
      %swap3A_56 = tpu.vector_load %arg18[%swap3A] {strides = array<i32>} : memref<10240xf32, #tpu.memory_space<vmem>>, vector<16xf32>,
      tpu.vector_store %arg18[%swap3A], %broadcast_in_dim3A_53 {strides = array<i32>} : memref<10240xf32, #tpu.memory_space<vmem>>, vector<16xf32>,
      %scan3A_57 = arith.constant 1 : i32
      %scan3A_58 = arith.addi %scan3A_52, %scan3A_57 : i32
      %broadcast_in_dim3A_59 = arith.constant 0.000000e+00 : f32
      %broadcast_in_dim3A_60 = vector.broadcast %broadcast_in_dim3A_59 : f32 to vector<16xf32>
      %mul3A_61 = arith.constant 16 : i32
      %mul3A_62 = arith.muli %scan3A_58, %mul3A_61 : i32
      %swap3A_63 = arith.index_cast %mul3A_62 : i32 to index
      %swap3A_64 = tpu.vector_load %arg18[%swap3A_63] {strides = array<i32>} : memref<10240xf32, #tpu.memory_space<vmem>>, vector<16xf32>,
      tpu.vector_store %arg18[%swap3A_63], %broadcast_in_dim3A_60 {strides = array<i32>} : memref<10240xf32, #tpu.memory_space<vmem>>, vector<16xf32>,
      %scan3A_65 = arith.constant 2 : i32
      %scan3A_66 = arith.addi %scan3A_52, %scan3A_65 : i32
      %broadcast_in_dim3A_67 = arith.constant 0.000000e+00 : f32
      %broadcast_in_dim3A_68 = vector.broadcast %broadcast_in_dim3A_67 : f32 to vector<16xf32>
      %mul3A_69 = arith.constant 16 : i32
      %mul3A_70 = arith.muli %scan3A_66, %mul3A_69 : i32
      %swap3A_71 = arith.index_cast %mul3A_70 : i32 to index
      %swap3A_72 = tpu.vector_load %arg18[%swap3A_71] {strides = array<i32>} : memref<10240xf32, #tpu.memory_space<vmem>>, vector<16xf32>,
      tpu.vector_store %arg18[%swap3A_71], %broadcast_in_dim3A_68 {strides = array<i32>} : memref<10240xf32, #tpu.memory_space<vmem>>, vector<16xf32>,
      %scan3A_73 = arith.constant 3 : i32
      %scan3A_74 = arith.addi %scan3A_52, %scan3A_73 : i32
      %broadcast_in_dim3A_75 = arith.constant 0.000000e+00 : f32
      %broadcast_in_dim3A_76 = vector.broadcast %broadcast_in_dim3A_75 : f32 to vector<16xf32>
      %mul3A_77 = arith.constant 16 : i32
      %mul3A_78 = arith.muli %scan3A_74, %mul3A_77 : i32
      %swap3A_79 = arith.index_cast %mul3A_78 : i32 to index
      %swap3A_80 = tpu.vector_load %arg18[%swap3A_79] {strides = array<i32>} : memref<10240xf32, #tpu.memory_space<vmem>>, vector<16xf32>,
      tpu.vector_store %arg18[%swap3A_79], %broadcast_in_dim3A_76 {strides = array<i32>} : memref<10240xf32, #tpu.memory_space<vmem>>, vector<16xf32>,
      %scan3A_81 = arith.constant 4 : i32
      %scan3A_82 = arith.addi %scan3A_52, %scan3A_81 : i32
      %broadcast_in_dim3A_83 = arith.constant 0.000000e+00 : f32
      %broadcast_in_dim3A_84 = vector.broadcast %broadcast_in_dim3A_83 : f32 to vector<16xf32>
      %mul3A_85 = arith.constant 16 : i32
      %mul3A_86 = arith.muli %scan3A_82, %mul3A_85 : i32
      %swap3A_87 = arith.index_cast %mul3A_86 : i32 to index
      %swap3A_88 = tpu.vector_load %arg18[%swap3A_87] {strides = array<i32>} : memref<10240xf32, #tpu.memory_space<vmem>>, vector<16xf32>,
      tpu.vector_store %arg18[%swap3A_87], %broadcast_in_dim3A_84 {strides = array<i32>} : memref<10240xf32, #tpu.memory_space<vmem>>, vector<16xf32>,
      %scan3A_89 = arith.constant 5 : i32
      %scan3A_90 = arith.addi %scan3A_52, %scan3A_89 : i32
      %broadcast_in_dim3A_91 = arith.constant 0.000000e+00 : f32
      %broadcast_in_dim3A_92 = vector.broadcast %broadcast_in_dim3A_91 : f32 to vector<16xf32>
      %mul3A_93 = arith.constant 16 : i32
      %mul3A_94 = arith.muli %scan3A_90, %mul3A_93 : i32
      %swap3A_95 = arith.index_cast %mul3A_94 : i32 to index
      %swap3A_96 = tpu.vector_load %arg18[%swap3A_95] {strides = array<i32>} : memref<10240xf32, #tpu.memory_space<vmem>>, vector<16xf32>,
      tpu.vector_store %arg18[%swap3A_95], %broadcast_in_dim3A_92 {strides = array<i32>} : memref<10240xf32, #tpu.memory_space<vmem>>, vector<16xf32>,
      %scan3A_97 = arith.constant 6 : i32
      %scan3A_98 = arith.addi %scan3A_52, %scan3A_97 : i32
      %broadcast_in_dim3A_99 = arith.constant 0.000000e+00 : f32
      %broadcast_in_dim3A_100 = vector.broadcast %broadcast_in_dim3A_99 : f32 to vector<16xf32>
      %mul3A_101 = arith.constant 16 : i32
      %mul3A_102 = arith.muli %scan3A_98, %mul3A_101 : i32
      %swap3A_103 = arith.index_cast %mul3A_102 : i32 to index
      %swap3A_104 = tpu.vector_load %arg18[%swap3A_103] {strides = array<i32>} : memref<10240xf32, #tpu.memory_space<vmem>>, vector<16xf32>,
      tpu.vector_store %arg18[%swap3A_103], %broadcast_in_dim3A_100 {strides = array<i32>} : memref<10240xf32, #tpu.memory_space<vmem>>, vector<16xf32>,
      %scan3A_105 = arith.constant 7 : i32
      %scan3A_106 = arith.addi %scan3A_52, %scan3A_105 : i32
      %broadcast_in_dim3A_107 = arith.constant 0.000000e+00 : f32
      %broadcast_in_dim3A_108 = vector.broadcast %broadcast_in_dim3A_107 : f32 to vector<16xf32>
      %mul3A_109 = arith.constant 16 : i32
      %mul3A_110 = arith.muli %scan3A_106, %mul3A_109 : i32
      %swap3A_111 = arith.index_cast %mul3A_110 : i32 to index
      %swap3A_112 = tpu.vector_load %arg18[%swap3A_111] {strides = array<i32>} : memref<10240xf32, #tpu.memory_space<vmem>>, vector<16xf32>,
      tpu.vector_store %arg18[%swap3A_111], %broadcast_in_dim3A_108 {strides = array<i32>} : memref<10240xf32, #tpu.memory_space<vmem>>, vector<16xf32>,
    }
    %scan3A_7 = arith.constant 640 : i32
    %barrier3A = arith.constant 0 : index
    tpu.barrier barrier_id(%barrier3A)
    %get3A = arith.constant 0 : index
    %get3A_8 = tpu.vector_load %arg11[%get3A] {strides = array<i32>} : memref<16xf32, #tpu.memory_space<vmem>>, vector<16xf32>,
    %dma_start3A = arith.constant 0 : i32
    %dma_start3A_9 = arith.constant 0 : i32
    %dma_start3A_10 = arith.constant 0 : i32
    %dma_start3A_11 = tpu.memref_slice %arg17[%dma_start3A_9, %dma_start3A_10] : memref<128x128xf32, #tpu.memory_space<vmem>> -> memref<64x128xf32, #tpu.memory_space<vmem>>
    %dma_start3A_12 = arith.constant 0 : i32
    %dma_start3A_13 = tpu.memref_slice %arg12[%dma_start3A, %dma_start3A_12] : memref<80x64xi32, #tpu.memory_space<vmem>> -> memref<1x64xi32, #tpu.memory_space<vmem>>
    %dma_start3A_14 = tpu.memref_squeeze %dma_start3A_13 : memref<1x64xi32, #tpu.memory_space<vmem>> -> memref<64xi32, #tpu.memory_space<vmem>>
    %dma_start3A_15 = arith.constant 0 : i32
    %dma_start3A_16 = arith.constant 0 : i32
    %dma_start3A_17 = tpu.memref_slice %arg7[%dma_start3A_15, %dma_start3A_16] : memref<10240x128xf32, #tpu.memory_space<hbm>> -> memref<10240x128xf32, #tpu.memory_space<hbm>>
    tpu.enqueue_indirect_dma source(%dma_start3A_17 : memref<10240x128xf32, #tpu.memory_space<hbm>>) target(%dma_start3A_11 : memref<64x128xf32, #tpu.memory_space<vmem>>) offsets(%dma_start3A_14 : memref<64xi32, #tpu.memory_space<vmem>>) semaphore(%arg20 : memref<!tpu.dma_semaphore, #tpu.memory_space<semaphore_mem>>)
    %dma_start3A_18 = arith.constant 0 : i32
    %dma_start3A_19 = arith.constant 0 : i32
    %dma_start3A_20 = tpu.memref_slice %arg15[%dma_start3A_19] : memref<128xf32, #tpu.memory_space<vmem>> -> memref<64xf32, #tpu.memory_space<vmem>>
    %dma_start3A_21 = arith.constant 0 : i32
    %dma_start3A_22 = tpu.memref_slice %arg12[%dma_start3A_18, %dma_start3A_21] : memref<80x64xi32, #tpu.memory_space<vmem>> -> memref<1x64xi32, #tpu.memory_space<vmem>>
    %dma_start3A_23 = tpu.memref_squeeze %dma_start3A_22 : memref<1x64xi32, #tpu.memory_space<vmem>> -> memref<64xi32, #tpu.memory_space<vmem>>
    %dma_start3A_24 = arith.constant 0 : i32
    %dma_start3A_25 = tpu.memref_slice %arg2[%dma_start3A_24] : memref<10240xf32, #tpu.memory_space<hbm>> -> memref<10240xf32, #tpu.memory_space<hbm>>
    tpu.enqueue_indirect_dma source(%dma_start3A_25 : memref<10240xf32, #tpu.memory_space<hbm>>) target(%dma_start3A_20 : memref<64xf32, #tpu.memory_space<vmem>>) offsets(%dma_start3A_23 : memref<64xi32, #tpu.memory_space<vmem>>) semaphore(%arg20 : memref<!tpu.dma_semaphore, #tpu.memory_space<semaphore_mem>>)
    %dma_start3A_26 = arith.constant 0 : i32
    %dma_start3A_27 = arith.constant 0 : i32
    %dma_start3A_28 = tpu.memref_slice %arg16[%dma_start3A_27] : memref<128xf32, #tpu.memory_space<vmem>> -> memref<64xf32, #tpu.memory_space<vmem>>
    %dma_start3A_29 = arith.constant 0 : i32
    %dma_start3A_30 = tpu.memref_slice %arg13[%dma_start3A_26, %dma_start3A_29] : memref<80x64xi32, #tpu.memory_space<vmem>> -> memref<1x64xi32, #tpu.memory_space<vmem>>
    %dma_start3A_31 = tpu.memref_squeeze %dma_start3A_30 : memref<1x64xi32, #tpu.memory_space<vmem>> -> memref<64xi32, #tpu.memory_space<vmem>>
    %dma_start3A_32 = arith.constant 0 : i32
    %dma_start3A_33 = tpu.memref_slice %arg3[%dma_start3A_32] : memref<10240xf32, #tpu.memory_space<hbm>> -> memref<10240xf32, #tpu.memory_space<hbm>>
    tpu.enqueue_indirect_dma source(%dma_start3A_33 : memref<10240xf32, #tpu.memory_space<hbm>>) target(%dma_start3A_28 : memref<64xf32, #tpu.memory_space<vmem>>) offsets(%dma_start3A_31 : memref<64xi32, #tpu.memory_space<vmem>>) semaphore(%arg20 : memref<!tpu.dma_semaphore, #tpu.memory_space<semaphore_mem>>)
    %scan3A_34 = arith.constant 0 : i32
    %scan3A_35 = arith.constant 0 : i32
    %scan3A_36 = arith.constant 80 : i32
    %scan3A_37 = arith.addi %scan3A_35, %scan3A_36 : i32
    %scan3A_38 = arith.constant 1 : i32
    scf.for %scan3A_52 = %scan3A_35 to %scan3A_37 step %scan3A_38  : i32 {
      %jit3A = arith.constant 2 : i32
      %eq3A = arith.constant 0 : i32
      %eq3A_53 = arith.cmpi eq, %jit3A, %eq3A : i32
      %jit3A_54 = arith.constant 1 : i32
      %select_n3A = arith.select %eq3A_53, %jit3A_54, %jit3A : i32
      %rem3A = arith.remsi %scan3A_52, %select_n3A : i32
      %ne3A = arith.constant 0 : i32
      %ne3A_55 = arith.cmpi ne, %rem3A, %ne3A : i32
      %lt3A = arith.constant 0 : i32
      %lt3A_56 = arith.cmpi slt, %rem3A, %lt3A : i32
      %lt3A_57 = arith.constant 0 : i32
      %lt3A_58 = arith.cmpi slt, %select_n3A, %lt3A_57 : i32
      %ne3A_59 = arith.xori %lt3A_56, %lt3A_58 : i1
      %and3A = arith.andi %ne3A_59, %ne3A_55 : i1
      %add3A_60 = arith.addi %rem3A, %select_n3A : i32
      %select_n3A_61 = arith.select %and3A, %add3A_60, %rem3A : i32
      %mul3A_62 = arith.constant 64 : i32
      %mul3A_63 = arith.muli %select_n3A_61, %mul3A_62 : i32
      %sub3A = arith.constant 64 : i32
      %sub3A_64 = arith.subi %sub3A, %mul3A_63 : i32
      %dma_wait3A_65 = arith.constant 0 : i32
      %dma_wait3A_66 = tpu.memref_slice %arg17[%mul3A_63, %dma_wait3A_65] : memref<128x128xf32, #tpu.memory_space<vmem>> -> memref<64x128xf32, #tpu.memory_space<vmem>>
      %dma_wait3A_67 = arith.constant 0 : i32
      %dma_wait3A_68 = tpu.memref_slice %arg12[%scan3A_52, %dma_wait3A_67] : memref<80x64xi32, #tpu.memory_space<vmem>> -> memref<1x64xi32, #tpu.memory_space<vmem>>
      %dma_wait3A_69 = tpu.memref_squeeze %dma_wait3A_68 : memref<1x64xi32, #tpu.memory_space<vmem>> -> memref<64xi32, #tpu.memory_space<vmem>>
      %dma_wait3A_70 = arith.constant 0 : i32
      %dma_wait3A_71 = arith.constant 0 : i32
      %dma_wait3A_72 = tpu.memref_slice %arg7[%dma_wait3A_70, %dma_wait3A_71] : memref<10240x128xf32, #tpu.memory_space<hbm>> -> memref<10240x128xf32, #tpu.memory_space<hbm>>
      tpu.wait_indirect_dma semaphore(%arg20 : memref<!tpu.dma_semaphore, #tpu.memory_space<semaphore_mem>>) src(%dma_wait3A_72 : memref<10240x128xf32, #tpu.memory_space<hbm>>) dst(%dma_wait3A_66 : memref<64x128xf32, #tpu.memory_space<vmem>>)
      %dma_wait3A_73 = tpu.memref_slice %arg15[%mul3A_63] : memref<128xf32, #tpu.memory_space<vmem>> -> memref<64xf32, #tpu.memory_space<vmem>>
      %dma_wait3A_74 = arith.constant 0 : i32
      %dma_wait3A_75 = tpu.memref_slice %arg12[%scan3A_52, %dma_wait3A_74] : memref<80x64xi32, #tpu.memory_space<vmem>> -> memref<1x64xi32, #tpu.memory_space<vmem>>
      %dma_wait3A_76 = tpu.memref_squeeze %dma_wait3A_75 : memref<1x64xi32, #tpu.memory_space<vmem>> -> memref<64xi32, #tpu.memory_space<vmem>>
      %dma_wait3A_77 = arith.constant 0 : i32
      %dma_wait3A_78 = tpu.memref_slice %arg2[%dma_wait3A_77] : memref<10240xf32, #tpu.memory_space<hbm>> -> memref<10240xf32, #tpu.memory_space<hbm>>
      tpu.wait_indirect_dma semaphore(%arg20 : memref<!tpu.dma_semaphore, #tpu.memory_space<semaphore_mem>>) src(%dma_wait3A_78 : memref<10240xf32, #tpu.memory_space<hbm>>) dst(%dma_wait3A_73 : memref<64xf32, #tpu.memory_space<vmem>>)
      %dma_wait3A_79 = tpu.memref_slice %arg16[%mul3A_63] : memref<128xf32, #tpu.memory_space<vmem>> -> memref<64xf32, #tpu.memory_space<vmem>>
      %dma_wait3A_80 = arith.constant 0 : i32
      %dma_wait3A_81 = tpu.memref_slice %arg13[%scan3A_52, %dma_wait3A_80] : memref<80x64xi32, #tpu.memory_space<vmem>> -> memref<1x64xi32, #tpu.memory_space<vmem>>
      %dma_wait3A_82 = tpu.memref_squeeze %dma_wait3A_81 : memref<1x64xi32, #tpu.memory_space<vmem>> -> memref<64xi32, #tpu.memory_space<vmem>>
      %dma_wait3A_83 = arith.constant 0 : i32
      %dma_wait3A_84 = tpu.memref_slice %arg3[%dma_wait3A_83] : memref<10240xf32, #tpu.memory_space<hbm>> -> memref<10240xf32, #tpu.memory_space<hbm>>
      tpu.wait_indirect_dma semaphore(%arg20 : memref<!tpu.dma_semaphore, #tpu.memory_space<semaphore_mem>>) src(%dma_wait3A_84 : memref<10240xf32, #tpu.memory_space<hbm>>) dst(%dma_wait3A_79 : memref<64xf32, #tpu.memory_space<vmem>>)
      %ge3A = arith.constant 1 : i32
      %ge3A_85 = arith.cmpi sge, %scan3A_52, %ge3A : i32
      %convert_element_type3A = arith.extui %ge3A_85 : i1 to i32
      %cond3A = arith.constant 0 : i32
      %cond3A_86 = arith.cmpi ne, %convert_element_type3A, %cond3A : i32
      scf.if %cond3A_86 {
        %dma_wait3A_230 = arith.constant 0 : i32
        %dma_wait3A_231 = tpu.memref_slice %arg17[%sub3A_64, %dma_wait3A_230] : memref<128x128xf32, #tpu.memory_space<vmem>> -> memref<64x128xf32, #tpu.memory_space<vmem>>
        %dma_wait3A_232 = arith.constant 0 : i32
        %dma_wait3A_233 = arith.constant 0 : i32
        %dma_wait3A_234 = tpu.memref_slice %arg7[%dma_wait3A_232, %dma_wait3A_233] : memref<10240x128xf32, #tpu.memory_space<hbm>> -> memref<64x128xf32, #tpu.memory_space<hbm>>
        %dma_wait3A_235 = arith.constant 0 : i32
        %dma_wait3A_236 = tpu.memref_slice %arg17[%sub3A_64, %dma_wait3A_235] : memref<128x128xf32, #tpu.memory_space<vmem>> -> memref<64x128xf32, #tpu.memory_space<vmem>>
        %dma_wait3A_237 = arith.constant 0 : i32
        %dma_wait3A_238 = arith.constant 0 : i32
        %dma_wait3A_239 = tpu.memref_slice %arg7[%dma_wait3A_237, %dma_wait3A_238] : memref<10240x128xf32, #tpu.memory_space<hbm>> -> memref<64x128xf32, #tpu.memory_space<hbm>>
        tpu.wait_dma2 semaphore(%arg21 : memref<!tpu.dma_semaphore, #tpu.memory_space<semaphore_mem>>) src(%dma_wait3A_239 : memref<64x128xf32, #tpu.memory_space<hbm>>) dst(%dma_wait3A_236 : memref<64x128xf32, #tpu.memory_space<vmem>>)
      } else {
      }
      %add3A_87 = arith.constant 1 : i32
      %add3A_88 = arith.addi %scan3A_52, %add3A_87 : i32
      %lt3A_89 = arith.constant 80 : i32
      %lt3A_90 = arith.cmpi slt, %add3A_88, %lt3A_89 : i32
      %convert_element_type3A_91 = arith.extui %lt3A_90 : i1 to i32
      %cond3A_92 = arith.constant 0 : i32
      %cond3A_93 = arith.cmpi ne, %convert_element_type3A_91, %cond3A_92 : i32
      scf.if %cond3A_93 {
        %add3A_230 = arith.constant 1 : i32
        %add3A_231 = arith.addi %scan3A_52, %add3A_230 : i32
        %dma_start3A_232 = arith.constant 0 : i32
        %dma_start3A_233 = tpu.memref_slice %arg17[%sub3A_64, %dma_start3A_232] : memref<128x128xf32, #tpu.memory_space<vmem>> -> memref<64x128xf32, #tpu.memory_space<vmem>>
        %dma_start3A_234 = arith.constant 0 : i32
        %dma_start3A_235 = tpu.memref_slice %arg12[%add3A_231, %dma_start3A_234] : memref<80x64xi32, #tpu.memory_space<vmem>> -> memref<1x64xi32, #tpu.memory_space<vmem>>
        %dma_start3A_236 = tpu.memref_squeeze %dma_start3A_235 : memref<1x64xi32, #tpu.memory_space<vmem>> -> memref<64xi32, #tpu.memory_space<vmem>>
        %dma_start3A_237 = arith.constant 0 : i32
        %dma_start3A_238 = arith.constant 0 : i32
        %dma_start3A_239 = tpu.memref_slice %arg7[%dma_start3A_237, %dma_start3A_238] : memref<10240x128xf32, #tpu.memory_space<hbm>> -> memref<10240x128xf32, #tpu.memory_space<hbm>>
        tpu.enqueue_indirect_dma source(%dma_start3A_239 : memref<10240x128xf32, #tpu.memory_space<hbm>>) target(%dma_start3A_233 : memref<64x128xf32, #tpu.memory_space<vmem>>) offsets(%dma_start3A_236 : memref<64xi32, #tpu.memory_space<vmem>>) semaphore(%arg20 : memref<!tpu.dma_semaphore, #tpu.memory_space<semaphore_mem>>)
        %dma_start3A_240 = tpu.memref_slice %arg15[%sub3A_64] : memref<128xf32, #tpu.memory_space<vmem>> -> memref<64xf32, #tpu.memory_space<vmem>>
        %dma_start3A_241 = arith.constant 0 : i32
        %dma_start3A_242 = tpu.memref_slice %arg12[%add3A_231, %dma_start3A_241] : memref<80x64xi32, #tpu.memory_space<vmem>> -> memref<1x64xi32, #tpu.memory_space<vmem>>
        %dma_start3A_243 = tpu.memref_squeeze %dma_start3A_242 : memref<1x64xi32, #tpu.memory_space<vmem>> -> memref<64xi32, #tpu.memory_space<vmem>>
        %dma_start3A_244 = arith.constant 0 : i32
        %dma_start3A_245 = tpu.memref_slice %arg2[%dma_start3A_244] : memref<10240xf32, #tpu.memory_space<hbm>> -> memref<10240xf32, #tpu.memory_space<hbm>>
        tpu.enqueue_indirect_dma source(%dma_start3A_245 : memref<10240xf32, #tpu.memory_space<hbm>>) target(%dma_start3A_240 : memref<64xf32, #tpu.memory_space<vmem>>) offsets(%dma_start3A_243 : memref<64xi32, #tpu.memory_space<vmem>>) semaphore(%arg20 : memref<!tpu.dma_semaphore, #tpu.memory_space<semaphore_mem>>)
        %dma_start3A_246 = tpu.memref_slice %arg16[%sub3A_64] : memref<128xf32, #tpu.memory_space<vmem>> -> memref<64xf32, #tpu.memory_space<vmem>>
        %dma_start3A_247 = arith.constant 0 : i32
        %dma_start3A_248 = tpu.memref_slice %arg13[%add3A_231, %dma_start3A_247] : memref<80x64xi32, #tpu.memory_space<vmem>> -> memref<1x64xi32, #tpu.memory_space<vmem>>
        %dma_start3A_249 = tpu.memref_squeeze %dma_start3A_248 : memref<1x64xi32, #tpu.memory_space<vmem>> -> memref<64xi32, #tpu.memory_space<vmem>>
        %dma_start3A_250 = arith.constant 0 : i32
        %dma_start3A_251 = tpu.memref_slice %arg3[%dma_start3A_250] : memref<10240xf32, #tpu.memory_space<hbm>> -> memref<10240xf32, #tpu.memory_space<hbm>>
        tpu.enqueue_indirect_dma source(%dma_start3A_251 : memref<10240xf32, #tpu.memory_space<hbm>>) target(%dma_start3A_246 : memref<64xf32, #tpu.memory_space<vmem>>) offsets(%dma_start3A_249 : memref<64xi32, #tpu.memory_space<vmem>>) semaphore(%arg20 : memref<!tpu.dma_semaphore, #tpu.memory_space<semaphore_mem>>)
      } else {
      }
      %add3A_94 = arith.constant 0 : i32
      %add3A_95 = arith.addi %mul3A_63, %add3A_94 : i32
      %get3A_96 = arith.index_cast %scan3A_52 : i32 to index
      %get3A_97 = arith.constant 0 : index
      %get3A_98 = tpu.vector_load %arg13[%get3A_96, %get3A_97] {strides = array<i32>} : memref<80x64xi32, #tpu.memory_space<vmem>>, vector<16xi32>,
      %get3A_99 = arith.index_cast %add3A_95 : i32 to index
      %get3A_100 = tpu.vector_load %arg15[%get3A_99] {strides = array<i32>} : memref<128xf32, #tpu.memory_space<vmem>>, vector<16xf32>,
      %get3A_101 = arith.index_cast %add3A_95 : i32 to index
      %get3A_102 = tpu.vector_load %arg16[%get3A_101] {strides = array<i32>} : memref<128xf32, #tpu.memory_space<vmem>>, vector<16xf32>,
      %add3A_103 = arith.addf %get3A_100, %get3A_102 : vector<16xf32>
      %ge3A_104 = arith.constant 0.000000e+00 : f32
      %ge3A_105 = vector.broadcast %ge3A_104 : f32 to vector<16xf32>
      %ge3A_106 = arith.cmpf oge, %add3A_103, %ge3A_105 : vector<16xf32>
      %mul3A_107 = arith.constant 2.000000e-01 : f32
      %mul3A_108 = vector.broadcast %mul3A_107 : f32 to vector<16xf32>
      %mul3A_109 = arith.mulf %mul3A_108, %add3A_103 : vector<16xf32>
      %select_n3A_110 = arith.select %ge3A_106, %add3A_103, %mul3A_109 : vector<16xi1>, vector<16xf32>
      %get3A_111 = arith.index_cast %add3A_95 : i32 to index
      %get3A_112 = tpu.vector_load %arg16[%get3A_111] {strides = array<i32>} : memref<128xf32, #tpu.memory_space<vmem>>, vector<16xf32>,
      %add3A_113 = arith.addf %get3A_8, %get3A_112 : vector<16xf32>
      %ge3A_114 = arith.constant 0.000000e+00 : f32
      %ge3A_115 = vector.broadcast %ge3A_114 : f32 to vector<16xf32>
      %ge3A_116 = arith.cmpf oge, %add3A_113, %ge3A_115 : vector<16xf32>
      %mul3A_117 = arith.constant 2.000000e-01 : f32
      %mul3A_118 = vector.broadcast %mul3A_117 : f32 to vector<16xf32>
      %mul3A_119 = arith.mulf %mul3A_118, %add3A_113 : vector<16xf32>
      %select_n3A_120 = arith.select %ge3A_116, %add3A_113, %mul3A_119 : vector<16xi1>, vector<16xf32>
      %sub3A_121 = arith.subf %select_n3A_110, %select_n3A_120 : vector<16xf32>
      %exp3A = math.exp %sub3A_121 : vector<16xf32>
      %swap3A = arith.index_cast %add3A_95 : i32 to index
      %swap3A_122 = tpu.vector_load %arg14[%swap3A] {strides = array<i32>} : memref<128xf32, #tpu.memory_space<vmem>>, vector<16xf32>,
      tpu.vector_store %arg14[%swap3A], %exp3A {strides = array<i32>} : memref<128xf32, #tpu.memory_space<vmem>>, vector<16xf32>,
      tpu.vector_store_idx %arg18[%get3A_98], %exp3A {add = true} : memref<10240xf32, #tpu.memory_space<vmem>>[vector<16xi32>], vector<16xf32>,
      %add3A_123 = arith.constant 16 : i32
      %add3A_124 = arith.addi %mul3A_63, %add3A_123 : i32
      %get3A_125 = arith.index_cast %scan3A_52 : i32 to index
      %get3A_126 = arith.constant 16 : index
      %get3A_127 = tpu.vector_load %arg13[%get3A_125, %get3A_126] {strides = array<i32>} : memref<80x64xi32, #tpu.memory_space<vmem>>, vector<16xi32>,
      %get3A_128 = arith.index_cast %add3A_124 : i32 to index
      %get3A_129 = tpu.vector_load %arg15[%get3A_128] {strides = array<i32>} : memref<128xf32, #tpu.memory_space<vmem>>, vector<16xf32>,
      %get3A_130 = arith.index_cast %add3A_124 : i32 to index
      %get3A_131 = tpu.vector_load %arg16[%get3A_130] {strides = array<i32>} : memref<128xf32, #tpu.memory_space<vmem>>, vector<16xf32>,
      %add3A_132 = arith.addf %get3A_129, %get3A_131 : vector<16xf32>
      %ge3A_133 = arith.constant 0.000000e+00 : f32
      %ge3A_134 = vector.broadcast %ge3A_133 : f32 to vector<16xf32>
      %ge3A_135 = arith.cmpf oge, %add3A_132, %ge3A_134 : vector<16xf32>
      %mul3A_136 = arith.constant 2.000000e-01 : f32
      %mul3A_137 = vector.broadcast %mul3A_136 : f32 to vector<16xf32>
      %mul3A_138 = arith.mulf %mul3A_137, %add3A_132 : vector<16xf32>
      %select_n3A_139 = arith.select %ge3A_135, %add3A_132, %mul3A_138 : vector<16xi1>, vector<16xf32>
      %get3A_140 = arith.index_cast %add3A_124 : i32 to index
      %get3A_141 = tpu.vector_load %arg16[%get3A_140] {strides = array<i32>} : memref<128xf32, #tpu.memory_space<vmem>>, vector<16xf32>,
      %add3A_142 = arith.addf %get3A_8, %get3A_141 : vector<16xf32>
      %ge3A_143 = arith.constant 0.000000e+00 : f32
      %ge3A_144 = vector.broadcast %ge3A_143 : f32 to vector<16xf32>
      %ge3A_145 = arith.cmpf oge, %add3A_142, %ge3A_144 : vector<16xf32>
      %mul3A_146 = arith.constant 2.000000e-01 : f32
      %mul3A_147 = vector.broadcast %mul3A_146 : f32 to vector<16xf32>
      %mul3A_148 = arith.mulf %mul3A_147, %add3A_142 : vector<16xf32>
      %select_n3A_149 = arith.select %ge3A_145, %add3A_142, %mul3A_148 : vector<16xi1>, vector<16xf32>
      %sub3A_150 = arith.subf %select_n3A_139, %select_n3A_149 : vector<16xf32>
      %exp3A_151 = math.exp %sub3A_150 : vector<16xf32>
      %swap3A_152 = arith.index_cast %add3A_124 : i32 to index
      %swap3A_153 = tpu.vector_load %arg14[%swap3A_152] {strides = array<i32>} : memref<128xf32, #tpu.memory_space<vmem>>, vector<16xf32>,
      tpu.vector_store %arg14[%swap3A_152], %exp3A_151 {strides = array<i32>} : memref<128xf32, #tpu.memory_space<vmem>>, vector<16xf32>,
      tpu.vector_store_idx %arg18[%get3A_127], %exp3A_151 {add = true} : memref<10240xf32, #tpu.memory_space<vmem>>[vector<16xi32>], vector<16xf32>,
      %add3A_154 = arith.constant 32 : i32
      %add3A_155 = arith.addi %mul3A_63, %add3A_154 : i32
      %get3A_156 = arith.index_cast %scan3A_52 : i32 to index
      %get3A_157 = arith.constant 32 : index
      %get3A_158 = tpu.vector_load %arg13[%get3A_156, %get3A_157] {strides = array<i32>} : memref<80x64xi32, #tpu.memory_space<vmem>>, vector<16xi32>,
      %get3A_159 = arith.index_cast %add3A_155 : i32 to index
      %get3A_160 = tpu.vector_load %arg15[%get3A_159] {strides = array<i32>} : memref<128xf32, #tpu.memory_space<vmem>>, vector<16xf32>,
      %get3A_161 = arith.index_cast %add3A_155 : i32 to index
      %get3A_162 = tpu.vector_load %arg16[%get3A_161] {strides = array<i32>} : memref<128xf32, #tpu.memory_space<vmem>>, vector<16xf32>,
      %add3A_163 = arith.addf %get3A_160, %get3A_162 : vector<16xf32>
      %ge3A_164 = arith.constant 0.000000e+00 : f32
      %ge3A_165 = vector.broadcast %ge3A_164 : f32 to vector<16xf32>
      %ge3A_166 = arith.cmpf oge, %add3A_163, %ge3A_165 : vector<16xf32>
      %mul3A_167 = arith.constant 2.000000e-01 : f32
      %mul3A_168 = vector.broadcast %mul3A_167 : f32 to vector<16xf32>
      %mul3A_169 = arith.mulf %mul3A_168, %add3A_163 : vector<16xf32>
      %select_n3A_170 = arith.select %ge3A_166, %add3A_163, %mul3A_169 : vector<16xi1>, vector<16xf32>
      %get3A_171 = arith.index_cast %add3A_155 : i32 to index
      %get3A_172 = tpu.vector_load %arg16[%get3A_171] {strides = array<i32>} : memref<128xf32, #tpu.memory_space<vmem>>, vector<16xf32>,
      %add3A_173 = arith.addf %get3A_8, %get3A_172 : vector<16xf32>
      %ge3A_174 = arith.constant 0.000000e+00 : f32
      %ge3A_175 = vector.broadcast %ge3A_174 : f32 to vector<16xf32>
      %ge3A_176 = arith.cmpf oge, %add3A_173, %ge3A_175 : vector<16xf32>
      %mul3A_177 = arith.constant 2.000000e-01 : f32
      %mul3A_178 = vector.broadcast %mul3A_177 : f32 to vector<16xf32>
      %mul3A_179 = arith.mulf %mul3A_178, %add3A_173 : vector<16xf32>
      %select_n3A_180 = arith.select %ge3A_176, %add3A_173, %mul3A_179 : vector<16xi1>, vector<16xf32>
      %sub3A_181 = arith.subf %select_n3A_170, %select_n3A_180 : vector<16xf32>
      %exp3A_182 = math.exp %sub3A_181 : vector<16xf32>
      %swap3A_183 = arith.index_cast %add3A_155 : i32 to index
      %swap3A_184 = tpu.vector_load %arg14[%swap3A_183] {strides = array<i32>} : memref<128xf32, #tpu.memory_space<vmem>>, vector<16xf32>,
      tpu.vector_store %arg14[%swap3A_183], %exp3A_182 {strides = array<i32>} : memref<128xf32, #tpu.memory_space<vmem>>, vector<16xf32>,
      tpu.vector_store_idx %arg18[%get3A_158], %exp3A_182 {add = true} : memref<10240xf32, #tpu.memory_space<vmem>>[vector<16xi32>], vector<16xf32>,
      %add3A_185 = arith.constant 48 : i32
      %add3A_186 = arith.addi %mul3A_63, %add3A_185 : i32
      %get3A_187 = arith.index_cast %scan3A_52 : i32 to index
      %get3A_188 = arith.constant 48 : index
      %get3A_189 = tpu.vector_load %arg13[%get3A_187, %get3A_188] {strides = array<i32>} : memref<80x64xi32, #tpu.memory_space<vmem>>, vector<16xi32>,
      %get3A_190 = arith.index_cast %add3A_186 : i32 to index
      %get3A_191 = tpu.vector_load %arg15[%get3A_190] {strides = array<i32>} : memref<128xf32, #tpu.memory_space<vmem>>, vector<16xf32>,
      %get3A_192 = arith.index_cast %add3A_186 : i32 to index
      %get3A_193 = tpu.vector_load %arg16[%get3A_192] {strides = array<i32>} : memref<128xf32, #tpu.memory_space<vmem>>, vector<16xf32>,
      %add3A_194 = arith.addf %get3A_191, %get3A_193 : vector<16xf32>
      %ge3A_195 = arith.constant 0.000000e+00 : f32
      %ge3A_196 = vector.broadcast %ge3A_195 : f32 to vector<16xf32>
      %ge3A_197 = arith.cmpf oge, %add3A_194, %ge3A_196 : vector<16xf32>
      %mul3A_198 = arith.constant 2.000000e-01 : f32
      %mul3A_199 = vector.broadcast %mul3A_198 : f32 to vector<16xf32>
      %mul3A_200 = arith.mulf %mul3A_199, %add3A_194 : vector<16xf32>
      %select_n3A_201 = arith.select %ge3A_197, %add3A_194, %mul3A_200 : vector<16xi1>, vector<16xf32>
      %get3A_202 = arith.index_cast %add3A_186 : i32 to index
      %get3A_203 = tpu.vector_load %arg16[%get3A_202] {strides = array<i32>} : memref<128xf32, #tpu.memory_space<vmem>>, vector<16xf32>,
      %add3A_204 = arith.addf %get3A_8, %get3A_203 : vector<16xf32>
      %ge3A_205 = arith.constant 0.000000e+00 : f32
      %ge3A_206 = vector.broadcast %ge3A_205 : f32 to vector<16xf32>
      %ge3A_207 = arith.cmpf oge, %add3A_204, %ge3A_206 : vector<16xf32>
      %mul3A_208 = arith.constant 2.000000e-01 : f32
      %mul3A_209 = vector.broadcast %mul3A_208 : f32 to vector<16xf32>
      %mul3A_210 = arith.mulf %mul3A_209, %add3A_204 : vector<16xf32>
      %select_n3A_211 = arith.select %ge3A_207, %add3A_204, %mul3A_210 : vector<16xi1>, vector<16xf32>
      %sub3A_212 = arith.subf %select_n3A_201, %select_n3A_211 : vector<16xf32>
      %exp3A_213 = math.exp %sub3A_212 : vector<16xf32>
      %swap3A_214 = arith.index_cast %add3A_186 : i32 to index
      %swap3A_215 = tpu.vector_load %arg14[%swap3A_214] {strides = array<i32>} : memref<128xf32, #tpu.memory_space<vmem>>, vector<16xf32>,
      tpu.vector_store %arg14[%swap3A_214], %exp3A_213 {strides = array<i32>} : memref<128xf32, #tpu.memory_space<vmem>>, vector<16xf32>,
      tpu.vector_store_idx %arg18[%get3A_189], %exp3A_213 {add = true} : memref<10240xf32, #tpu.memory_space<vmem>>[vector<16xi32>], vector<16xf32>,
      %scan3A_216 = arith.constant 0 : i32
      %scan3A_217 = arith.constant 0 : i32
      %scan3A_218 = arith.constant 64 : i32
      %scan3A_219 = arith.addi %scan3A_217, %scan3A_218 : i32
      %scan3A_220 = arith.constant 4 : i32
      scf.for %scan3A_230 = %scan3A_217 to %scan3A_219 step %scan3A_220  : i32 {
        %add3A_231 = arith.addi %mul3A_63, %scan3A_230 : i32
        %broadcast_in_dim3A = vector.broadcast %add3A_231 : i32 to vector<16xi32>
        %gather3A = tpu.vector_load_idx %arg14[%broadcast_in_dim3A] : memref<128xf32, #tpu.memory_space<vmem>>[vector<16xi32>], vector<16xf32>,
        %add3A_232 = arith.addi %mul3A_63, %scan3A_230 : i32
        %get3A_233 = arith.index_cast %add3A_232 : i32 to index
        %get3A_234 = arith.constant 0 : index
        %get3A_235 = tpu.vector_load %arg17[%get3A_233, %get3A_234] {strides = array<i32>} : memref<128x128xf32, #tpu.memory_space<vmem>>, vector<16xf32>,
        %mul3A_236 = arith.mulf %get3A_235, %gather3A : vector<16xf32>
        %add3A_237 = arith.addi %mul3A_63, %scan3A_230 : i32
        %swap3A_238 = arith.index_cast %add3A_237 : i32 to index
        %swap3A_239 = arith.constant 0 : index
        %swap3A_240 = tpu.vector_load %arg17[%swap3A_238, %swap3A_239] {strides = array<i32>} : memref<128x128xf32, #tpu.memory_space<vmem>>, vector<16xf32>,
        tpu.vector_store %arg17[%swap3A_238, %swap3A_239], %mul3A_236 {strides = array<i32>} : memref<128x128xf32, #tpu.memory_space<vmem>>, vector<16xf32>,
        %add3A_241 = arith.addi %mul3A_63, %scan3A_230 : i32
        %get3A_242 = arith.index_cast %add3A_241 : i32 to index
        %get3A_243 = arith.constant 16 : index
        %get3A_244 = tpu.vector_load %arg17[%get3A_242, %get3A_243] {strides = array<i32>} : memref<128x128xf32, #tpu.memory_space<vmem>>, vector<16xf32>,
        %mul3A_245 = arith.mulf %get3A_244, %gather3A : vector<16xf32>
        %add3A_246 = arith.addi %mul3A_63, %scan3A_230 : i32
        %swap3A_247 = arith.index_cast %add3A_246 : i32 to index
        %swap3A_248 = arith.constant 16 : index
        %swap3A_249 = tpu.vector_load %arg17[%swap3A_247, %swap3A_248] {strides = array<i32>} : memref<128x128xf32, #tpu.memory_space<vmem>>, vector<16xf32>,
        tpu.vector_store %arg17[%swap3A_247, %swap3A_248], %mul3A_245 {strides = array<i32>} : memref<128x128xf32, #tpu.memory_space<vmem>>, vector<16xf32>,
        %add3A_250 = arith.addi %mul3A_63, %scan3A_230 : i32
        %get3A_251 = arith.index_cast %add3A_250 : i32 to index
        %get3A_252 = arith.constant 32 : index
        %get3A_253 = tpu.vector_load %arg17[%get3A_251, %get3A_252] {strides = array<i32>} : memref<128x128xf32, #tpu.memory_space<vmem>>, vector<16xf32>,
        %mul3A_254 = arith.mulf %get3A_253, %gather3A : vector<16xf32>
        %add3A_255 = arith.addi %mul3A_63, %scan3A_230 : i32
        %swap3A_256 = arith.index_cast %add3A_255 : i32 to index
        %swap3A_257 = arith.constant 32 : index
        %swap3A_258 = tpu.vector_load %arg17[%swap3A_256, %swap3A_257] {strides = array<i32>} : memref<128x128xf32, #tpu.memory_space<vmem>>, vector<16xf32>,
        tpu.vector_store %arg17[%swap3A_256, %swap3A_257], %mul3A_254 {strides = array<i32>} : memref<128x128xf32, #tpu.memory_space<vmem>>, vector<16xf32>,
        %add3A_259 = arith.addi %mul3A_63, %scan3A_230 : i32
        %get3A_260 = arith.index_cast %add3A_259 : i32 to index
        %get3A_261 = arith.constant 48 : index
        %get3A_262 = tpu.vector_load %arg17[%get3A_260, %get3A_261] {strides = array<i32>} : memref<128x128xf32, #tpu.memory_space<vmem>>, vector<16xf32>,
        %mul3A_263 = arith.mulf %get3A_262, %gather3A : vector<16xf32>
        %add3A_264 = arith.addi %mul3A_63, %scan3A_230 : i32
        %swap3A_265 = arith.index_cast %add3A_264 : i32 to index
        %swap3A_266 = arith.constant 48 : index
        %swap3A_267 = tpu.vector_load %arg17[%swap3A_265, %swap3A_266] {strides = array<i32>} : memref<128x128xf32, #tpu.memory_space<vmem>>, vector<16xf32>,
        tpu.vector_store %arg17[%swap3A_265, %swap3A_266], %mul3A_263 {strides = array<i32>} : memref<128x128xf32, #tpu.memory_space<vmem>>, vector<16xf32>,
        %add3A_268 = arith.addi %mul3A_63, %scan3A_230 : i32
        %get3A_269 = arith.index_cast %add3A_268 : i32 to index
        %get3A_270 = arith.constant 64 : index
        %get3A_271 = tpu.vector_load %arg17[%get3A_269, %get3A_270] {strides = array<i32>} : memref<128x128xf32, #tpu.memory_space<vmem>>, vector<16xf32>,
        %mul3A_272 = arith.mulf %get3A_271, %gather3A : vector<16xf32>
        %add3A_273 = arith.addi %mul3A_63, %scan3A_230 : i32
        %swap3A_274 = arith.index_cast %add3A_273 : i32 to index
        %swap3A_275 = arith.constant 64 : index
        %swap3A_276 = tpu.vector_load %arg17[%swap3A_274, %swap3A_275] {strides = array<i32>} : memref<128x128xf32, #tpu.memory_space<vmem>>, vector<16xf32>,
        tpu.vector_store %arg17[%swap3A_274, %swap3A_275], %mul3A_272 {strides = array<i32>} : memref<128x128xf32, #tpu.memory_space<vmem>>, vector<16xf32>,
        %add3A_277 = arith.addi %mul3A_63, %scan3A_230 : i32
        %get3A_278 = arith.index_cast %add3A_277 : i32 to index
        %get3A_279 = arith.constant 80 : index
        %get3A_280 = tpu.vector_load %arg17[%get3A_278, %get3A_279] {strides = array<i32>} : memref<128x128xf32, #tpu.memory_space<vmem>>, vector<16xf32>,
        %mul3A_281 = arith.mulf %get3A_280, %gather3A : vector<16xf32>
        %add3A_282 = arith.addi %mul3A_63, %scan3A_230 : i32
        %swap3A_283 = arith.index_cast %add3A_282 : i32 to index
        %swap3A_284 = arith.constant 80 : index
        %swap3A_285 = tpu.vector_load %arg17[%swap3A_283, %swap3A_284] {strides = array<i32>} : memref<128x128xf32, #tpu.memory_space<vmem>>, vector<16xf32>,
        tpu.vector_store %arg17[%swap3A_283, %swap3A_284], %mul3A_281 {strides = array<i32>} : memref<128x128xf32, #tpu.memory_space<vmem>>, vector<16xf32>,
        %add3A_286 = arith.addi %mul3A_63, %scan3A_230 : i32
        %get3A_287 = arith.index_cast %add3A_286 : i32 to index
        %get3A_288 = arith.constant 96 : index
        %get3A_289 = tpu.vector_load %arg17[%get3A_287, %get3A_288] {strides = array<i32>} : memref<128x128xf32, #tpu.memory_space<vmem>>, vector<16xf32>,
        %mul3A_290 = arith.mulf %get3A_289, %gather3A : vector<16xf32>
        %add3A_291 = arith.addi %mul3A_63, %scan3A_230 : i32
        %swap3A_292 = arith.index_cast %add3A_291 : i32 to index
        %swap3A_293 = arith.constant 96 : index
        %swap3A_294 = tpu.vector_load %arg17[%swap3A_292, %swap3A_293] {strides = array<i32>} : memref<128x128xf32, #tpu.memory_space<vmem>>, vector<16xf32>,
        tpu.vector_store %arg17[%swap3A_292, %swap3A_293], %mul3A_290 {strides = array<i32>} : memref<128x128xf32, #tpu.memory_space<vmem>>, vector<16xf32>,
        %add3A_295 = arith.addi %mul3A_63, %scan3A_230 : i32
        %get3A_296 = arith.index_cast %add3A_295 : i32 to index
        %get3A_297 = arith.constant 112 : index
        %get3A_298 = tpu.vector_load %arg17[%get3A_296, %get3A_297] {strides = array<i32>} : memref<128x128xf32, #tpu.memory_space<vmem>>, vector<16xf32>,
        %mul3A_299 = arith.mulf %get3A_298, %gather3A : vector<16xf32>
        %add3A_300 = arith.addi %mul3A_63, %scan3A_230 : i32
        %swap3A_301 = arith.index_cast %add3A_300 : i32 to index
        %swap3A_302 = arith.constant 112 : index
        %swap3A_303 = tpu.vector_load %arg17[%swap3A_301, %swap3A_302] {strides = array<i32>} : memref<128x128xf32, #tpu.memory_space<vmem>>, vector<16xf32>,
        tpu.vector_store %arg17[%swap3A_301, %swap3A_302], %mul3A_299 {strides = array<i32>} : memref<128x128xf32, #tpu.memory_space<vmem>>, vector<16xf32>,
        %scan3A_304 = arith.constant 1 : i32
        %scan3A_305 = arith.addi %scan3A_230, %scan3A_304 : i32
        %add3A_306 = arith.addi %mul3A_63, %scan3A_305 : i32
        %broadcast_in_dim3A_307 = vector.broadcast %add3A_306 : i32 to vector<16xi32>
        %gather3A_308 = tpu.vector_load_idx %arg14[%broadcast_in_dim3A_307] : memref<128xf32, #tpu.memory_space<vmem>>[vector<16xi32>], vector<16xf32>,
        %add3A_309 = arith.addi %mul3A_63, %scan3A_305 : i32
        %get3A_310 = arith.index_cast %add3A_309 : i32 to index
        %get3A_311 = arith.constant 0 : index
        %get3A_312 = tpu.vector_load %arg17[%get3A_310, %get3A_311] {strides = array<i32>} : memref<128x128xf32, #tpu.memory_space<vmem>>, vector<16xf32>,
        %mul3A_313 = arith.mulf %get3A_312, %gather3A_308 : vector<16xf32>
        %add3A_314 = arith.addi %mul3A_63, %scan3A_305 : i32
        %swap3A_315 = arith.index_cast %add3A_314 : i32 to index
        %swap3A_316 = arith.constant 0 : index
        %swap3A_317 = tpu.vector_load %arg17[%swap3A_315, %swap3A_316] {strides = array<i32>} : memref<128x128xf32, #tpu.memory_space<vmem>>, vector<16xf32>,
        tpu.vector_store %arg17[%swap3A_315, %swap3A_316], %mul3A_313 {strides = array<i32>} : memref<128x128xf32, #tpu.memory_space<vmem>>, vector<16xf32>,
        %add3A_318 = arith.addi %mul3A_63, %scan3A_305 : i32
        %get3A_319 = arith.index_cast %add3A_318 : i32 to index
        %get3A_320 = arith.constant 16 : index
        %get3A_321 = tpu.vector_load %arg17[%get3A_319, %get3A_320] {strides = array<i32>} : memref<128x128xf32, #tpu.memory_space<vmem>>, vector<16xf32>,
        %mul3A_322 = arith.mulf %get3A_321, %gather3A_308 : vector<16xf32>
        %add3A_323 = arith.addi %mul3A_63, %scan3A_305 : i32
        %swap3A_324 = arith.index_cast %add3A_323 : i32 to index
        %swap3A_325 = arith.constant 16 : index
        %swap3A_326 = tpu.vector_load %arg17[%swap3A_324, %swap3A_325] {strides = array<i32>} : memref<128x128xf32, #tpu.memory_space<vmem>>, vector<16xf32>,
        tpu.vector_store %arg17[%swap3A_324, %swap3A_325], %mul3A_322 {strides = array<i32>} : memref<128x128xf32, #tpu.memory_space<vmem>>, vector<16xf32>,
        %add3A_327 = arith.addi %mul3A_63, %scan3A_305 : i32
        %get3A_328 = arith.index_cast %add3A_327 : i32 to index
        %get3A_329 = arith.constant 32 : index
        %get3A_330 = tpu.vector_load %arg17[%get3A_328, %get3A_329] {strides = array<i32>} : memref<128x128xf32, #tpu.memory_space<vmem>>, vector<16xf32>,
        %mul3A_331 = arith.mulf %get3A_330, %gather3A_308 : vector<16xf32>
        %add3A_332 = arith.addi %mul3A_63, %scan3A_305 : i32
        %swap3A_333 = arith.index_cast %add3A_332 : i32 to index
        %swap3A_334 = arith.constant 32 : index
        %swap3A_335 = tpu.vector_load %arg17[%swap3A_333, %swap3A_334] {strides = array<i32>} : memref<128x128xf32, #tpu.memory_space<vmem>>, vector<16xf32>,
        tpu.vector_store %arg17[%swap3A_333, %swap3A_334], %mul3A_331 {strides = array<i32>} : memref<128x128xf32, #tpu.memory_space<vmem>>, vector<16xf32>,
        %add3A_336 = arith.addi %mul3A_63, %scan3A_305 : i32
        %get3A_337 = arith.index_cast %add3A_336 : i32 to index
        %get3A_338 = arith.constant 48 : index
        %get3A_339 = tpu.vector_load %arg17[%get3A_337, %get3A_338] {strides = array<i32>} : memref<128x128xf32, #tpu.memory_space<vmem>>, vector<16xf32>,
        %mul3A_340 = arith.mulf %get3A_339, %gather3A_308 : vector<16xf32>
        %add3A_341 = arith.addi %mul3A_63, %scan3A_305 : i32
        %swap3A_342 = arith.index_cast %add3A_341 : i32 to index
        %swap3A_343 = arith.constant 48 : index
        %swap3A_344 = tpu.vector_load %arg17[%swap3A_342, %swap3A_343] {strides = array<i32>} : memref<128x128xf32, #tpu.memory_space<vmem>>, vector<16xf32>,
        tpu.vector_store %arg17[%swap3A_342, %swap3A_343], %mul3A_340 {strides = array<i32>} : memref<128x128xf32, #tpu.memory_space<vmem>>, vector<16xf32>,
        %add3A_345 = arith.addi %mul3A_63, %scan3A_305 : i32
        %get3A_346 = arith.index_cast %add3A_345 : i32 to index
        %get3A_347 = arith.constant 64 : index
        %get3A_348 = tpu.vector_load %arg17[%get3A_346, %get3A_347] {strides = array<i32>} : memref<128x128xf32, #tpu.memory_space<vmem>>, vector<16xf32>,
        %mul3A_349 = arith.mulf %get3A_348, %gather3A_308 : vector<16xf32>
        %add3A_350 = arith.addi %mul3A_63, %scan3A_305 : i32
        %swap3A_351 = arith.index_cast %add3A_350 : i32 to index
        %swap3A_352 = arith.constant 64 : index
        %swap3A_353 = tpu.vector_load %arg17[%swap3A_351, %swap3A_352] {strides = array<i32>} : memref<128x128xf32, #tpu.memory_space<vmem>>, vector<16xf32>,
        tpu.vector_store %arg17[%swap3A_351, %swap3A_352], %mul3A_349 {strides = array<i32>} : memref<128x128xf32, #tpu.memory_space<vmem>>, vector<16xf32>,
        %add3A_354 = arith.addi %mul3A_63, %scan3A_305 : i32
        %get3A_355 = arith.index_cast %add3A_354 : i32 to index
        %get3A_356 = arith.constant 80 : index
        %get3A_357 = tpu.vector_load %arg17[%get3A_355, %get3A_356] {strides = array<i32>} : memref<128x128xf32, #tpu.memory_space<vmem>>, vector<16xf32>,
        %mul3A_358 = arith.mulf %get3A_357, %gather3A_308 : vector<16xf32>
        %add3A_359 = arith.addi %mul3A_63, %scan3A_305 : i32
        %swap3A_360 = arith.index_cast %add3A_359 : i32 to index
        %swap3A_361 = arith.constant 80 : index
        %swap3A_362 = tpu.vector_load %arg17[%swap3A_360, %swap3A_361] {strides = array<i32>} : memref<128x128xf32, #tpu.memory_space<vmem>>, vector<16xf32>,
        tpu.vector_store %arg17[%swap3A_360, %swap3A_361], %mul3A_358 {strides = array<i32>} : memref<128x128xf32, #tpu.memory_space<vmem>>, vector<16xf32>,
        %add3A_363 = arith.addi %mul3A_63, %scan3A_305 : i32
        %get3A_364 = arith.index_cast %add3A_363 : i32 to index
        %get3A_365 = arith.constant 96 : index
        %get3A_366 = tpu.vector_load %arg17[%get3A_364, %get3A_365] {strides = array<i32>} : memref<128x128xf32, #tpu.memory_space<vmem>>, vector<16xf32>,
        %mul3A_367 = arith.mulf %get3A_366, %gather3A_308 : vector<16xf32>
        %add3A_368 = arith.addi %mul3A_63, %scan3A_305 : i32
        %swap3A_369 = arith.index_cast %add3A_368 : i32 to index
        %swap3A_370 = arith.constant 96 : index
        %swap3A_371 = tpu.vector_load %arg17[%swap3A_369, %swap3A_370] {strides = array<i32>} : memref<128x128xf32, #tpu.memory_space<vmem>>, vector<16xf32>,
        tpu.vector_store %arg17[%swap3A_369, %swap3A_370], %mul3A_367 {strides = array<i32>} : memref<128x128xf32, #tpu.memory_space<vmem>>, vector<16xf32>,
        %add3A_372 = arith.addi %mul3A_63, %scan3A_305 : i32
        %get3A_373 = arith.index_cast %add3A_372 : i32 to index
        %get3A_374 = arith.constant 112 : index
        %get3A_375 = tpu.vector_load %arg17[%get3A_373, %get3A_374] {strides = array<i32>} : memref<128x128xf32, #tpu.memory_space<vmem>>, vector<16xf32>,
        %mul3A_376 = arith.mulf %get3A_375, %gather3A_308 : vector<16xf32>
        %add3A_377 = arith.addi %mul3A_63, %scan3A_305 : i32
        %swap3A_378 = arith.index_cast %add3A_377 : i32 to index
        %swap3A_379 = arith.constant 112 : index
        %swap3A_380 = tpu.vector_load %arg17[%swap3A_378, %swap3A_379] {strides = array<i32>} : memref<128x128xf32, #tpu.memory_space<vmem>>, vector<16xf32>,
        tpu.vector_store %arg17[%swap3A_378, %swap3A_379], %mul3A_376 {strides = array<i32>} : memref<128x128xf32, #tpu.memory_space<vmem>>, vector<16xf32>,
        %scan3A_381 = arith.constant 2 : i32
        %scan3A_382 = arith.addi %scan3A_230, %scan3A_381 : i32
        %add3A_383 = arith.addi %mul3A_63, %scan3A_382 : i32
        %broadcast_in_dim3A_384 = vector.broadcast %add3A_383 : i32 to vector<16xi32>
        %gather3A_385 = tpu.vector_load_idx %arg14[%broadcast_in_dim3A_384] : memref<128xf32, #tpu.memory_space<vmem>>[vector<16xi32>], vector<16xf32>,
        %add3A_386 = arith.addi %mul3A_63, %scan3A_382 : i32
        %get3A_387 = arith.index_cast %add3A_386 : i32 to index
        %get3A_388 = arith.constant 0 : index
        %get3A_389 = tpu.vector_load %arg17[%get3A_387, %get3A_388] {strides = array<i32>} : memref<128x128xf32, #tpu.memory_space<vmem>>, vector<16xf32>,
        %mul3A_390 = arith.mulf %get3A_389, %gather3A_385 : vector<16xf32>
        %add3A_391 = arith.addi %mul3A_63, %scan3A_382 : i32
        %swap3A_392 = arith.index_cast %add3A_391 : i32 to index
        %swap3A_393 = arith.constant 0 : index
        %swap3A_394 = tpu.vector_load %arg17[%swap3A_392, %swap3A_393] {strides = array<i32>} : memref<128x128xf32, #tpu.memory_space<vmem>>, vector<16xf32>,
        tpu.vector_store %arg17[%swap3A_392, %swap3A_393], %mul3A_390 {strides = array<i32>} : memref<128x128xf32, #tpu.memory_space<vmem>>, vector<16xf32>,
        %add3A_395 = arith.addi %mul3A_63, %scan3A_382 : i32
        %get3A_396 = arith.index_cast %add3A_395 : i32 to index
        %get3A_397 = arith.constant 16 : index
        %get3A_398 = tpu.vector_load %arg17[%get3A_396, %get3A_397] {strides = array<i32>} : memref<128x128xf32, #tpu.memory_space<vmem>>, vector<16xf32>,
        %mul3A_399 = arith.mulf %get3A_398, %gather3A_385 : vector<16xf32>
        %add3A_400 = arith.addi %mul3A_63, %scan3A_382 : i32
        %swap3A_401 = arith.index_cast %add3A_400 : i32 to index
        %swap3A_402 = arith.constant 16 : index
        %swap3A_403 = tpu.vector_load %arg17[%swap3A_401, %swap3A_402] {strides = array<i32>} : memref<128x128xf32, #tpu.memory_space<vmem>>, vector<16xf32>,
        tpu.vector_store %arg17[%swap3A_401, %swap3A_402], %mul3A_399 {strides = array<i32>} : memref<128x128xf32, #tpu.memory_space<vmem>>, vector<16xf32>,
        %add3A_404 = arith.addi %mul3A_63, %scan3A_382 : i32
        %get3A_405 = arith.index_cast %add3A_404 : i32 to index
        %get3A_406 = arith.constant 32 : index
        %get3A_407 = tpu.vector_load %arg17[%get3A_405, %get3A_406] {strides = array<i32>} : memref<128x128xf32, #tpu.memory_space<vmem>>, vector<16xf32>,
        %mul3A_408 = arith.mulf %get3A_407, %gather3A_385 : vector<16xf32>
        %add3A_409 = arith.addi %mul3A_63, %scan3A_382 : i32
        %swap3A_410 = arith.index_cast %add3A_409 : i32 to index
        %swap3A_411 = arith.constant 32 : index
        %swap3A_412 = tpu.vector_load %arg17[%swap3A_410, %swap3A_411] {strides = array<i32>} : memref<128x128xf32, #tpu.memory_space<vmem>>, vector<16xf32>,
        tpu.vector_store %arg17[%swap3A_410, %swap3A_411], %mul3A_408 {strides = array<i32>} : memref<128x128xf32, #tpu.memory_space<vmem>>, vector<16xf32>,
        %add3A_413 = arith.addi %mul3A_63, %scan3A_382 : i32
        %get3A_414 = arith.index_cast %add3A_413 : i32 to index
        %get3A_415 = arith.constant 48 : index
        %get3A_416 = tpu.vector_load %arg17[%get3A_414, %get3A_415] {strides = array<i32>} : memref<128x128xf32, #tpu.memory_space<vmem>>, vector<16xf32>,
        %mul3A_417 = arith.mulf %get3A_416, %gather3A_385 : vector<16xf32>
        %add3A_418 = arith.addi %mul3A_63, %scan3A_382 : i32
        %swap3A_419 = arith.index_cast %add3A_418 : i32 to index
        %swap3A_420 = arith.constant 48 : index
        %swap3A_421 = tpu.vector_load %arg17[%swap3A_419, %swap3A_420] {strides = array<i32>} : memref<128x128xf32, #tpu.memory_space<vmem>>, vector<16xf32>,
        tpu.vector_store %arg17[%swap3A_419, %swap3A_420], %mul3A_417 {strides = array<i32>} : memref<128x128xf32, #tpu.memory_space<vmem>>, vector<16xf32>,
        %add3A_422 = arith.addi %mul3A_63, %scan3A_382 : i32
        %get3A_423 = arith.index_cast %add3A_422 : i32 to index
        %get3A_424 = arith.constant 64 : index
        %get3A_425 = tpu.vector_load %arg17[%get3A_423, %get3A_424] {strides = array<i32>} : memref<128x128xf32, #tpu.memory_space<vmem>>, vector<16xf32>,
        %mul3A_426 = arith.mulf %get3A_425, %gather3A_385 : vector<16xf32>
        %add3A_427 = arith.addi %mul3A_63, %scan3A_382 : i32
        %swap3A_428 = arith.index_cast %add3A_427 : i32 to index
        %swap3A_429 = arith.constant 64 : index
        %swap3A_430 = tpu.vector_load %arg17[%swap3A_428, %swap3A_429] {strides = array<i32>} : memref<128x128xf32, #tpu.memory_space<vmem>>, vector<16xf32>,
        tpu.vector_store %arg17[%swap3A_428, %swap3A_429], %mul3A_426 {strides = array<i32>} : memref<128x128xf32, #tpu.memory_space<vmem>>, vector<16xf32>,
        %add3A_431 = arith.addi %mul3A_63, %scan3A_382 : i32
        %get3A_432 = arith.index_cast %add3A_431 : i32 to index
        %get3A_433 = arith.constant 80 : index
        %get3A_434 = tpu.vector_load %arg17[%get3A_432, %get3A_433] {strides = array<i32>} : memref<128x128xf32, #tpu.memory_space<vmem>>, vector<16xf32>,
        %mul3A_435 = arith.mulf %get3A_434, %gather3A_385 : vector<16xf32>
        %add3A_436 = arith.addi %mul3A_63, %scan3A_382 : i32
        %swap3A_437 = arith.index_cast %add3A_436 : i32 to index
        %swap3A_438 = arith.constant 80 : index
        %swap3A_439 = tpu.vector_load %arg17[%swap3A_437, %swap3A_438] {strides = array<i32>} : memref<128x128xf32, #tpu.memory_space<vmem>>, vector<16xf32>,
        tpu.vector_store %arg17[%swap3A_437, %swap3A_438], %mul3A_435 {strides = array<i32>} : memref<128x128xf32, #tpu.memory_space<vmem>>, vector<16xf32>,
        %add3A_440 = arith.addi %mul3A_63, %scan3A_382 : i32
        %get3A_441 = arith.index_cast %add3A_440 : i32 to index
        %get3A_442 = arith.constant 96 : index
        %get3A_443 = tpu.vector_load %arg17[%get3A_441, %get3A_442] {strides = array<i32>} : memref<128x128xf32, #tpu.memory_space<vmem>>, vector<16xf32>,
        %mul3A_444 = arith.mulf %get3A_443, %gather3A_385 : vector<16xf32>
        %add3A_445 = arith.addi %mul3A_63, %scan3A_382 : i32
        %swap3A_446 = arith.index_cast %add3A_445 : i32 to index
        %swap3A_447 = arith.constant 96 : index
        %swap3A_448 = tpu.vector_load %arg17[%swap3A_446, %swap3A_447] {strides = array<i32>} : memref<128x128xf32, #tpu.memory_space<vmem>>, vector<16xf32>,
        tpu.vector_store %arg17[%swap3A_446, %swap3A_447], %mul3A_444 {strides = array<i32>} : memref<128x128xf32, #tpu.memory_space<vmem>>, vector<16xf32>,
        %add3A_449 = arith.addi %mul3A_63, %scan3A_382 : i32
        %get3A_450 = arith.index_cast %add3A_449 : i32 to index
        %get3A_451 = arith.constant 112 : index
        %get3A_452 = tpu.vector_load %arg17[%get3A_450, %get3A_451] {strides = array<i32>} : memref<128x128xf32, #tpu.memory_space<vmem>>, vector<16xf32>,
        %mul3A_453 = arith.mulf %get3A_452, %gather3A_385 : vector<16xf32>
        %add3A_454 = arith.addi %mul3A_63, %scan3A_382 : i32
        %swap3A_455 = arith.index_cast %add3A_454 : i32 to index
        %swap3A_456 = arith.constant 112 : index
        %swap3A_457 = tpu.vector_load %arg17[%swap3A_455, %swap3A_456] {strides = array<i32>} : memref<128x128xf32, #tpu.memory_space<vmem>>, vector<16xf32>,
        tpu.vector_store %arg17[%swap3A_455, %swap3A_456], %mul3A_453 {strides = array<i32>} : memref<128x128xf32, #tpu.memory_space<vmem>>, vector<16xf32>,
        %scan3A_458 = arith.constant 3 : i32
        %scan3A_459 = arith.addi %scan3A_230, %scan3A_458 : i32
        %add3A_460 = arith.addi %mul3A_63, %scan3A_459 : i32
        %broadcast_in_dim3A_461 = vector.broadcast %add3A_460 : i32 to vector<16xi32>
        %gather3A_462 = tpu.vector_load_idx %arg14[%broadcast_in_dim3A_461] : memref<128xf32, #tpu.memory_space<vmem>>[vector<16xi32>], vector<16xf32>,
        %add3A_463 = arith.addi %mul3A_63, %scan3A_459 : i32
        %get3A_464 = arith.index_cast %add3A_463 : i32 to index
        %get3A_465 = arith.constant 0 : index
        %get3A_466 = tpu.vector_load %arg17[%get3A_464, %get3A_465] {strides = array<i32>} : memref<128x128xf32, #tpu.memory_space<vmem>>, vector<16xf32>,
        %mul3A_467 = arith.mulf %get3A_466, %gather3A_462 : vector<16xf32>
        %add3A_468 = arith.addi %mul3A_63, %scan3A_459 : i32
        %swap3A_469 = arith.index_cast %add3A_468 : i32 to index
        %swap3A_470 = arith.constant 0 : index
        %swap3A_471 = tpu.vector_load %arg17[%swap3A_469, %swap3A_470] {strides = array<i32>} : memref<128x128xf32, #tpu.memory_space<vmem>>, vector<16xf32>,
        tpu.vector_store %arg17[%swap3A_469, %swap3A_470], %mul3A_467 {strides = array<i32>} : memref<128x128xf32, #tpu.memory_space<vmem>>, vector<16xf32>,
        %add3A_472 = arith.addi %mul3A_63, %scan3A_459 : i32
        %get3A_473 = arith.index_cast %add3A_472 : i32 to index
        %get3A_474 = arith.constant 16 : index
        %get3A_475 = tpu.vector_load %arg17[%get3A_473, %get3A_474] {strides = array<i32>} : memref<128x128xf32, #tpu.memory_space<vmem>>, vector<16xf32>,
        %mul3A_476 = arith.mulf %get3A_475, %gather3A_462 : vector<16xf32>
        %add3A_477 = arith.addi %mul3A_63, %scan3A_459 : i32
        %swap3A_478 = arith.index_cast %add3A_477 : i32 to index
        %swap3A_479 = arith.constant 16 : index
        %swap3A_480 = tpu.vector_load %arg17[%swap3A_478, %swap3A_479] {strides = array<i32>} : memref<128x128xf32, #tpu.memory_space<vmem>>, vector<16xf32>,
        tpu.vector_store %arg17[%swap3A_478, %swap3A_479], %mul3A_476 {strides = array<i32>} : memref<128x128xf32, #tpu.memory_space<vmem>>, vector<16xf32>,
        %add3A_481 = arith.addi %mul3A_63, %scan3A_459 : i32
        %get3A_482 = arith.index_cast %add3A_481 : i32 to index
        %get3A_483 = arith.constant 32 : index
        %get3A_484 = tpu.vector_load %arg17[%get3A_482, %get3A_483] {strides = array<i32>} : memref<128x128xf32, #tpu.memory_space<vmem>>, vector<16xf32>,
        %mul3A_485 = arith.mulf %get3A_484, %gather3A_462 : vector<16xf32>
        %add3A_486 = arith.addi %mul3A_63, %scan3A_459 : i32
        %swap3A_487 = arith.index_cast %add3A_486 : i32 to index
        %swap3A_488 = arith.constant 32 : index
        %swap3A_489 = tpu.vector_load %arg17[%swap3A_487, %swap3A_488] {strides = array<i32>} : memref<128x128xf32, #tpu.memory_space<vmem>>, vector<16xf32>,
        tpu.vector_store %arg17[%swap3A_487, %swap3A_488], %mul3A_485 {strides = array<i32>} : memref<128x128xf32, #tpu.memory_space<vmem>>, vector<16xf32>,
        %add3A_490 = arith.addi %mul3A_63, %scan3A_459 : i32
        %get3A_491 = arith.index_cast %add3A_490 : i32 to index
        %get3A_492 = arith.constant 48 : index
        %get3A_493 = tpu.vector_load %arg17[%get3A_491, %get3A_492] {strides = array<i32>} : memref<128x128xf32, #tpu.memory_space<vmem>>, vector<16xf32>,
        %mul3A_494 = arith.mulf %get3A_493, %gather3A_462 : vector<16xf32>
        %add3A_495 = arith.addi %mul3A_63, %scan3A_459 : i32
        %swap3A_496 = arith.index_cast %add3A_495 : i32 to index
        %swap3A_497 = arith.constant 48 : index
        %swap3A_498 = tpu.vector_load %arg17[%swap3A_496, %swap3A_497] {strides = array<i32>} : memref<128x128xf32, #tpu.memory_space<vmem>>, vector<16xf32>,
        tpu.vector_store %arg17[%swap3A_496, %swap3A_497], %mul3A_494 {strides = array<i32>} : memref<128x128xf32, #tpu.memory_space<vmem>>, vector<16xf32>,
        %add3A_499 = arith.addi %mul3A_63, %scan3A_459 : i32
        %get3A_500 = arith.index_cast %add3A_499 : i32 to index
        %get3A_501 = arith.constant 64 : index
        %get3A_502 = tpu.vector_load %arg17[%get3A_500, %get3A_501] {strides = array<i32>} : memref<128x128xf32, #tpu.memory_space<vmem>>, vector<16xf32>,
        %mul3A_503 = arith.mulf %get3A_502, %gather3A_462 : vector<16xf32>
        %add3A_504 = arith.addi %mul3A_63, %scan3A_459 : i32
        %swap3A_505 = arith.index_cast %add3A_504 : i32 to index
        %swap3A_506 = arith.constant 64 : index
        %swap3A_507 = tpu.vector_load %arg17[%swap3A_505, %swap3A_506] {strides = array<i32>} : memref<128x128xf32, #tpu.memory_space<vmem>>, vector<16xf32>,
        tpu.vector_store %arg17[%swap3A_505, %swap3A_506], %mul3A_503 {strides = array<i32>} : memref<128x128xf32, #tpu.memory_space<vmem>>, vector<16xf32>,
        %add3A_508 = arith.addi %mul3A_63, %scan3A_459 : i32
        %get3A_509 = arith.index_cast %add3A_508 : i32 to index
        %get3A_510 = arith.constant 80 : index
        %get3A_511 = tpu.vector_load %arg17[%get3A_509, %get3A_510] {strides = array<i32>} : memref<128x128xf32, #tpu.memory_space<vmem>>, vector<16xf32>,
        %mul3A_512 = arith.mulf %get3A_511, %gather3A_462 : vector<16xf32>
        %add3A_513 = arith.addi %mul3A_63, %scan3A_459 : i32
        %swap3A_514 = arith.index_cast %add3A_513 : i32 to index
        %swap3A_515 = arith.constant 80 : index
        %swap3A_516 = tpu.vector_load %arg17[%swap3A_514, %swap3A_515] {strides = array<i32>} : memref<128x128xf32, #tpu.memory_space<vmem>>, vector<16xf32>,
        tpu.vector_store %arg17[%swap3A_514, %swap3A_515], %mul3A_512 {strides = array<i32>} : memref<128x128xf32, #tpu.memory_space<vmem>>, vector<16xf32>,
        %add3A_517 = arith.addi %mul3A_63, %scan3A_459 : i32
        %get3A_518 = arith.index_cast %add3A_517 : i32 to index
        %get3A_519 = arith.constant 96 : index
        %get3A_520 = tpu.vector_load %arg17[%get3A_518, %get3A_519] {strides = array<i32>} : memref<128x128xf32, #tpu.memory_space<vmem>>, vector<16xf32>,
        %mul3A_521 = arith.mulf %get3A_520, %gather3A_462 : vector<16xf32>
        %add3A_522 = arith.addi %mul3A_63, %scan3A_459 : i32
        %swap3A_523 = arith.index_cast %add3A_522 : i32 to index
        %swap3A_524 = arith.constant 96 : index
        %swap3A_525 = tpu.vector_load %arg17[%swap3A_523, %swap3A_524] {strides = array<i32>} : memref<128x128xf32, #tpu.memory_space<vmem>>, vector<16xf32>,
        tpu.vector_store %arg17[%swap3A_523, %swap3A_524], %mul3A_521 {strides = array<i32>} : memref<128x128xf32, #tpu.memory_space<vmem>>, vector<16xf32>,
        %add3A_526 = arith.addi %mul3A_63, %scan3A_459 : i32
        %get3A_527 = arith.index_cast %add3A_526 : i32 to index
        %get3A_528 = arith.constant 112 : index
        %get3A_529 = tpu.vector_load %arg17[%get3A_527, %get3A_528] {strides = array<i32>} : memref<128x128xf32, #tpu.memory_space<vmem>>, vector<16xf32>,
        %mul3A_530 = arith.mulf %get3A_529, %gather3A_462 : vector<16xf32>
        %add3A_531 = arith.addi %mul3A_63, %scan3A_459 : i32
        %swap3A_532 = arith.index_cast %add3A_531 : i32 to index
        %swap3A_533 = arith.constant 112 : index
        %swap3A_534 = tpu.vector_load %arg17[%swap3A_532, %swap3A_533] {strides = array<i32>} : memref<128x128xf32, #tpu.memory_space<vmem>>, vector<16xf32>,
        tpu.vector_store %arg17[%swap3A_532, %swap3A_533], %mul3A_530 {strides = array<i32>} : memref<128x128xf32, #tpu.memory_space<vmem>>, vector<16xf32>,
      }
      %scan3A_221 = arith.constant 64 : i32
      %dma_start3A_222 = arith.constant 0 : i32
      %dma_start3A_223 = tpu.memref_slice %arg17[%mul3A_63, %dma_start3A_222] : memref<128x128xf32, #tpu.memory_space<vmem>> -> memref<64x128xf32, #tpu.memory_space<vmem>>
      %dma_start3A_224 = arith.constant 0 : i32
      %dma_start3A_225 = tpu.memref_slice %arg13[%scan3A_52, %dma_start3A_224] : memref<80x64xi32, #tpu.memory_space<vmem>> -> memref<1x64xi32, #tpu.memory_space<vmem>>
      %dma_start3A_226 = tpu.memref_squeeze %dma_start3A_225 : memref<1x64xi32, #tpu.memory_space<vmem>> -> memref<64xi32, #tpu.memory_space<vmem>>
      %dma_start3A_227 = arith.constant 0 : i32
      %dma_start3A_228 = arith.constant 0 : i32
      %dma_start3A_229 = tpu.memref_slice %arg19[%dma_start3A_227, %dma_start3A_228] : memref<10240x128xf32, #tpu.memory_space<vmem_shared>> -> memref<10240x128xf32, #tpu.memory_space<vmem_shared>>
      tpu.enqueue_indirect_dma source(%dma_start3A_223 : memref<64x128xf32, #tpu.memory_space<vmem>>) target(%dma_start3A_229 : memref<10240x128xf32, #tpu.memory_space<vmem_shared>>) offsets(%dma_start3A_226 : memref<64xi32, #tpu.memory_space<vmem>>) semaphore(%arg21 : memref<!tpu.dma_semaphore, #tpu.memory_space<semaphore_mem>>) {add = true}
    }
    %scan3A_39 = arith.constant 80 : i32
    %dma_wait3A = arith.constant 64 : i32
    %dma_wait3A_40 = arith.constant 0 : i32
    %dma_wait3A_41 = tpu.memref_slice %arg17[%dma_wait3A, %dma_wait3A_40] : memref<128x128xf32, #tpu.memory_space<vmem>> -> memref<64x128xf32, #tpu.memory_space<vmem>>
    %dma_wait3A_42 = arith.constant 0 : i32
    %dma_wait3A_43 = arith.constant 0 : i32
    %dma_wait3A_44 = tpu.memref_slice %arg7[%dma_wait3A_42, %dma_wait3A_43] : memref<10240x128xf32, #tpu.memory_space<hbm>> -> memref<64x128xf32, #tpu.memory_space<hbm>>
    %dma_wait3A_45 = arith.constant 64 : i32
    %dma_wait3A_46 = arith.constant 0 : i32
    %dma_wait3A_47 = tpu.memref_slice %arg17[%dma_wait3A_45, %dma_wait3A_46] : memref<128x128xf32, #tpu.memory_space<vmem>> -> memref<64x128xf32, #tpu.memory_space<vmem>>
    %dma_wait3A_48 = arith.constant 0 : i32
    %dma_wait3A_49 = arith.constant 0 : i32
    %dma_wait3A_50 = tpu.memref_slice %arg7[%dma_wait3A_48, %dma_wait3A_49] : memref<10240x128xf32, #tpu.memory_space<hbm>> -> memref<64x128xf32, #tpu.memory_space<hbm>>
    tpu.wait_dma2 semaphore(%arg21 : memref<!tpu.dma_semaphore, #tpu.memory_space<semaphore_mem>>) src(%dma_wait3A_50 : memref<64x128xf32, #tpu.memory_space<hbm>>) dst(%dma_wait3A_47 : memref<64x128xf32, #tpu.memory_space<vmem>>)
    "tpu.region"() ({
      %run_scoped3A = tpu.sem_alloc : memref<!tpu.dma_semaphore, #tpu.memory_space<semaphore_mem>>
      %dma_start3A_52 = arith.constant 0 : i32
      %dma_start3A_53 = tpu.memref_slice %arg10[%arg0, %arg1, %dma_start3A_52] : memref<2x16x10240xf32, #tpu.memory_space<hbm>> -> memref<1x1x10240xf32, #tpu.memory_space<hbm>>
      %dma_start3A_54 = tpu.memref_squeeze %dma_start3A_53 : memref<1x1x10240xf32, #tpu.memory_space<hbm>> -> memref<10240xf32, #tpu.memory_space<hbm>>
      %dma_start3A_55 = arith.constant 0 : i32
      %dma_start3A_56 = tpu.memref_slice %arg10[%arg0, %arg1, %dma_start3A_55] : memref<2x16x10240xf32, #tpu.memory_space<hbm>> -> memref<1x1x10240xf32, #tpu.memory_space<hbm>>
      %dma_start3A_57 = tpu.memref_squeeze %dma_start3A_56 : memref<1x1x10240xf32, #tpu.memory_space<hbm>> -> memref<10240xf32, #tpu.memory_space<hbm>>
      tpu.enqueue_dma source(%arg18 : memref<10240xf32, #tpu.memory_space<vmem>>) target(%dma_start3A_57 : memref<10240xf32, #tpu.memory_space<hbm>>) target_semaphore(%run_scoped3A : memref<!tpu.dma_semaphore, #tpu.memory_space<semaphore_mem>>)
      %dma_wait3A_58 = arith.constant 0 : i32
      %dma_wait3A_59 = tpu.memref_slice %arg10[%arg0, %arg1, %dma_wait3A_58] : memref<2x16x10240xf32, #tpu.memory_space<hbm>> -> memref<1x1x10240xf32, #tpu.memory_space<hbm>>
      %dma_wait3A_60 = tpu.memref_squeeze %dma_wait3A_59 : memref<1x1x10240xf32, #tpu.memory_space<hbm>> -> memref<10240xf32, #tpu.memory_space<hbm>>
      %dma_wait3A_61 = arith.constant 0 : i32
      %dma_wait3A_62 = tpu.memref_slice %arg10[%arg0, %arg1, %dma_wait3A_61] : memref<2x16x10240xf32, #tpu.memory_space<hbm>> -> memref<1x1x10240xf32, #tpu.memory_space<hbm>>
      %dma_wait3A_63 = tpu.memref_squeeze %dma_wait3A_62 : memref<1x1x10240xf32, #tpu.memory_space<hbm>> -> memref<10240xf32, #tpu.memory_space<hbm>>
      tpu.wait_dma2 semaphore(%run_scoped3A : memref<!tpu.dma_semaphore, #tpu.memory_space<semaphore_mem>>) src(%arg18 : memref<10240xf32, #tpu.memory_space<vmem>>) dst(%dma_wait3A_63 : memref<10240xf32, #tpu.memory_space<hbm>>)
      tpu.yield
    }) : () -> ()
    %barrier3A_51 = arith.constant 0 : index
    tpu.barrier barrier_id(%barrier3A_51)
    "tpu.region"() ({
      %run_scoped3A = tpu.sem_alloc : memref<!tpu.dma_semaphore, #tpu.memory_space<semaphore_mem>>
      %dma_start3A_52 = arith.constant 0 : i32
      %dma_start3A_53 = tpu.memref_slice %arg9[%arg0, %mul3A_2, %dma_start3A_52] : memref<2x10240x128xf32, #tpu.memory_space<hbm>> -> memref<1x640x128xf32, #tpu.memory_space<hbm>>
      %dma_start3A_54 = tpu.memref_squeeze %dma_start3A_53 : memref<1x640x128xf32, #tpu.memory_space<hbm>> -> memref<640x128xf32, #tpu.memory_space<hbm>>
      %dma_start3A_55 = arith.constant 0 : i32
      %dma_start3A_56 = tpu.memref_slice %arg19[%mul3A_2, %dma_start3A_55] : memref<10240x128xf32, #tpu.memory_space<vmem_shared>> -> memref<640x128xf32, #tpu.memory_space<vmem_shared>>
      tpu.enqueue_dma source(%dma_start3A_56 : memref<640x128xf32, #tpu.memory_space<vmem_shared>>) target(%dma_start3A_54 : memref<640x128xf32, #tpu.memory_space<hbm>>) target_semaphore(%run_scoped3A : memref<!tpu.dma_semaphore, #tpu.memory_space<semaphore_mem>>)
      %dma_wait3A_57 = arith.constant 0 : i32
      %dma_wait3A_58 = tpu.memref_slice %arg9[%arg0, %mul3A_2, %dma_wait3A_57] : memref<2x10240x128xf32, #tpu.memory_space<hbm>> -> memref<1x640x128xf32, #tpu.memory_space<hbm>>
      %dma_wait3A_59 = tpu.memref_squeeze %dma_wait3A_58 : memref<1x640x128xf32, #tpu.memory_space<hbm>> -> memref<640x128xf32, #tpu.memory_space<hbm>>
      %dma_wait3A_60 = arith.constant 0 : i32
      %dma_wait3A_61 = tpu.memref_slice %arg19[%mul3A_2, %dma_wait3A_60] : memref<10240x128xf32, #tpu.memory_space<vmem_shared>> -> memref<640x128xf32, #tpu.memory_space<vmem_shared>>
      tpu.wait_dma2 semaphore(%run_scoped3A : memref<!tpu.dma_semaphore, #tpu.memory_space<semaphore_mem>>) src(%dma_wait3A_61 : memref<640x128xf32, #tpu.memory_space<vmem_shared>>) dst(%dma_wait3A_59 : memref<640x128xf32, #tpu.memory_space<hbm>>)
      tpu.yield
    }) : () -> ()
    return
  }
}

#map = affine_map<(d0, d1) -> (0)>
#map1 = affine_map<(d0, d1) -> (0, 0, 0)>
#map2 = affine_map<(d0, d1) -> (0, 0)>
module attributes {stable_mosaic.version = 14 : i64} {
  func.func @body(%arg0: i32, %arg1: i32, %arg2: memref<10240xf32, #tpu.memory_space<hbm>>, %arg3: memref<10240xf32, #tpu.memory_space<hbm>>, %arg4: memref<16xf32, #tpu.memory_space<hbm>>, %arg5: memref<32x80x64xi32, #tpu.memory_space<hbm>>, %arg6: memref<32x80x64xi32, #tpu.memory_space<hbm>>, %arg7: memref<10240x128xf32, #tpu.memory_space<hbm>>, %arg8: memref<640x128xf32, #tpu.memory_space<hbm>>, %arg9: memref<2x10240x128xf32, #tpu.memory_space<hbm>>, %arg10: memref<2x16x10240xf32, #tpu.memory_space<hbm>>, %arg11: memref<16xf32, #tpu.memory_space<vmem>>, %arg12: memref<80x64xi32, #tpu.memory_space<vmem>>, %arg13: memref<80x64xi32, #tpu.memory_space<vmem>>, %arg14: memref<128xf32, #tpu.memory_space<vmem>>, %arg15: memref<128xf32, #tpu.memory_space<vmem>>, %arg16: memref<128xf32, #tpu.memory_space<vmem>>, %arg17: memref<128x128xf32, #tpu.memory_space<vmem>>, %arg18: memref<10240xf32, #tpu.memory_space<vmem>>, %arg19: memref<10240x128xf32, #tpu.memory_space<vmem_shared>>, %arg20: memref<!tpu.dma_semaphore, #tpu.memory_space<semaphore_mem>>, %arg21: memref<!tpu.dma_semaphore, #tpu.memory_space<semaphore_mem>>) attributes {dimension_semantics = [#tpu.dimension_semantics<core_parallel>, #tpu.dimension_semantics<subcore_parallel>], iteration_bounds = array<i64: 2, 16>, scalar_prefetch = 0 : i64, scratch_operands = 11 : i64, tpu.core_type = #tpu.core_type<sc_vector_subcore>, window_params = [{transform_indices = #map}, {transform_indices = #map}, {transform_indices = #map}, {transform_indices = #map1}, {transform_indices = #map1}, {transform_indices = #map2}, {transform_indices = #map2}, {transform_indices = #map1}, {transform_indices = #map1}]} {
    %mul3A = arith.constant 16 : i32
    %mul3A_0 = arith.muli %arg0, %mul3A : i32
    %add3A = arith.addi %mul3A_0, %arg1 : i32
    "tpu.region"() ({
      %run_scoped3A = tpu.sem_alloc : memref<!tpu.dma_semaphore, #tpu.memory_space<semaphore_mem>>
      tpu.enqueue_dma source(%arg4 : memref<16xf32, #tpu.memory_space<hbm>>) target(%arg11 : memref<16xf32, #tpu.memory_space<vmem>>) target_semaphore(%run_scoped3A : memref<!tpu.dma_semaphore, #tpu.memory_space<semaphore_mem>>)
      tpu.wait_dma2 semaphore(%run_scoped3A : memref<!tpu.dma_semaphore, #tpu.memory_space<semaphore_mem>>) src(%arg4 : memref<16xf32, #tpu.memory_space<hbm>>) dst(%arg11 : memref<16xf32, #tpu.memory_space<vmem>>)
      tpu.yield
    }) : () -> ()
    "tpu.region"() ({
      %run_scoped3A = tpu.sem_alloc : memref<!tpu.dma_semaphore, #tpu.memory_space<semaphore_mem>>
      %dma_start3A_52 = arith.constant 0 : i32
      %dma_start3A_53 = arith.constant 0 : i32
      %dma_start3A_54 = tpu.memref_slice %arg5[%add3A, %dma_start3A_52, %dma_start3A_53] : memref<32x80x64xi32, #tpu.memory_space<hbm>> -> memref<1x80x64xi32, #tpu.memory_space<hbm>>
      %dma_start3A_55 = tpu.memref_squeeze %dma_start3A_54 : memref<1x80x64xi32, #tpu.memory_space<hbm>> -> memref<80x64xi32, #tpu.memory_space<hbm>>
      %dma_start3A_56 = arith.constant 0 : i32
      %dma_start3A_57 = arith.constant 0 : i32
      %dma_start3A_58 = tpu.memref_slice %arg5[%add3A, %dma_start3A_56, %dma_start3A_57] : memref<32x80x64xi32, #tpu.memory_space<hbm>> -> memref<1x80x64xi32, #tpu.memory_space<hbm>>
      %dma_start3A_59 = tpu.memref_squeeze %dma_start3A_58 : memref<1x80x64xi32, #tpu.memory_space<hbm>> -> memref<80x64xi32, #tpu.memory_space<hbm>>
      tpu.enqueue_dma source(%dma_start3A_59 : memref<80x64xi32, #tpu.memory_space<hbm>>) target(%arg12 : memref<80x64xi32, #tpu.memory_space<vmem>>) target_semaphore(%run_scoped3A : memref<!tpu.dma_semaphore, #tpu.memory_space<semaphore_mem>>)
      %dma_wait3A_60 = arith.constant 0 : i32
      %dma_wait3A_61 = arith.constant 0 : i32
      %dma_wait3A_62 = tpu.memref_slice %arg5[%add3A, %dma_wait3A_60, %dma_wait3A_61] : memref<32x80x64xi32, #tpu.memory_space<hbm>> -> memref<1x80x64xi32, #tpu.memory_space<hbm>>
      %dma_wait3A_63 = tpu.memref_squeeze %dma_wait3A_62 : memref<1x80x64xi32, #tpu.memory_space<hbm>> -> memref<80x64xi32, #tpu.memory_space<hbm>>
      %dma_wait3A_64 = arith.constant 0 : i32
      %dma_wait3A_65 = arith.constant 0 : i32
      %dma_wait3A_66 = tpu.memref_slice %arg5[%add3A, %dma_wait3A_64, %dma_wait3A_65] : memref<32x80x64xi32, #tpu.memory_space<hbm>> -> memref<1x80x64xi32, #tpu.memory_space<hbm>>
      %dma_wait3A_67 = tpu.memref_squeeze %dma_wait3A_66 : memref<1x80x64xi32, #tpu.memory_space<hbm>> -> memref<80x64xi32, #tpu.memory_space<hbm>>
      tpu.wait_dma2 semaphore(%run_scoped3A : memref<!tpu.dma_semaphore, #tpu.memory_space<semaphore_mem>>) src(%dma_wait3A_67 : memref<80x64xi32, #tpu.memory_space<hbm>>) dst(%arg12 : memref<80x64xi32, #tpu.memory_space<vmem>>)
      tpu.yield
    }) : () -> ()
    "tpu.region"() ({
      %run_scoped3A = tpu.sem_alloc : memref<!tpu.dma_semaphore, #tpu.memory_space<semaphore_mem>>
      %dma_start3A_52 = arith.constant 0 : i32
      %dma_start3A_53 = arith.constant 0 : i32
      %dma_start3A_54 = tpu.memref_slice %arg6[%add3A, %dma_start3A_52, %dma_start3A_53] : memref<32x80x64xi32, #tpu.memory_space<hbm>> -> memref<1x80x64xi32, #tpu.memory_space<hbm>>
      %dma_start3A_55 = tpu.memref_squeeze %dma_start3A_54 : memref<1x80x64xi32, #tpu.memory_space<hbm>> -> memref<80x64xi32, #tpu.memory_space<hbm>>
      %dma_start3A_56 = arith.constant 0 : i32
      %dma_start3A_57 = arith.constant 0 : i32
      %dma_start3A_58 = tpu.memref_slice %arg6[%add3A, %dma_start3A_56, %dma_start3A_57] : memref<32x80x64xi32, #tpu.memory_space<hbm>> -> memref<1x80x64xi32, #tpu.memory_space<hbm>>
      %dma_start3A_59 = tpu.memref_squeeze %dma_start3A_58 : memref<1x80x64xi32, #tpu.memory_space<hbm>> -> memref<80x64xi32, #tpu.memory_space<hbm>>
      tpu.enqueue_dma source(%dma_start3A_59 : memref<80x64xi32, #tpu.memory_space<hbm>>) target(%arg13 : memref<80x64xi32, #tpu.memory_space<vmem>>) target_semaphore(%run_scoped3A : memref<!tpu.dma_semaphore, #tpu.memory_space<semaphore_mem>>)
      %dma_wait3A_60 = arith.constant 0 : i32
      %dma_wait3A_61 = arith.constant 0 : i32
      %dma_wait3A_62 = tpu.memref_slice %arg6[%add3A, %dma_wait3A_60, %dma_wait3A_61] : memref<32x80x64xi32, #tpu.memory_space<hbm>> -> memref<1x80x64xi32, #tpu.memory_space<hbm>>
      %dma_wait3A_63 = tpu.memref_squeeze %dma_wait3A_62 : memref<1x80x64xi32, #tpu.memory_space<hbm>> -> memref<80x64xi32, #tpu.memory_space<hbm>>
      %dma_wait3A_64 = arith.constant 0 : i32
      %dma_wait3A_65 = arith.constant 0 : i32
      %dma_wait3A_66 = tpu.memref_slice %arg6[%add3A, %dma_wait3A_64, %dma_wait3A_65] : memref<32x80x64xi32, #tpu.memory_space<hbm>> -> memref<1x80x64xi32, #tpu.memory_space<hbm>>
      %dma_wait3A_67 = tpu.memref_squeeze %dma_wait3A_66 : memref<1x80x64xi32, #tpu.memory_space<hbm>> -> memref<80x64xi32, #tpu.memory_space<hbm>>
      tpu.wait_dma2 semaphore(%run_scoped3A : memref<!tpu.dma_semaphore, #tpu.memory_space<semaphore_mem>>) src(%dma_wait3A_67 : memref<80x64xi32, #tpu.memory_space<hbm>>) dst(%arg13 : memref<80x64xi32, #tpu.memory_space<vmem>>)
      tpu.yield
    }) : () -> ()
    %mul3A_1 = arith.constant 640 : i32
    %mul3A_2 = arith.muli %arg1, %mul3A_1 : i32
    "tpu.region"() ({
      %run_scoped3A = tpu.sem_alloc : memref<!tpu.dma_semaphore, #tpu.memory_space<semaphore_mem>>
      %dma_start3A_52 = arith.constant 0 : i32
      %dma_start3A_53 = tpu.memref_slice %arg19[%mul3A_2, %dma_start3A_52] : memref<10240x128xf32, #tpu.memory_space<vmem_shared>> -> memref<640x128xf32, #tpu.memory_space<vmem_shared>>
      tpu.enqueue_dma source(%arg8 : memref<640x128xf32, #tpu.memory_space<hbm>>) target(%dma_start3A_53 : memref<640x128xf32, #tpu.memory_space<vmem_shared>>) target_semaphore(%run_scoped3A : memref<!tpu.dma_semaphore, #tpu.memory_space<semaphore_mem>>)
      %dma_wait3A_54 = arith.constant 0 : i32
      %dma_wait3A_55 = tpu.memref_slice %arg19[%mul3A_2, %dma_wait3A_54] : memref<10240x128xf32, #tpu.memory_space<vmem_shared>> -> memref<640x128xf32, #tpu.memory_space<vmem_shared>>
      tpu.wait_dma2 semaphore(%run_scoped3A : memref<!tpu.dma_semaphore, #tpu.memory_space<semaphore_mem>>) src(%arg8 : memref<640x128xf32, #tpu.memory_space<hbm>>) dst(%dma_wait3A_55 : memref<640x128xf32, #tpu.memory_space<vmem_shared>>)
      tpu.yield
    }) : () -> ()
    %scan3A = arith.constant 0 : i32
    %scan3A_3 = arith.constant 0 : i32
    %scan3A_4 = arith.constant 640 : i32
    %scan3A_5 = arith.addi %scan3A_3, %scan3A_4 : i32
    %scan3A_6 = arith.constant 8 : i32
    scf.for %scan3A_52 = %scan3A_3 to %scan3A_5 step %scan3A_6  : i32 {
      %broadcast_in_dim3A = arith.constant 0.000000e+00 : f32
      %broadcast_in_dim3A_53 = vector.broadcast %broadcast_in_dim3A : f32 to vector<16xf32>
      %mul3A_54 = arith.constant 16 : i32
      %mul3A_55 = arith.muli %scan3A_52, %mul3A_54 : i32
      %swap3A = arith.index_cast %mul3A_55 : i32 to index
      %swap3A_56 = tpu.vector_load %arg18[%swap3A] {strides = array<i32>} : memref<10240xf32, #tpu.memory_space<vmem>>, vector<16xf32>,
      tpu.vector_store %arg18[%swap3A], %broadcast_in_dim3A_53 {strides = array<i32>} : memref<10240xf32, #tpu.memory_space<vmem>>, vector<16xf32>,
      %scan3A_57 = arith.constant 1 : i32
      %scan3A_58 = arith.addi %scan3A_52, %scan3A_57 : i32
      %broadcast_in_dim3A_59 = arith.constant 0.000000e+00 : f32
      %broadcast_in_dim3A_60 = vector.broadcast %broadcast_in_dim3A_59 : f32 to vector<16xf32>
      %mul3A_61 = arith.constant 16 : i32
      %mul3A_62 = arith.muli %scan3A_58, %mul3A_61 : i32
      %swap3A_63 = arith.index_cast %mul3A_62 : i32 to index
      %swap3A_64 = tpu.vector_load %arg18[%swap3A_63] {strides = array<i32>} : memref<10240xf32, #tpu.memory_space<vmem>>, vector<16xf32>,
      tpu.vector_store %arg18[%swap3A_63], %broadcast_in_dim3A_60 {strides = array<i32>} : memref<10240xf32, #tpu.memory_space<vmem>>, vector<16xf32>,
      %scan3A_65 = arith.constant 2 : i32
      %scan3A_66 = arith.addi %scan3A_52, %scan3A_65 : i32
      %broadcast_in_dim3A_67 = arith.constant 0.000000e+00 : f32
      %broadcast_in_dim3A_68 = vector.broadcast %broadcast_in_dim3A_67 : f32 to vector<16xf32>
      %mul3A_69 = arith.constant 16 : i32
      %mul3A_70 = arith.muli %scan3A_66, %mul3A_69 : i32
      %swap3A_71 = arith.index_cast %mul3A_70 : i32 to index
      %swap3A_72 = tpu.vector_load %arg18[%swap3A_71] {strides = array<i32>} : memref<10240xf32, #tpu.memory_space<vmem>>, vector<16xf32>,
      tpu.vector_store %arg18[%swap3A_71], %broadcast_in_dim3A_68 {strides = array<i32>} : memref<10240xf32, #tpu.memory_space<vmem>>, vector<16xf32>,
      %scan3A_73 = arith.constant 3 : i32
      %scan3A_74 = arith.addi %scan3A_52, %scan3A_73 : i32
      %broadcast_in_dim3A_75 = arith.constant 0.000000e+00 : f32
      %broadcast_in_dim3A_76 = vector.broadcast %broadcast_in_dim3A_75 : f32 to vector<16xf32>
      %mul3A_77 = arith.constant 16 : i32
      %mul3A_78 = arith.muli %scan3A_74, %mul3A_77 : i32
      %swap3A_79 = arith.index_cast %mul3A_78 : i32 to index
      %swap3A_80 = tpu.vector_load %arg18[%swap3A_79] {strides = array<i32>} : memref<10240xf32, #tpu.memory_space<vmem>>, vector<16xf32>,
      tpu.vector_store %arg18[%swap3A_79], %broadcast_in_dim3A_76 {strides = array<i32>} : memref<10240xf32, #tpu.memory_space<vmem>>, vector<16xf32>,
      %scan3A_81 = arith.constant 4 : i32
      %scan3A_82 = arith.addi %scan3A_52, %scan3A_81 : i32
      %broadcast_in_dim3A_83 = arith.constant 0.000000e+00 : f32
      %broadcast_in_dim3A_84 = vector.broadcast %broadcast_in_dim3A_83 : f32 to vector<16xf32>
      %mul3A_85 = arith.constant 16 : i32
      %mul3A_86 = arith.muli %scan3A_82, %mul3A_85 : i32
      %swap3A_87 = arith.index_cast %mul3A_86 : i32 to index
      %swap3A_88 = tpu.vector_load %arg18[%swap3A_87] {strides = array<i32>} : memref<10240xf32, #tpu.memory_space<vmem>>, vector<16xf32>,
      tpu.vector_store %arg18[%swap3A_87], %broadcast_in_dim3A_84 {strides = array<i32>} : memref<10240xf32, #tpu.memory_space<vmem>>, vector<16xf32>,
      %scan3A_89 = arith.constant 5 : i32
      %scan3A_90 = arith.addi %scan3A_52, %scan3A_89 : i32
      %broadcast_in_dim3A_91 = arith.constant 0.000000e+00 : f32
      %broadcast_in_dim3A_92 = vector.broadcast %broadcast_in_dim3A_91 : f32 to vector<16xf32>
      %mul3A_93 = arith.constant 16 : i32
      %mul3A_94 = arith.muli %scan3A_90, %mul3A_93 : i32
      %swap3A_95 = arith.index_cast %mul3A_94 : i32 to index
      %swap3A_96 = tpu.vector_load %arg18[%swap3A_95] {strides = array<i32>} : memref<10240xf32, #tpu.memory_space<vmem>>, vector<16xf32>,
      tpu.vector_store %arg18[%swap3A_95], %broadcast_in_dim3A_92 {strides = array<i32>} : memref<10240xf32, #tpu.memory_space<vmem>>, vector<16xf32>,
      %scan3A_97 = arith.constant 6 : i32
      %scan3A_98 = arith.addi %scan3A_52, %scan3A_97 : i32
      %broadcast_in_dim3A_99 = arith.constant 0.000000e+00 : f32
      %broadcast_in_dim3A_100 = vector.broadcast %broadcast_in_dim3A_99 : f32 to vector<16xf32>
      %mul3A_101 = arith.constant 16 : i32
      %mul3A_102 = arith.muli %scan3A_98, %mul3A_101 : i32
      %swap3A_103 = arith.index_cast %mul3A_102 : i32 to index
      %swap3A_104 = tpu.vector_load %arg18[%swap3A_103] {strides = array<i32>} : memref<10240xf32, #tpu.memory_space<vmem>>, vector<16xf32>,
      tpu.vector_store %arg18[%swap3A_103], %broadcast_in_dim3A_100 {strides = array<i32>} : memref<10240xf32, #tpu.memory_space<vmem>>, vector<16xf32>,
      %scan3A_105 = arith.constant 7 : i32
      %scan3A_106 = arith.addi %scan3A_52, %scan3A_105 : i32
      %broadcast_in_dim3A_107 = arith.constant 0.000000e+00 : f32
      %broadcast_in_dim3A_108 = vector.broadcast %broadcast_in_dim3A_107 : f32 to vector<16xf32>
      %mul3A_109 = arith.constant 16 : i32
      %mul3A_110 = arith.muli %scan3A_106, %mul3A_109 : i32
      %swap3A_111 = arith.index_cast %mul3A_110 : i32 to index
      %swap3A_112 = tpu.vector_load %arg18[%swap3A_111] {strides = array<i32>} : memref<10240xf32, #tpu.memory_space<vmem>>, vector<16xf32>,
      tpu.vector_store %arg18[%swap3A_111], %broadcast_in_dim3A_108 {strides = array<i32>} : memref<10240xf32, #tpu.memory_space<vmem>>, vector<16xf32>,
    }
    %scan3A_7 = arith.constant 640 : i32
    %barrier3A = arith.constant 0 : index
    tpu.barrier barrier_id(%barrier3A)
    %get3A = arith.constant 0 : index
    %get3A_8 = tpu.vector_load %arg11[%get3A] {strides = array<i32>} : memref<16xf32, #tpu.memory_space<vmem>>, vector<16xf32>,
    %dma_start3A = arith.constant 0 : i32
    %dma_start3A_9 = arith.constant 0 : i32
    %dma_start3A_10 = arith.constant 0 : i32
    %dma_start3A_11 = tpu.memref_slice %arg17[%dma_start3A_9, %dma_start3A_10] : memref<128x128xf32, #tpu.memory_space<vmem>> -> memref<64x128xf32, #tpu.memory_space<vmem>>
    %dma_start3A_12 = arith.constant 0 : i32
    %dma_start3A_13 = tpu.memref_slice %arg12[%dma_start3A, %dma_start3A_12] : memref<80x64xi32, #tpu.memory_space<vmem>> -> memref<1x64xi32, #tpu.memory_space<vmem>>
    %dma_start3A_14 = tpu.memref_squeeze %dma_start3A_13 : memref<1x64xi32, #tpu.memory_space<vmem>> -> memref<64xi32, #tpu.memory_space<vmem>>
    %dma_start3A_15 = arith.constant 0 : i32
    %dma_start3A_16 = arith.constant 0 : i32
    %dma_start3A_17 = tpu.memref_slice %arg7[%dma_start3A_15, %dma_start3A_16] : memref<10240x128xf32, #tpu.memory_space<hbm>> -> memref<10240x128xf32, #tpu.memory_space<hbm>>
    tpu.enqueue_indirect_dma source(%dma_start3A_17 : memref<10240x128xf32, #tpu.memory_space<hbm>>) target(%dma_start3A_11 : memref<64x128xf32, #tpu.memory_space<vmem>>) offsets(%dma_start3A_14 : memref<64xi32, #tpu.memory_space<vmem>>) semaphore(%arg20 : memref<!tpu.dma_semaphore, #tpu.memory_space<semaphore_mem>>)
    %dma_start3A_18 = arith.constant 0 : i32
    %dma_start3A_19 = arith.constant 0 : i32
    %dma_start3A_20 = tpu.memref_slice %arg15[%dma_start3A_19] : memref<128xf32, #tpu.memory_space<vmem>> -> memref<64xf32, #tpu.memory_space<vmem>>
    %dma_start3A_21 = arith.constant 0 : i32
    %dma_start3A_22 = tpu.memref_slice %arg12[%dma_start3A_18, %dma_start3A_21] : memref<80x64xi32, #tpu.memory_space<vmem>> -> memref<1x64xi32, #tpu.memory_space<vmem>>
    %dma_start3A_23 = tpu.memref_squeeze %dma_start3A_22 : memref<1x64xi32, #tpu.memory_space<vmem>> -> memref<64xi32, #tpu.memory_space<vmem>>
    %dma_start3A_24 = arith.constant 0 : i32
    %dma_start3A_25 = tpu.memref_slice %arg2[%dma_start3A_24] : memref<10240xf32, #tpu.memory_space<hbm>> -> memref<10240xf32, #tpu.memory_space<hbm>>
    tpu.enqueue_indirect_dma source(%dma_start3A_25 : memref<10240xf32, #tpu.memory_space<hbm>>) target(%dma_start3A_20 : memref<64xf32, #tpu.memory_space<vmem>>) offsets(%dma_start3A_23 : memref<64xi32, #tpu.memory_space<vmem>>) semaphore(%arg20 : memref<!tpu.dma_semaphore, #tpu.memory_space<semaphore_mem>>)
    %dma_start3A_26 = arith.constant 0 : i32
    %dma_start3A_27 = arith.constant 0 : i32
    %dma_start3A_28 = tpu.memref_slice %arg16[%dma_start3A_27] : memref<128xf32, #tpu.memory_space<vmem>> -> memref<64xf32, #tpu.memory_space<vmem>>
    %dma_start3A_29 = arith.constant 0 : i32
    %dma_start3A_30 = tpu.memref_slice %arg13[%dma_start3A_26, %dma_start3A_29] : memref<80x64xi32, #tpu.memory_space<vmem>> -> memref<1x64xi32, #tpu.memory_space<vmem>>
    %dma_start3A_31 = tpu.memref_squeeze %dma_start3A_30 : memref<1x64xi32, #tpu.memory_space<vmem>> -> memref<64xi32, #tpu.memory_space<vmem>>
    %dma_start3A_32 = arith.constant 0 : i32
    %dma_start3A_33 = tpu.memref_slice %arg3[%dma_start3A_32] : memref<10240xf32, #tpu.memory_space<hbm>> -> memref<10240xf32, #tpu.memory_space<hbm>>
    tpu.enqueue_indirect_dma source(%dma_start3A_33 : memref<10240xf32, #tpu.memory_space<hbm>>) target(%dma_start3A_28 : memref<64xf32, #tpu.memory_space<vmem>>) offsets(%dma_start3A_31 : memref<64xi32, #tpu.memory_space<vmem>>) semaphore(%arg20 : memref<!tpu.dma_semaphore, #tpu.memory_space<semaphore_mem>>)
    %scan3A_34 = arith.constant 0 : i32
    %scan3A_35 = arith.constant 0 : i32
    %scan3A_36 = arith.constant 80 : i32
    %scan3A_37 = arith.addi %scan3A_35, %scan3A_36 : i32
    %scan3A_38 = arith.constant 1 : i32
    scf.for %scan3A_52 = %scan3A_35 to %scan3A_37 step %scan3A_38  : i32 {
      %jit3A = arith.constant 2 : i32
      %eq3A = arith.constant 0 : i32
      %eq3A_53 = arith.cmpi eq, %jit3A, %eq3A : i32
      %jit3A_54 = arith.constant 1 : i32
      %select_n3A = arith.select %eq3A_53, %jit3A_54, %jit3A : i32
      %rem3A = arith.remsi %scan3A_52, %select_n3A : i32
      %ne3A = arith.constant 0 : i32
      %ne3A_55 = arith.cmpi ne, %rem3A, %ne3A : i32
      %lt3A = arith.constant 0 : i32
      %lt3A_56 = arith.cmpi slt, %rem3A, %lt3A : i32
      %lt3A_57 = arith.constant 0 : i32
      %lt3A_58 = arith.cmpi slt, %select_n3A, %lt3A_57 : i32
      %ne3A_59 = arith.xori %lt3A_56, %lt3A_58 : i1
      %and3A = arith.andi %ne3A_59, %ne3A_55 : i1
      %add3A_60 = arith.addi %rem3A, %select_n3A : i32
      %select_n3A_61 = arith.select %and3A, %add3A_60, %rem3A : i32
      %mul3A_62 = arith.constant 64 : i32
      %mul3A_63 = arith.muli %select_n3A_61, %mul3A_62 : i32
      %sub3A = arith.constant 64 : i32
      %sub3A_64 = arith.subi %sub3A, %mul3A_63 : i32
      %dma_wait3A_65 = arith.constant 0 : i32
      %dma_wait3A_66 = tpu.memref_slice %arg17[%mul3A_63, %dma_wait3A_65] : memref<128x128xf32, #tpu.memory_space<vmem>> -> memref<64x128xf32, #tpu.memory_space<vmem>>
      %dma_wait3A_67 = arith.constant 0 : i32
      %dma_wait3A_68 = tpu.memref_slice %arg12[%scan3A_52, %dma_wait3A_67] : memref<80x64xi32, #tpu.memory_space<vmem>> -> memref<1x64xi32, #tpu.memory_space<vmem>>
      %dma_wait3A_69 = tpu.memref_squeeze %dma_wait3A_68 : memref<1x64xi32, #tpu.memory_space<vmem>> -> memref<64xi32, #tpu.memory_space<vmem>>
      %dma_wait3A_70 = arith.constant 0 : i32
      %dma_wait3A_71 = arith.constant 0 : i32
      %dma_wait3A_72 = tpu.memref_slice %arg7[%dma_wait3A_70, %dma_wait3A_71] : memref<10240x128xf32, #tpu.memory_space<hbm>> -> memref<10240x128xf32, #tpu.memory_space<hbm>>
      tpu.wait_indirect_dma semaphore(%arg20 : memref<!tpu.dma_semaphore, #tpu.memory_space<semaphore_mem>>) src(%dma_wait3A_72 : memref<10240x128xf32, #tpu.memory_space<hbm>>) dst(%dma_wait3A_66 : memref<64x128xf32, #tpu.memory_space<vmem>>)
      %dma_wait3A_73 = tpu.memref_slice %arg15[%mul3A_63] : memref<128xf32, #tpu.memory_space<vmem>> -> memref<64xf32, #tpu.memory_space<vmem>>
      %dma_wait3A_74 = arith.constant 0 : i32
      %dma_wait3A_75 = tpu.memref_slice %arg12[%scan3A_52, %dma_wait3A_74] : memref<80x64xi32, #tpu.memory_space<vmem>> -> memref<1x64xi32, #tpu.memory_space<vmem>>
      %dma_wait3A_76 = tpu.memref_squeeze %dma_wait3A_75 : memref<1x64xi32, #tpu.memory_space<vmem>> -> memref<64xi32, #tpu.memory_space<vmem>>
      %dma_wait3A_77 = arith.constant 0 : i32
      %dma_wait3A_78 = tpu.memref_slice %arg2[%dma_wait3A_77] : memref<10240xf32, #tpu.memory_space<hbm>> -> memref<10240xf32, #tpu.memory_space<hbm>>
      tpu.wait_indirect_dma semaphore(%arg20 : memref<!tpu.dma_semaphore, #tpu.memory_space<semaphore_mem>>) src(%dma_wait3A_78 : memref<10240xf32, #tpu.memory_space<hbm>>) dst(%dma_wait3A_73 : memref<64xf32, #tpu.memory_space<vmem>>)
      %dma_wait3A_79 = tpu.memref_slice %arg16[%mul3A_63] : memref<128xf32, #tpu.memory_space<vmem>> -> memref<64xf32, #tpu.memory_space<vmem>>
      %dma_wait3A_80 = arith.constant 0 : i32
      %dma_wait3A_81 = tpu.memref_slice %arg13[%scan3A_52, %dma_wait3A_80] : memref<80x64xi32, #tpu.memory_space<vmem>> -> memref<1x64xi32, #tpu.memory_space<vmem>>
      %dma_wait3A_82 = tpu.memref_squeeze %dma_wait3A_81 : memref<1x64xi32, #tpu.memory_space<vmem>> -> memref<64xi32, #tpu.memory_space<vmem>>
      %dma_wait3A_83 = arith.constant 0 : i32
      %dma_wait3A_84 = tpu.memref_slice %arg3[%dma_wait3A_83] : memref<10240xf32, #tpu.memory_space<hbm>> -> memref<10240xf32, #tpu.memory_space<hbm>>
      tpu.wait_indirect_dma semaphore(%arg20 : memref<!tpu.dma_semaphore, #tpu.memory_space<semaphore_mem>>) src(%dma_wait3A_84 : memref<10240xf32, #tpu.memory_space<hbm>>) dst(%dma_wait3A_79 : memref<64xf32, #tpu.memory_space<vmem>>)
      %ge3A = arith.constant 1 : i32
      %ge3A_85 = arith.cmpi sge, %scan3A_52, %ge3A : i32
      %convert_element_type3A = arith.extui %ge3A_85 : i1 to i32
      %cond3A = arith.constant 0 : i32
      %cond3A_86 = arith.cmpi ne, %convert_element_type3A, %cond3A : i32
      scf.if %cond3A_86 {
        %dma_wait3A_230 = arith.constant 0 : i32
        %dma_wait3A_231 = tpu.memref_slice %arg17[%sub3A_64, %dma_wait3A_230] : memref<128x128xf32, #tpu.memory_space<vmem>> -> memref<64x128xf32, #tpu.memory_space<vmem>>
        %dma_wait3A_232 = arith.constant 0 : i32
        %dma_wait3A_233 = arith.constant 0 : i32
        %dma_wait3A_234 = tpu.memref_slice %arg7[%dma_wait3A_232, %dma_wait3A_233] : memref<10240x128xf32, #tpu.memory_space<hbm>> -> memref<64x128xf32, #tpu.memory_space<hbm>>
        %dma_wait3A_235 = arith.constant 0 : i32
        %dma_wait3A_236 = tpu.memref_slice %arg17[%sub3A_64, %dma_wait3A_235] : memref<128x128xf32, #tpu.memory_space<vmem>> -> memref<64x128xf32, #tpu.memory_space<vmem>>
        %dma_wait3A_237 = arith.constant 0 : i32
        %dma_wait3A_238 = arith.constant 0 : i32
        %dma_wait3A_239 = tpu.memref_slice %arg7[%dma_wait3A_237, %dma_wait3A_238] : memref<10240x128xf32, #tpu.memory_space<hbm>> -> memref<64x128xf32, #tpu.memory_space<hbm>>
        tpu.wait_dma2 semaphore(%arg21 : memref<!tpu.dma_semaphore, #tpu.memory_space<semaphore_mem>>) src(%dma_wait3A_239 : memref<64x128xf32, #tpu.memory_space<hbm>>) dst(%dma_wait3A_236 : memref<64x128xf32, #tpu.memory_space<vmem>>)
      } else {
      }
      %add3A_87 = arith.constant 1 : i32
      %add3A_88 = arith.addi %scan3A_52, %add3A_87 : i32
      %lt3A_89 = arith.constant 80 : i32
      %lt3A_90 = arith.cmpi slt, %add3A_88, %lt3A_89 : i32
      %convert_element_type3A_91 = arith.extui %lt3A_90 : i1 to i32
      %cond3A_92 = arith.constant 0 : i32
      %cond3A_93 = arith.cmpi ne, %convert_element_type3A_91, %cond3A_92 : i32
      scf.if %cond3A_93 {
        %add3A_230 = arith.constant 1 : i32
        %add3A_231 = arith.addi %scan3A_52, %add3A_230 : i32
        %dma_start3A_232 = arith.constant 0 : i32
        %dma_start3A_233 = tpu.memref_slice %arg17[%sub3A_64, %dma_start3A_232] : memref<128x128xf32, #tpu.memory_space<vmem>> -> memref<64x128xf32, #tpu.memory_space<vmem>>
        %dma_start3A_234 = arith.constant 0 : i32
        %dma_start3A_235 = tpu.memref_slice %arg12[%add3A_231, %dma_start3A_234] : memref<80x64xi32, #tpu.memory_space<vmem>> -> memref<1x64xi32, #tpu.memory_space<vmem>>
        %dma_start3A_236 = tpu.memref_squeeze %dma_start3A_235 : memref<1x64xi32, #tpu.memory_space<vmem>> -> memref<64xi32, #tpu.memory_space<vmem>>
        %dma_start3A_237 = arith.constant 0 : i32
        %dma_start3A_238 = arith.constant 0 : i32
        %dma_start3A_239 = tpu.memref_slice %arg7[%dma_start3A_237, %dma_start3A_238] : memref<10240x128xf32, #tpu.memory_space<hbm>> -> memref<10240x128xf32, #tpu.memory_space<hbm>>
        tpu.enqueue_indirect_dma source(%dma_start3A_239 : memref<10240x128xf32, #tpu.memory_space<hbm>>) target(%dma_start3A_233 : memref<64x128xf32, #tpu.memory_space<vmem>>) offsets(%dma_start3A_236 : memref<64xi32, #tpu.memory_space<vmem>>) semaphore(%arg20 : memref<!tpu.dma_semaphore, #tpu.memory_space<semaphore_mem>>)
        %dma_start3A_240 = tpu.memref_slice %arg15[%sub3A_64] : memref<128xf32, #tpu.memory_space<vmem>> -> memref<64xf32, #tpu.memory_space<vmem>>
        %dma_start3A_241 = arith.constant 0 : i32
        %dma_start3A_242 = tpu.memref_slice %arg12[%add3A_231, %dma_start3A_241] : memref<80x64xi32, #tpu.memory_space<vmem>> -> memref<1x64xi32, #tpu.memory_space<vmem>>
        %dma_start3A_243 = tpu.memref_squeeze %dma_start3A_242 : memref<1x64xi32, #tpu.memory_space<vmem>> -> memref<64xi32, #tpu.memory_space<vmem>>
        %dma_start3A_244 = arith.constant 0 : i32
        %dma_start3A_245 = tpu.memref_slice %arg2[%dma_start3A_244] : memref<10240xf32, #tpu.memory_space<hbm>> -> memref<10240xf32, #tpu.memory_space<hbm>>
        tpu.enqueue_indirect_dma source(%dma_start3A_245 : memref<10240xf32, #tpu.memory_space<hbm>>) target(%dma_start3A_240 : memref<64xf32, #tpu.memory_space<vmem>>) offsets(%dma_start3A_243 : memref<64xi32, #tpu.memory_space<vmem>>) semaphore(%arg20 : memref<!tpu.dma_semaphore, #tpu.memory_space<semaphore_mem>>)
        %dma_start3A_246 = tpu.memref_slice %arg16[%sub3A_64] : memref<128xf32, #tpu.memory_space<vmem>> -> memref<64xf32, #tpu.memory_space<vmem>>
        %dma_start3A_247 = arith.constant 0 : i32
        %dma_start3A_248 = tpu.memref_slice %arg13[%add3A_231, %dma_start3A_247] : memref<80x64xi32, #tpu.memory_space<vmem>> -> memref<1x64xi32, #tpu.memory_space<vmem>>
        %dma_start3A_249 = tpu.memref_squeeze %dma_start3A_248 : memref<1x64xi32, #tpu.memory_space<vmem>> -> memref<64xi32, #tpu.memory_space<vmem>>
        %dma_start3A_250 = arith.constant 0 : i32
        %dma_start3A_251 = tpu.memref_slice %arg3[%dma_start3A_250] : memref<10240xf32, #tpu.memory_space<hbm>> -> memref<10240xf32, #tpu.memory_space<hbm>>
        tpu.enqueue_indirect_dma source(%dma_start3A_251 : memref<10240xf32, #tpu.memory_space<hbm>>) target(%dma_start3A_246 : memref<64xf32, #tpu.memory_space<vmem>>) offsets(%dma_start3A_249 : memref<64xi32, #tpu.memory_space<vmem>>) semaphore(%arg20 : memref<!tpu.dma_semaphore, #tpu.memory_space<semaphore_mem>>)
      } else {
      }
      %add3A_94 = arith.constant 0 : i32
      %add3A_95 = arith.addi %mul3A_63, %add3A_94 : i32
      %get3A_96 = arith.index_cast %scan3A_52 : i32 to index
      %get3A_97 = arith.constant 0 : index
      %get3A_98 = tpu.vector_load %arg13[%get3A_96, %get3A_97] {strides = array<i32>} : memref<80x64xi32, #tpu.memory_space<vmem>>, vector<16xi32>,
      %get3A_99 = arith.index_cast %add3A_95 : i32 to index
      %get3A_100 = tpu.vector_load %arg15[%get3A_99] {strides = array<i32>} : memref<128xf32, #tpu.memory_space<vmem>>, vector<16xf32>,
      %get3A_101 = arith.index_cast %add3A_95 : i32 to index
      %get3A_102 = tpu.vector_load %arg16[%get3A_101] {strides = array<i32>} : memref<128xf32, #tpu.memory_space<vmem>>, vector<16xf32>,
      %add3A_103 = arith.addf %get3A_100, %get3A_102 : vector<16xf32>
      %ge3A_104 = arith.constant 0.000000e+00 : f32
      %ge3A_105 = vector.broadcast %ge3A_104 : f32 to vector<16xf32>
      %ge3A_106 = arith.cmpf oge, %add3A_103, %ge3A_105 : vector<16xf32>
      %mul3A_107 = arith.constant 2.000000e-01 : f32
      %mul3A_108 = vector.broadcast %mul3A_107 : f32 to vector<16xf32>
      %mul3A_109 = arith.mulf %mul3A_108, %add3A_103 : vector<16xf32>
      %select_n3A_110 = arith.select %ge3A_106, %add3A_103, %mul3A_109 : vector<16xi1>, vector<16xf32>
      %get3A_111 = arith.index_cast %add3A_95 : i32 to index
      %get3A_112 = tpu.vector_load %arg16[%get3A_111] {strides = array<i32>} : memref<128xf32, #tpu.memory_space<vmem>>, vector<16xf32>,
      %add3A_113 = arith.addf %get3A_8, %get3A_112 : vector<16xf32>
      %ge3A_114 = arith.constant 0.000000e+00 : f32
      %ge3A_115 = vector.broadcast %ge3A_114 : f32 to vector<16xf32>
      %ge3A_116 = arith.cmpf oge, %add3A_113, %ge3A_115 : vector<16xf32>
      %mul3A_117 = arith.constant 2.000000e-01 : f32
      %mul3A_118 = vector.broadcast %mul3A_117 : f32 to vector<16xf32>
      %mul3A_119 = arith.mulf %mul3A_118, %add3A_113 : vector<16xf32>
      %select_n3A_120 = arith.select %ge3A_116, %add3A_113, %mul3A_119 : vector<16xi1>, vector<16xf32>
      %sub3A_121 = arith.subf %select_n3A_110, %select_n3A_120 : vector<16xf32>
      %exp3A = math.exp %sub3A_121 : vector<16xf32>
      %swap3A = arith.index_cast %add3A_95 : i32 to index
      %swap3A_122 = tpu.vector_load %arg14[%swap3A] {strides = array<i32>} : memref<128xf32, #tpu.memory_space<vmem>>, vector<16xf32>,
      tpu.vector_store %arg14[%swap3A], %exp3A {strides = array<i32>} : memref<128xf32, #tpu.memory_space<vmem>>, vector<16xf32>,
      tpu.vector_store_idx %arg18[%get3A_98], %exp3A {add = true} : memref<10240xf32, #tpu.memory_space<vmem>>[vector<16xi32>], vector<16xf32>,
      %add3A_123 = arith.constant 16 : i32
      %add3A_124 = arith.addi %mul3A_63, %add3A_123 : i32
      %get3A_125 = arith.index_cast %scan3A_52 : i32 to index
      %get3A_126 = arith.constant 16 : index
      %get3A_127 = tpu.vector_load %arg13[%get3A_125, %get3A_126] {strides = array<i32>} : memref<80x64xi32, #tpu.memory_space<vmem>>, vector<16xi32>,
      %get3A_128 = arith.index_cast %add3A_124 : i32 to index
      %get3A_129 = tpu.vector_load %arg15[%get3A_128] {strides = array<i32>} : memref<128xf32, #tpu.memory_space<vmem>>, vector<16xf32>,
      %get3A_130 = arith.index_cast %add3A_124 : i32 to index
      %get3A_131 = tpu.vector_load %arg16[%get3A_130] {strides = array<i32>} : memref<128xf32, #tpu.memory_space<vmem>>, vector<16xf32>,
      %add3A_132 = arith.addf %get3A_129, %get3A_131 : vector<16xf32>
      %ge3A_133 = arith.constant 0.000000e+00 : f32
      %ge3A_134 = vector.broadcast %ge3A_133 : f32 to vector<16xf32>
      %ge3A_135 = arith.cmpf oge, %add3A_132, %ge3A_134 : vector<16xf32>
      %mul3A_136 = arith.constant 2.000000e-01 : f32
      %mul3A_137 = vector.broadcast %mul3A_136 : f32 to vector<16xf32>
      %mul3A_138 = arith.mulf %mul3A_137, %add3A_132 : vector<16xf32>
      %select_n3A_139 = arith.select %ge3A_135, %add3A_132, %mul3A_138 : vector<16xi1>, vector<16xf32>
      %get3A_140 = arith.index_cast %add3A_124 : i32 to index
      %get3A_141 = tpu.vector_load %arg16[%get3A_140] {strides = array<i32>} : memref<128xf32, #tpu.memory_space<vmem>>, vector<16xf32>,
      %add3A_142 = arith.addf %get3A_8, %get3A_141 : vector<16xf32>
      %ge3A_143 = arith.constant 0.000000e+00 : f32
      %ge3A_144 = vector.broadcast %ge3A_143 : f32 to vector<16xf32>
      %ge3A_145 = arith.cmpf oge, %add3A_142, %ge3A_144 : vector<16xf32>
      %mul3A_146 = arith.constant 2.000000e-01 : f32
      %mul3A_147 = vector.broadcast %mul3A_146 : f32 to vector<16xf32>
      %mul3A_148 = arith.mulf %mul3A_147, %add3A_142 : vector<16xf32>
      %select_n3A_149 = arith.select %ge3A_145, %add3A_142, %mul3A_148 : vector<16xi1>, vector<16xf32>
      %sub3A_150 = arith.subf %select_n3A_139, %select_n3A_149 : vector<16xf32>
      %exp3A_151 = math.exp %sub3A_150 : vector<16xf32>
      %swap3A_152 = arith.index_cast %add3A_124 : i32 to index
      %swap3A_153 = tpu.vector_load %arg14[%swap3A_152] {strides = array<i32>} : memref<128xf32, #tpu.memory_space<vmem>>, vector<16xf32>,
      tpu.vector_store %arg14[%swap3A_152], %exp3A_151 {strides = array<i32>} : memref<128xf32, #tpu.memory_space<vmem>>, vector<16xf32>,
      tpu.vector_store_idx %arg18[%get3A_127], %exp3A_151 {add = true} : memref<10240xf32, #tpu.memory_space<vmem>>[vector<16xi32>], vector<16xf32>,
      %add3A_154 = arith.constant 32 : i32
      %add3A_155 = arith.addi %mul3A_63, %add3A_154 : i32
      %get3A_156 = arith.index_cast %scan3A_52 : i32 to index
      %get3A_157 = arith.constant 32 : index
      %get3A_158 = tpu.vector_load %arg13[%get3A_156, %get3A_157] {strides = array<i32>} : memref<80x64xi32, #tpu.memory_space<vmem>>, vector<16xi32>,
      %get3A_159 = arith.index_cast %add3A_155 : i32 to index
      %get3A_160 = tpu.vector_load %arg15[%get3A_159] {strides = array<i32>} : memref<128xf32, #tpu.memory_space<vmem>>, vector<16xf32>,
      %get3A_161 = arith.index_cast %add3A_155 : i32 to index
      %get3A_162 = tpu.vector_load %arg16[%get3A_161] {strides = array<i32>} : memref<128xf32, #tpu.memory_space<vmem>>, vector<16xf32>,
      %add3A_163 = arith.addf %get3A_160, %get3A_162 : vector<16xf32>
      %ge3A_164 = arith.constant 0.000000e+00 : f32
      %ge3A_165 = vector.broadcast %ge3A_164 : f32 to vector<16xf32>
      %ge3A_166 = arith.cmpf oge, %add3A_163, %ge3A_165 : vector<16xf32>
      %mul3A_167 = arith.constant 2.000000e-01 : f32
      %mul3A_168 = vector.broadcast %mul3A_167 : f32 to vector<16xf32>
      %mul3A_169 = arith.mulf %mul3A_168, %add3A_163 : vector<16xf32>
      %select_n3A_170 = arith.select %ge3A_166, %add3A_163, %mul3A_169 : vector<16xi1>, vector<16xf32>
      %get3A_171 = arith.index_cast %add3A_155 : i32 to index
      %get3A_172 = tpu.vector_load %arg16[%get3A_171] {strides = array<i32>} : memref<128xf32, #tpu.memory_space<vmem>>, vector<16xf32>,
      %add3A_173 = arith.addf %get3A_8, %get3A_172 : vector<16xf32>
      %ge3A_174 = arith.constant 0.000000e+00 : f32
      %ge3A_175 = vector.broadcast %ge3A_174 : f32 to vector<16xf32>
      %ge3A_176 = arith.cmpf oge, %add3A_173, %ge3A_175 : vector<16xf32>
      %mul3A_177 = arith.constant 2.000000e-01 : f32
      %mul3A_178 = vector.broadcast %mul3A_177 : f32 to vector<16xf32>
      %mul3A_179 = arith.mulf %mul3A_178, %add3A_173 : vector<16xf32>
      %select_n3A_180 = arith.select %ge3A_176, %add3A_173, %mul3A_179 : vector<16xi1>, vector<16xf32>
      %sub3A_181 = arith.subf %select_n3A_170, %select_n3A_180 : vector<16xf32>
      %exp3A_182 = math.exp %sub3A_181 : vector<16xf32>
      %swap3A_183 = arith.index_cast %add3A_155 : i32 to index
      %swap3A_184 = tpu.vector_load %arg14[%swap3A_183] {strides = array<i32>} : memref<128xf32, #tpu.memory_space<vmem>>, vector<16xf32>,
      tpu.vector_store %arg14[%swap3A_183], %exp3A_182 {strides = array<i32>} : memref<128xf32, #tpu.memory_space<vmem>>, vector<16xf32>,
      tpu.vector_store_idx %arg18[%get3A_158], %exp3A_182 {add = true} : memref<10240xf32, #tpu.memory_space<vmem>>[vector<16xi32>], vector<16xf32>,
      %add3A_185 = arith.constant 48 : i32
      %add3A_186 = arith.addi %mul3A_63, %add3A_185 : i32
      %get3A_187 = arith.index_cast %scan3A_52 : i32 to index
      %get3A_188 = arith.constant 48 : index
      %get3A_189 = tpu.vector_load %arg13[%get3A_187, %get3A_188] {strides = array<i32>} : memref<80x64xi32, #tpu.memory_space<vmem>>, vector<16xi32>,
      %get3A_190 = arith.index_cast %add3A_186 : i32 to index
      %get3A_191 = tpu.vector_load %arg15[%get3A_190] {strides = array<i32>} : memref<128xf32, #tpu.memory_space<vmem>>, vector<16xf32>,
      %get3A_192 = arith.index_cast %add3A_186 : i32 to index
      %get3A_193 = tpu.vector_load %arg16[%get3A_192] {strides = array<i32>} : memref<128xf32, #tpu.memory_space<vmem>>, vector<16xf32>,
      %add3A_194 = arith.addf %get3A_191, %get3A_193 : vector<16xf32>
      %ge3A_195 = arith.constant 0.000000e+00 : f32
      %ge3A_196 = vector.broadcast %ge3A_195 : f32 to vector<16xf32>
      %ge3A_197 = arith.cmpf oge, %add3A_194, %ge3A_196 : vector<16xf32>
      %mul3A_198 = arith.constant 2.000000e-01 : f32
      %mul3A_199 = vector.broadcast %mul3A_198 : f32 to vector<16xf32>
      %mul3A_200 = arith.mulf %mul3A_199, %add3A_194 : vector<16xf32>
      %select_n3A_201 = arith.select %ge3A_197, %add3A_194, %mul3A_200 : vector<16xi1>, vector<16xf32>
      %get3A_202 = arith.index_cast %add3A_186 : i32 to index
      %get3A_203 = tpu.vector_load %arg16[%get3A_202] {strides = array<i32>} : memref<128xf32, #tpu.memory_space<vmem>>, vector<16xf32>,
      %add3A_204 = arith.addf %get3A_8, %get3A_203 : vector<16xf32>
      %ge3A_205 = arith.constant 0.000000e+00 : f32
      %ge3A_206 = vector.broadcast %ge3A_205 : f32 to vector<16xf32>
      %ge3A_207 = arith.cmpf oge, %add3A_204, %ge3A_206 : vector<16xf32>
      %mul3A_208 = arith.constant 2.000000e-01 : f32
      %mul3A_209 = vector.broadcast %mul3A_208 : f32 to vector<16xf32>
      %mul3A_210 = arith.mulf %mul3A_209, %add3A_204 : vector<16xf32>
      %select_n3A_211 = arith.select %ge3A_207, %add3A_204, %mul3A_210 : vector<16xi1>, vector<16xf32>
      %sub3A_212 = arith.subf %select_n3A_201, %select_n3A_211 : vector<16xf32>
      %exp3A_213 = math.exp %sub3A_212 : vector<16xf32>
      %swap3A_214 = arith.index_cast %add3A_186 : i32 to index
      %swap3A_215 = tpu.vector_load %arg14[%swap3A_214] {strides = array<i32>} : memref<128xf32, #tpu.memory_space<vmem>>, vector<16xf32>,
      tpu.vector_store %arg14[%swap3A_214], %exp3A_213 {strides = array<i32>} : memref<128xf32, #tpu.memory_space<vmem>>, vector<16xf32>,
      tpu.vector_store_idx %arg18[%get3A_189], %exp3A_213 {add = true} : memref<10240xf32, #tpu.memory_space<vmem>>[vector<16xi32>], vector<16xf32>,
      %scan3A_216 = arith.constant 0 : i32
      %scan3A_217 = arith.constant 0 : i32
      %scan3A_218 = arith.constant 64 : i32
      %scan3A_219 = arith.addi %scan3A_217, %scan3A_218 : i32
      %scan3A_220 = arith.constant 4 : i32
      scf.for %scan3A_230 = %scan3A_217 to %scan3A_219 step %scan3A_220  : i32 {
        %add3A_231 = arith.addi %mul3A_63, %scan3A_230 : i32
        %broadcast_in_dim3A = vector.broadcast %add3A_231 : i32 to vector<16xi32>
        %gather3A = tpu.vector_load_idx %arg14[%broadcast_in_dim3A] : memref<128xf32, #tpu.memory_space<vmem>>[vector<16xi32>], vector<16xf32>,
        %add3A_232 = arith.addi %mul3A_63, %scan3A_230 : i32
        %get3A_233 = arith.index_cast %add3A_232 : i32 to index
        %get3A_234 = arith.constant 0 : index
        %get3A_235 = tpu.vector_load %arg17[%get3A_233, %get3A_234] {strides = array<i32>} : memref<128x128xf32, #tpu.memory_space<vmem>>, vector<16xf32>,
        %mul3A_236 = arith.mulf %get3A_235, %gather3A : vector<16xf32>
        %add3A_237 = arith.addi %mul3A_63, %scan3A_230 : i32
        %swap3A_238 = arith.index_cast %add3A_237 : i32 to index
        %swap3A_239 = arith.constant 0 : index
        %swap3A_240 = tpu.vector_load %arg17[%swap3A_238, %swap3A_239] {strides = array<i32>} : memref<128x128xf32, #tpu.memory_space<vmem>>, vector<16xf32>,
        tpu.vector_store %arg17[%swap3A_238, %swap3A_239], %mul3A_236 {strides = array<i32>} : memref<128x128xf32, #tpu.memory_space<vmem>>, vector<16xf32>,
        %add3A_241 = arith.addi %mul3A_63, %scan3A_230 : i32
        %get3A_242 = arith.index_cast %add3A_241 : i32 to index
        %get3A_243 = arith.constant 16 : index
        %get3A_244 = tpu.vector_load %arg17[%get3A_242, %get3A_243] {strides = array<i32>} : memref<128x128xf32, #tpu.memory_space<vmem>>, vector<16xf32>,
        %mul3A_245 = arith.mulf %get3A_244, %gather3A : vector<16xf32>
        %add3A_246 = arith.addi %mul3A_63, %scan3A_230 : i32
        %swap3A_247 = arith.index_cast %add3A_246 : i32 to index
        %swap3A_248 = arith.constant 16 : index
        %swap3A_249 = tpu.vector_load %arg17[%swap3A_247, %swap3A_248] {strides = array<i32>} : memref<128x128xf32, #tpu.memory_space<vmem>>, vector<16xf32>,
        tpu.vector_store %arg17[%swap3A_247, %swap3A_248], %mul3A_245 {strides = array<i32>} : memref<128x128xf32, #tpu.memory_space<vmem>>, vector<16xf32>,
        %add3A_250 = arith.addi %mul3A_63, %scan3A_230 : i32
        %get3A_251 = arith.index_cast %add3A_250 : i32 to index
        %get3A_252 = arith.constant 32 : index
        %get3A_253 = tpu.vector_load %arg17[%get3A_251, %get3A_252] {strides = array<i32>} : memref<128x128xf32, #tpu.memory_space<vmem>>, vector<16xf32>,
        %mul3A_254 = arith.mulf %get3A_253, %gather3A : vector<16xf32>
        %add3A_255 = arith.addi %mul3A_63, %scan3A_230 : i32
        %swap3A_256 = arith.index_cast %add3A_255 : i32 to index
        %swap3A_257 = arith.constant 32 : index
        %swap3A_258 = tpu.vector_load %arg17[%swap3A_256, %swap3A_257] {strides = array<i32>} : memref<128x128xf32, #tpu.memory_space<vmem>>, vector<16xf32>,
        tpu.vector_store %arg17[%swap3A_256, %swap3A_257], %mul3A_254 {strides = array<i32>} : memref<128x128xf32, #tpu.memory_space<vmem>>, vector<16xf32>,
        %add3A_259 = arith.addi %mul3A_63, %scan3A_230 : i32
        %get3A_260 = arith.index_cast %add3A_259 : i32 to index
        %get3A_261 = arith.constant 48 : index
        %get3A_262 = tpu.vector_load %arg17[%get3A_260, %get3A_261] {strides = array<i32>} : memref<128x128xf32, #tpu.memory_space<vmem>>, vector<16xf32>,
        %mul3A_263 = arith.mulf %get3A_262, %gather3A : vector<16xf32>
        %add3A_264 = arith.addi %mul3A_63, %scan3A_230 : i32
        %swap3A_265 = arith.index_cast %add3A_264 : i32 to index
        %swap3A_266 = arith.constant 48 : index
        %swap3A_267 = tpu.vector_load %arg17[%swap3A_265, %swap3A_266] {strides = array<i32>} : memref<128x128xf32, #tpu.memory_space<vmem>>, vector<16xf32>,
        tpu.vector_store %arg17[%swap3A_265, %swap3A_266], %mul3A_263 {strides = array<i32>} : memref<128x128xf32, #tpu.memory_space<vmem>>, vector<16xf32>,
        %scan3A_268 = arith.constant 1 : i32
        %scan3A_269 = arith.addi %scan3A_230, %scan3A_268 : i32
        %add3A_270 = arith.addi %mul3A_63, %scan3A_269 : i32
        %broadcast_in_dim3A_271 = vector.broadcast %add3A_270 : i32 to vector<16xi32>
        %gather3A_272 = tpu.vector_load_idx %arg14[%broadcast_in_dim3A_271] : memref<128xf32, #tpu.memory_space<vmem>>[vector<16xi32>], vector<16xf32>,
        %add3A_273 = arith.addi %mul3A_63, %scan3A_269 : i32
        %get3A_274 = arith.index_cast %add3A_273 : i32 to index
        %get3A_275 = arith.constant 0 : index
        %get3A_276 = tpu.vector_load %arg17[%get3A_274, %get3A_275] {strides = array<i32>} : memref<128x128xf32, #tpu.memory_space<vmem>>, vector<16xf32>,
        %mul3A_277 = arith.mulf %get3A_276, %gather3A_272 : vector<16xf32>
        %add3A_278 = arith.addi %mul3A_63, %scan3A_269 : i32
        %swap3A_279 = arith.index_cast %add3A_278 : i32 to index
        %swap3A_280 = arith.constant 0 : index
        %swap3A_281 = tpu.vector_load %arg17[%swap3A_279, %swap3A_280] {strides = array<i32>} : memref<128x128xf32, #tpu.memory_space<vmem>>, vector<16xf32>,
        tpu.vector_store %arg17[%swap3A_279, %swap3A_280], %mul3A_277 {strides = array<i32>} : memref<128x128xf32, #tpu.memory_space<vmem>>, vector<16xf32>,
        %add3A_282 = arith.addi %mul3A_63, %scan3A_269 : i32
        %get3A_283 = arith.index_cast %add3A_282 : i32 to index
        %get3A_284 = arith.constant 16 : index
        %get3A_285 = tpu.vector_load %arg17[%get3A_283, %get3A_284] {strides = array<i32>} : memref<128x128xf32, #tpu.memory_space<vmem>>, vector<16xf32>,
        %mul3A_286 = arith.mulf %get3A_285, %gather3A_272 : vector<16xf32>
        %add3A_287 = arith.addi %mul3A_63, %scan3A_269 : i32
        %swap3A_288 = arith.index_cast %add3A_287 : i32 to index
        %swap3A_289 = arith.constant 16 : index
        %swap3A_290 = tpu.vector_load %arg17[%swap3A_288, %swap3A_289] {strides = array<i32>} : memref<128x128xf32, #tpu.memory_space<vmem>>, vector<16xf32>,
        tpu.vector_store %arg17[%swap3A_288, %swap3A_289], %mul3A_286 {strides = array<i32>} : memref<128x128xf32, #tpu.memory_space<vmem>>, vector<16xf32>,
        %add3A_291 = arith.addi %mul3A_63, %scan3A_269 : i32
        %get3A_292 = arith.index_cast %add3A_291 : i32 to index
        %get3A_293 = arith.constant 32 : index
        %get3A_294 = tpu.vector_load %arg17[%get3A_292, %get3A_293] {strides = array<i32>} : memref<128x128xf32, #tpu.memory_space<vmem>>, vector<16xf32>,
        %mul3A_295 = arith.mulf %get3A_294, %gather3A_272 : vector<16xf32>
        %add3A_296 = arith.addi %mul3A_63, %scan3A_269 : i32
        %swap3A_297 = arith.index_cast %add3A_296 : i32 to index
        %swap3A_298 = arith.constant 32 : index
        %swap3A_299 = tpu.vector_load %arg17[%swap3A_297, %swap3A_298] {strides = array<i32>} : memref<128x128xf32, #tpu.memory_space<vmem>>, vector<16xf32>,
        tpu.vector_store %arg17[%swap3A_297, %swap3A_298], %mul3A_295 {strides = array<i32>} : memref<128x128xf32, #tpu.memory_space<vmem>>, vector<16xf32>,
        %add3A_300 = arith.addi %mul3A_63, %scan3A_269 : i32
        %get3A_301 = arith.index_cast %add3A_300 : i32 to index
        %get3A_302 = arith.constant 48 : index
        %get3A_303 = tpu.vector_load %arg17[%get3A_301, %get3A_302] {strides = array<i32>} : memref<128x128xf32, #tpu.memory_space<vmem>>, vector<16xf32>,
        %mul3A_304 = arith.mulf %get3A_303, %gather3A_272 : vector<16xf32>
        %add3A_305 = arith.addi %mul3A_63, %scan3A_269 : i32
        %swap3A_306 = arith.index_cast %add3A_305 : i32 to index
        %swap3A_307 = arith.constant 48 : index
        %swap3A_308 = tpu.vector_load %arg17[%swap3A_306, %swap3A_307] {strides = array<i32>} : memref<128x128xf32, #tpu.memory_space<vmem>>, vector<16xf32>,
        tpu.vector_store %arg17[%swap3A_306, %swap3A_307], %mul3A_304 {strides = array<i32>} : memref<128x128xf32, #tpu.memory_space<vmem>>, vector<16xf32>,
        %scan3A_309 = arith.constant 2 : i32
        %scan3A_310 = arith.addi %scan3A_230, %scan3A_309 : i32
        %add3A_311 = arith.addi %mul3A_63, %scan3A_310 : i32
        %broadcast_in_dim3A_312 = vector.broadcast %add3A_311 : i32 to vector<16xi32>
        %gather3A_313 = tpu.vector_load_idx %arg14[%broadcast_in_dim3A_312] : memref<128xf32, #tpu.memory_space<vmem>>[vector<16xi32>], vector<16xf32>,
        %add3A_314 = arith.addi %mul3A_63, %scan3A_310 : i32
        %get3A_315 = arith.index_cast %add3A_314 : i32 to index
        %get3A_316 = arith.constant 0 : index
        %get3A_317 = tpu.vector_load %arg17[%get3A_315, %get3A_316] {strides = array<i32>} : memref<128x128xf32, #tpu.memory_space<vmem>>, vector<16xf32>,
        %mul3A_318 = arith.mulf %get3A_317, %gather3A_313 : vector<16xf32>
        %add3A_319 = arith.addi %mul3A_63, %scan3A_310 : i32
        %swap3A_320 = arith.index_cast %add3A_319 : i32 to index
        %swap3A_321 = arith.constant 0 : index
        %swap3A_322 = tpu.vector_load %arg17[%swap3A_320, %swap3A_321] {strides = array<i32>} : memref<128x128xf32, #tpu.memory_space<vmem>>, vector<16xf32>,
        tpu.vector_store %arg17[%swap3A_320, %swap3A_321], %mul3A_318 {strides = array<i32>} : memref<128x128xf32, #tpu.memory_space<vmem>>, vector<16xf32>,
        %add3A_323 = arith.addi %mul3A_63, %scan3A_310 : i32
        %get3A_324 = arith.index_cast %add3A_323 : i32 to index
        %get3A_325 = arith.constant 16 : index
        %get3A_326 = tpu.vector_load %arg17[%get3A_324, %get3A_325] {strides = array<i32>} : memref<128x128xf32, #tpu.memory_space<vmem>>, vector<16xf32>,
        %mul3A_327 = arith.mulf %get3A_326, %gather3A_313 : vector<16xf32>
        %add3A_328 = arith.addi %mul3A_63, %scan3A_310 : i32
        %swap3A_329 = arith.index_cast %add3A_328 : i32 to index
        %swap3A_330 = arith.constant 16 : index
        %swap3A_331 = tpu.vector_load %arg17[%swap3A_329, %swap3A_330] {strides = array<i32>} : memref<128x128xf32, #tpu.memory_space<vmem>>, vector<16xf32>,
        tpu.vector_store %arg17[%swap3A_329, %swap3A_330], %mul3A_327 {strides = array<i32>} : memref<128x128xf32, #tpu.memory_space<vmem>>, vector<16xf32>,
        %add3A_332 = arith.addi %mul3A_63, %scan3A_310 : i32
        %get3A_333 = arith.index_cast %add3A_332 : i32 to index
        %get3A_334 = arith.constant 32 : index
        %get3A_335 = tpu.vector_load %arg17[%get3A_333, %get3A_334] {strides = array<i32>} : memref<128x128xf32, #tpu.memory_space<vmem>>, vector<16xf32>,
        %mul3A_336 = arith.mulf %get3A_335, %gather3A_313 : vector<16xf32>
        %add3A_337 = arith.addi %mul3A_63, %scan3A_310 : i32
        %swap3A_338 = arith.index_cast %add3A_337 : i32 to index
        %swap3A_339 = arith.constant 32 : index
        %swap3A_340 = tpu.vector_load %arg17[%swap3A_338, %swap3A_339] {strides = array<i32>} : memref<128x128xf32, #tpu.memory_space<vmem>>, vector<16xf32>,
        tpu.vector_store %arg17[%swap3A_338, %swap3A_339], %mul3A_336 {strides = array<i32>} : memref<128x128xf32, #tpu.memory_space<vmem>>, vector<16xf32>,
        %add3A_341 = arith.addi %mul3A_63, %scan3A_310 : i32
        %get3A_342 = arith.index_cast %add3A_341 : i32 to index
        %get3A_343 = arith.constant 48 : index
        %get3A_344 = tpu.vector_load %arg17[%get3A_342, %get3A_343] {strides = array<i32>} : memref<128x128xf32, #tpu.memory_space<vmem>>, vector<16xf32>,
        %mul3A_345 = arith.mulf %get3A_344, %gather3A_313 : vector<16xf32>
        %add3A_346 = arith.addi %mul3A_63, %scan3A_310 : i32
        %swap3A_347 = arith.index_cast %add3A_346 : i32 to index
        %swap3A_348 = arith.constant 48 : index
        %swap3A_349 = tpu.vector_load %arg17[%swap3A_347, %swap3A_348] {strides = array<i32>} : memref<128x128xf32, #tpu.memory_space<vmem>>, vector<16xf32>,
        tpu.vector_store %arg17[%swap3A_347, %swap3A_348], %mul3A_345 {strides = array<i32>} : memref<128x128xf32, #tpu.memory_space<vmem>>, vector<16xf32>,
        %scan3A_350 = arith.constant 3 : i32
        %scan3A_351 = arith.addi %scan3A_230, %scan3A_350 : i32
        %add3A_352 = arith.addi %mul3A_63, %scan3A_351 : i32
        %broadcast_in_dim3A_353 = vector.broadcast %add3A_352 : i32 to vector<16xi32>
        %gather3A_354 = tpu.vector_load_idx %arg14[%broadcast_in_dim3A_353] : memref<128xf32, #tpu.memory_space<vmem>>[vector<16xi32>], vector<16xf32>,
        %add3A_355 = arith.addi %mul3A_63, %scan3A_351 : i32
        %get3A_356 = arith.index_cast %add3A_355 : i32 to index
        %get3A_357 = arith.constant 0 : index
        %get3A_358 = tpu.vector_load %arg17[%get3A_356, %get3A_357] {strides = array<i32>} : memref<128x128xf32, #tpu.memory_space<vmem>>, vector<16xf32>,
        %mul3A_359 = arith.mulf %get3A_358, %gather3A_354 : vector<16xf32>
        %add3A_360 = arith.addi %mul3A_63, %scan3A_351 : i32
        %swap3A_361 = arith.index_cast %add3A_360 : i32 to index
        %swap3A_362 = arith.constant 0 : index
        %swap3A_363 = tpu.vector_load %arg17[%swap3A_361, %swap3A_362] {strides = array<i32>} : memref<128x128xf32, #tpu.memory_space<vmem>>, vector<16xf32>,
        tpu.vector_store %arg17[%swap3A_361, %swap3A_362], %mul3A_359 {strides = array<i32>} : memref<128x128xf32, #tpu.memory_space<vmem>>, vector<16xf32>,
        %add3A_364 = arith.addi %mul3A_63, %scan3A_351 : i32
        %get3A_365 = arith.index_cast %add3A_364 : i32 to index
        %get3A_366 = arith.constant 16 : index
        %get3A_367 = tpu.vector_load %arg17[%get3A_365, %get3A_366] {strides = array<i32>} : memref<128x128xf32, #tpu.memory_space<vmem>>, vector<16xf32>,
        %mul3A_368 = arith.mulf %get3A_367, %gather3A_354 : vector<16xf32>
        %add3A_369 = arith.addi %mul3A_63, %scan3A_351 : i32
        %swap3A_370 = arith.index_cast %add3A_369 : i32 to index
        %swap3A_371 = arith.constant 16 : index
        %swap3A_372 = tpu.vector_load %arg17[%swap3A_370, %swap3A_371] {strides = array<i32>} : memref<128x128xf32, #tpu.memory_space<vmem>>, vector<16xf32>,
        tpu.vector_store %arg17[%swap3A_370, %swap3A_371], %mul3A_368 {strides = array<i32>} : memref<128x128xf32, #tpu.memory_space<vmem>>, vector<16xf32>,
        %add3A_373 = arith.addi %mul3A_63, %scan3A_351 : i32
        %get3A_374 = arith.index_cast %add3A_373 : i32 to index
        %get3A_375 = arith.constant 32 : index
        %get3A_376 = tpu.vector_load %arg17[%get3A_374, %get3A_375] {strides = array<i32>} : memref<128x128xf32, #tpu.memory_space<vmem>>, vector<16xf32>,
        %mul3A_377 = arith.mulf %get3A_376, %gather3A_354 : vector<16xf32>
        %add3A_378 = arith.addi %mul3A_63, %scan3A_351 : i32
        %swap3A_379 = arith.index_cast %add3A_378 : i32 to index
        %swap3A_380 = arith.constant 32 : index
        %swap3A_381 = tpu.vector_load %arg17[%swap3A_379, %swap3A_380] {strides = array<i32>} : memref<128x128xf32, #tpu.memory_space<vmem>>, vector<16xf32>,
        tpu.vector_store %arg17[%swap3A_379, %swap3A_380], %mul3A_377 {strides = array<i32>} : memref<128x128xf32, #tpu.memory_space<vmem>>, vector<16xf32>,
        %add3A_382 = arith.addi %mul3A_63, %scan3A_351 : i32
        %get3A_383 = arith.index_cast %add3A_382 : i32 to index
        %get3A_384 = arith.constant 48 : index
        %get3A_385 = tpu.vector_load %arg17[%get3A_383, %get3A_384] {strides = array<i32>} : memref<128x128xf32, #tpu.memory_space<vmem>>, vector<16xf32>,
        %mul3A_386 = arith.mulf %get3A_385, %gather3A_354 : vector<16xf32>
        %add3A_387 = arith.addi %mul3A_63, %scan3A_351 : i32
        %swap3A_388 = arith.index_cast %add3A_387 : i32 to index
        %swap3A_389 = arith.constant 48 : index
        %swap3A_390 = tpu.vector_load %arg17[%swap3A_388, %swap3A_389] {strides = array<i32>} : memref<128x128xf32, #tpu.memory_space<vmem>>, vector<16xf32>,
        tpu.vector_store %arg17[%swap3A_388, %swap3A_389], %mul3A_386 {strides = array<i32>} : memref<128x128xf32, #tpu.memory_space<vmem>>, vector<16xf32>,
      }
      %scan3A_221 = arith.constant 64 : i32
      %dma_start3A_222 = arith.constant 0 : i32
      %dma_start3A_223 = tpu.memref_slice %arg17[%mul3A_63, %dma_start3A_222] : memref<128x128xf32, #tpu.memory_space<vmem>> -> memref<64x128xf32, #tpu.memory_space<vmem>>
      %dma_start3A_224 = arith.constant 0 : i32
      %dma_start3A_225 = tpu.memref_slice %arg13[%scan3A_52, %dma_start3A_224] : memref<80x64xi32, #tpu.memory_space<vmem>> -> memref<1x64xi32, #tpu.memory_space<vmem>>
      %dma_start3A_226 = tpu.memref_squeeze %dma_start3A_225 : memref<1x64xi32, #tpu.memory_space<vmem>> -> memref<64xi32, #tpu.memory_space<vmem>>
      %dma_start3A_227 = arith.constant 0 : i32
      %dma_start3A_228 = arith.constant 0 : i32
      %dma_start3A_229 = tpu.memref_slice %arg19[%dma_start3A_227, %dma_start3A_228] : memref<10240x128xf32, #tpu.memory_space<vmem_shared>> -> memref<10240x128xf32, #tpu.memory_space<vmem_shared>>
      tpu.enqueue_indirect_dma source(%dma_start3A_223 : memref<64x128xf32, #tpu.memory_space<vmem>>) target(%dma_start3A_229 : memref<10240x128xf32, #tpu.memory_space<vmem_shared>>) offsets(%dma_start3A_226 : memref<64xi32, #tpu.memory_space<vmem>>) semaphore(%arg21 : memref<!tpu.dma_semaphore, #tpu.memory_space<semaphore_mem>>) {add = true}
    }
    %scan3A_39 = arith.constant 80 : i32
    %dma_wait3A = arith.constant 64 : i32
    %dma_wait3A_40 = arith.constant 0 : i32
    %dma_wait3A_41 = tpu.memref_slice %arg17[%dma_wait3A, %dma_wait3A_40] : memref<128x128xf32, #tpu.memory_space<vmem>> -> memref<64x128xf32, #tpu.memory_space<vmem>>
    %dma_wait3A_42 = arith.constant 0 : i32
    %dma_wait3A_43 = arith.constant 0 : i32
    %dma_wait3A_44 = tpu.memref_slice %arg7[%dma_wait3A_42, %dma_wait3A_43] : memref<10240x128xf32, #tpu.memory_space<hbm>> -> memref<64x128xf32, #tpu.memory_space<hbm>>
    %dma_wait3A_45 = arith.constant 64 : i32
    %dma_wait3A_46 = arith.constant 0 : i32
    %dma_wait3A_47 = tpu.memref_slice %arg17[%dma_wait3A_45, %dma_wait3A_46] : memref<128x128xf32, #tpu.memory_space<vmem>> -> memref<64x128xf32, #tpu.memory_space<vmem>>
    %dma_wait3A_48 = arith.constant 0 : i32
    %dma_wait3A_49 = arith.constant 0 : i32
    %dma_wait3A_50 = tpu.memref_slice %arg7[%dma_wait3A_48, %dma_wait3A_49] : memref<10240x128xf32, #tpu.memory_space<hbm>> -> memref<64x128xf32, #tpu.memory_space<hbm>>
    tpu.wait_dma2 semaphore(%arg21 : memref<!tpu.dma_semaphore, #tpu.memory_space<semaphore_mem>>) src(%dma_wait3A_50 : memref<64x128xf32, #tpu.memory_space<hbm>>) dst(%dma_wait3A_47 : memref<64x128xf32, #tpu.memory_space<vmem>>)
    "tpu.region"() ({
      %run_scoped3A = tpu.sem_alloc : memref<!tpu.dma_semaphore, #tpu.memory_space<semaphore_mem>>
      %dma_start3A_52 = arith.constant 0 : i32
      %dma_start3A_53 = tpu.memref_slice %arg10[%arg0, %arg1, %dma_start3A_52] : memref<2x16x10240xf32, #tpu.memory_space<hbm>> -> memref<1x1x10240xf32, #tpu.memory_space<hbm>>
      %dma_start3A_54 = tpu.memref_squeeze %dma_start3A_53 : memref<1x1x10240xf32, #tpu.memory_space<hbm>> -> memref<10240xf32, #tpu.memory_space<hbm>>
      %dma_start3A_55 = arith.constant 0 : i32
      %dma_start3A_56 = tpu.memref_slice %arg10[%arg0, %arg1, %dma_start3A_55] : memref<2x16x10240xf32, #tpu.memory_space<hbm>> -> memref<1x1x10240xf32, #tpu.memory_space<hbm>>
      %dma_start3A_57 = tpu.memref_squeeze %dma_start3A_56 : memref<1x1x10240xf32, #tpu.memory_space<hbm>> -> memref<10240xf32, #tpu.memory_space<hbm>>
      tpu.enqueue_dma source(%arg18 : memref<10240xf32, #tpu.memory_space<vmem>>) target(%dma_start3A_57 : memref<10240xf32, #tpu.memory_space<hbm>>) target_semaphore(%run_scoped3A : memref<!tpu.dma_semaphore, #tpu.memory_space<semaphore_mem>>)
      %dma_wait3A_58 = arith.constant 0 : i32
      %dma_wait3A_59 = tpu.memref_slice %arg10[%arg0, %arg1, %dma_wait3A_58] : memref<2x16x10240xf32, #tpu.memory_space<hbm>> -> memref<1x1x10240xf32, #tpu.memory_space<hbm>>
      %dma_wait3A_60 = tpu.memref_squeeze %dma_wait3A_59 : memref<1x1x10240xf32, #tpu.memory_space<hbm>> -> memref<10240xf32, #tpu.memory_space<hbm>>
      %dma_wait3A_61 = arith.constant 0 : i32
      %dma_wait3A_62 = tpu.memref_slice %arg10[%arg0, %arg1, %dma_wait3A_61] : memref<2x16x10240xf32, #tpu.memory_space<hbm>> -> memref<1x1x10240xf32, #tpu.memory_space<hbm>>
      %dma_wait3A_63 = tpu.memref_squeeze %dma_wait3A_62 : memref<1x1x10240xf32, #tpu.memory_space<hbm>> -> memref<10240xf32, #tpu.memory_space<hbm>>
      tpu.wait_dma2 semaphore(%run_scoped3A : memref<!tpu.dma_semaphore, #tpu.memory_space<semaphore_mem>>) src(%arg18 : memref<10240xf32, #tpu.memory_space<vmem>>) dst(%dma_wait3A_63 : memref<10240xf32, #tpu.memory_space<hbm>>)
      tpu.yield
    }) : () -> ()
    %barrier3A_51 = arith.constant 0 : index
    tpu.barrier barrier_id(%barrier3A_51)
    "tpu.region"() ({
      %run_scoped3A = tpu.sem_alloc : memref<!tpu.dma_semaphore, #tpu.memory_space<semaphore_mem>>
      %dma_start3A_52 = arith.constant 0 : i32
      %dma_start3A_53 = tpu.memref_slice %arg9[%arg0, %mul3A_2, %dma_start3A_52] : memref<2x10240x128xf32, #tpu.memory_space<hbm>> -> memref<1x640x128xf32, #tpu.memory_space<hbm>>
      %dma_start3A_54 = tpu.memref_squeeze %dma_start3A_53 : memref<1x640x128xf32, #tpu.memory_space<hbm>> -> memref<640x128xf32, #tpu.memory_space<hbm>>
      %dma_start3A_55 = arith.constant 0 : i32
      %dma_start3A_56 = tpu.memref_slice %arg19[%mul3A_2, %dma_start3A_55] : memref<10240x128xf32, #tpu.memory_space<vmem_shared>> -> memref<640x128xf32, #tpu.memory_space<vmem_shared>>
      tpu.enqueue_dma source(%dma_start3A_56 : memref<640x128xf32, #tpu.memory_space<vmem_shared>>) target(%dma_start3A_54 : memref<640x128xf32, #tpu.memory_space<hbm>>) target_semaphore(%run_scoped3A : memref<!tpu.dma_semaphore, #tpu.memory_space<semaphore_mem>>)
      %dma_wait3A_57 = arith.constant 0 : i32
      %dma_wait3A_58 = tpu.memref_slice %arg9[%arg0, %mul3A_2, %dma_wait3A_57] : memref<2x10240x128xf32, #tpu.memory_space<hbm>> -> memref<1x640x128xf32, #tpu.memory_space<hbm>>
      %dma_wait3A_59 = tpu.memref_squeeze %dma_wait3A_58 : memref<1x640x128xf32, #tpu.memory_space<hbm>> -> memref<640x128xf32, #tpu.memory_space<hbm>>
      %dma_wait3A_60 = arith.constant 0 : i32
      %dma_wait3A_61 = tpu.memref_slice %arg19[%mul3A_2, %dma_wait3A_60] : memref<10240x128xf32, #tpu.memory_space<vmem_shared>> -> memref<640x128xf32, #tpu.memory_space<vmem_shared>>
      tpu.wait_dma2 semaphore(%run_scoped3A : memref<!tpu.dma_semaphore, #tpu.memory_space<semaphore_mem>>) src(%dma_wait3A_61 : memref<640x128xf32, #tpu.memory_space<vmem_shared>>) dst(%dma_wait3A_59 : memref<640x128xf32, #tpu.memory_space<hbm>>)
      tpu.yield
    }) : () -> ()
    return
  }
}

module attributes {stable_mosaic.version = 14 : i64} {
  func.func @_dense_attn_body(%arg0: i32, %arg1: memref<512x128xf32, #tpu.memory_space<vmem>>, %arg2: memref<128x128xf32, #tpu.memory_space<vmem>>, %arg3: memref<1x128xf32, #tpu.memory_space<vmem>>, %arg4: memref<1x128xf32, #tpu.memory_space<vmem>>, %arg5: memref<512x128xf32, #tpu.memory_space<vmem>>, %arg6: memref<1x512xf32, #tpu.memory_space<vmem>>, %arg7: memref<1x512xf32, #tpu.memory_space<vmem>>, %arg8: memref<1x1xf32, #tpu.memory_space<vmem>>) attributes {dimension_semantics = [#tpu.dimension_semantics<arbitrary>], iteration_bounds = array<i64: 20>, scalar_prefetch = 0 : i64, scratch_operands = 0 : i64, tpu.core_type = #tpu.core_type<tc>, window_params = [{transform_indices = @transform_0, window_bounds = array<i64: 512, 128>}, {pipeline_mode = #tpu.pipeline_mode<synchronous>, transform_indices = @transform_1, window_bounds = array<i64: 128, 128>}, {pipeline_mode = #tpu.pipeline_mode<synchronous>, transform_indices = @transform_2, window_bounds = array<i64: 1, 128>}, {pipeline_mode = #tpu.pipeline_mode<synchronous>, transform_indices = @transform_3, window_bounds = array<i64: 1, 128>}, {transform_indices = @transform_4, window_bounds = array<i64: 512, 128>}, {transform_indices = @transform_5, window_bounds = array<i64: 1, 512>}, {transform_indices = @transform_6, window_bounds = array<i64: 1, 512>}, {pipeline_mode = #tpu.pipeline_mode<synchronous>, transform_indices = @transform_7, window_bounds = array<i64: 1, 1>}]} {
    %get3A = arith.constant 0 : index
    %get3A_0 = arith.constant 0 : index
    %get3A_1 = vector.load %arg1[%get3A, %get3A_0] : memref<512x128xf32, #tpu.memory_space<vmem>>, vector<512x128xf32>
    %get3A_2 = arith.constant 0 : index
    %get3A_3 = arith.constant 0 : index
    %get3A_4 = vector.load %arg2[%get3A_2, %get3A_3] : memref<128x128xf32, #tpu.memory_space<vmem>>, vector<128x128xf32>
    %dot_general3A = arith.constant dense<0.000000e+00> : vector<512x128xf32>
    %dot_general3A_5 = tpu.matmul %get3A_1, %get3A_4, %dot_general3A {dimension_numbers = #tpu.dot_dimension_numbers<[1], [0], [0], [1], [0, 0, 1, 1], [], []>, transpose_lhs_hint = false} : vector<512x128xf32>, vector<128x128xf32>, vector<512x128xf32> -> vector<512x128xf32>
    %swap3A = arith.constant 0 : index
    %swap3A_6 = arith.constant 0 : index
    %swap3A_7 = vector.load %arg5[%swap3A, %swap3A_6] : memref<512x128xf32, #tpu.memory_space<vmem>>, vector<512x128xf32>
    tpu.vector_store %arg5[%swap3A, %swap3A_6], %dot_general3A_5 {strides = array<i32>} : memref<512x128xf32, #tpu.memory_space<vmem>>, vector<512x128xf32>,
    %get3A_8 = arith.constant 0 : index
    %get3A_9 = arith.constant 0 : index
    %get3A_10 = vector.load %arg3[%get3A_8, %get3A_9] : memref<1x128xf32, #tpu.memory_space<vmem>>, vector<1x128xf32>
    %mul3A = vector.broadcast %get3A_10 : vector<1x128xf32> to vector<512x128xf32>
    %mul3A_11 = arith.mulf %dot_general3A_5, %mul3A : vector<512x128xf32>
    %reduce_sum3A = arith.constant dense<0.000000e+00> : vector<512xf32>
    %reduce_sum3A_12 = vector.multi_reduction <add>, %mul3A_11, %reduce_sum3A [1] : vector<512x128xf32> to vector<512xf32>
    %broadcast_in_dim3A = vector.shape_cast %reduce_sum3A_12 : vector<512xf32> to vector<1x512xf32>
    %get3A_13 = arith.constant 0 : index
    %get3A_14 = arith.constant 0 : index
    %get3A_15 = vector.load %arg4[%get3A_13, %get3A_14] : memref<1x128xf32, #tpu.memory_space<vmem>>, vector<1x128xf32>
    %mul3A_16 = vector.broadcast %get3A_15 : vector<1x128xf32> to vector<512x128xf32>
    %mul3A_17 = arith.mulf %dot_general3A_5, %mul3A_16 : vector<512x128xf32>
    %reduce_sum3A_18 = arith.constant dense<0.000000e+00> : vector<512xf32>
    %reduce_sum3A_19 = vector.multi_reduction <add>, %mul3A_17, %reduce_sum3A_18 [1] : vector<512x128xf32> to vector<512xf32>
    %broadcast_in_dim3A_20 = vector.shape_cast %reduce_sum3A_19 : vector<512xf32> to vector<1x512xf32>
    %swap3A_21 = arith.constant 0 : index
    %swap3A_22 = arith.constant 0 : index
    %swap3A_23 = vector.load %arg6[%swap3A_21, %swap3A_22] : memref<1x512xf32, #tpu.memory_space<vmem>>, vector<1x512xf32>
    tpu.vector_store %arg6[%swap3A_21, %swap3A_22], %broadcast_in_dim3A {strides = array<i32>} : memref<1x512xf32, #tpu.memory_space<vmem>>, vector<1x512xf32>,
    %swap3A_24 = arith.constant 0 : index
    %swap3A_25 = arith.constant 0 : index
    %swap3A_26 = vector.load %arg7[%swap3A_24, %swap3A_25] : memref<1x512xf32, #tpu.memory_space<vmem>>, vector<1x512xf32>
    tpu.vector_store %arg7[%swap3A_24, %swap3A_25], %broadcast_in_dim3A_20 {strides = array<i32>} : memref<1x512xf32, #tpu.memory_space<vmem>>, vector<1x512xf32>,
    %eq3A = arith.constant 0 : i32
    %eq3A_27 = arith.cmpi eq, %arg0, %eq3A : i32
    %broadcast_in_dim3A_28 = arith.constant 0xFF800000 : f32
    %broadcast_in_dim3A_29 = vector.broadcast %broadcast_in_dim3A_28 : f32 to vector<1x1xf32>
    %get3A_30 = arith.constant 0 : index
    %get3A_31 = arith.constant 0 : index
    %get3A_32 = vector.load %arg8[%get3A_30, %get3A_31] : memref<1x1xf32, #tpu.memory_space<vmem>>, vector<1x1xf32>
    %select_n3A = arith.select %eq3A_27, %broadcast_in_dim3A_29, %get3A_32 : vector<1x1xf32>
    %reduce_max3A = vector.shape_cast %broadcast_in_dim3A : vector<1x512xf32> to vector<1x1x512xf32>
    %reduce_max3A_33 = arith.constant dense<0xFF800000> : vector<1xf32>
    %reduce_max3A_34 = vector.multi_reduction <maximumf>, %reduce_max3A, %reduce_max3A_33 [1, 2] : vector<1x1x512xf32> to vector<1xf32>
    %reduce_max3A_35 = vector.shape_cast %reduce_max3A_34 : vector<1xf32> to vector<1x1x1xf32>
    %reduce_max3A_36 = vector.extract %reduce_max3A_35[0, 0, 0] : f32 from vector<1x1x1xf32>
    %reshape3A = vector.broadcast %reduce_max3A_36 : f32 to vector<1x1xf32>
    %max3A = arith.maximumf %select_n3A, %reshape3A : vector<1x1xf32>
    %swap3A_37 = arith.constant 0 : index
    %swap3A_38 = arith.constant 0 : index
    %swap3A_39 = vector.load %arg8[%swap3A_37, %swap3A_38] : memref<1x1xf32, #tpu.memory_space<vmem>>, vector<1x1xf32>
    tpu.vector_store %arg8[%swap3A_37, %swap3A_38], %max3A {strides = array<i32>} : memref<1x1xf32, #tpu.memory_space<vmem>>, vector<1x1xf32>,
    return
  }
  func.func @transform_0(%arg0: i32) -> (i32, i32) {
    %c0_i32 = arith.constant 0 : i32
    %c0_i32_0 = arith.constant 0 : i32
    return %arg0, %c0_i32 : i32, i32
  }
  func.func @transform_1(%arg0: i32) -> (i32, i32) {
    %c0_i32 = arith.constant 0 : i32
    %c0_i32_0 = arith.constant 0 : i32
    %c0_i32_1 = arith.constant 0 : i32
    return %c0_i32, %c0_i32_0 : i32, i32
  }
  func.func @transform_2(%arg0: i32) -> (i32, i32) {
    %c0_i32 = arith.constant 0 : i32
    %c0_i32_0 = arith.constant 0 : i32
    %c0_i32_1 = arith.constant 0 : i32
    return %c0_i32, %c0_i32_0 : i32, i32
  }
  func.func @transform_3(%arg0: i32) -> (i32, i32) {
    %c0_i32 = arith.constant 0 : i32
    %c0_i32_0 = arith.constant 0 : i32
    %c0_i32_1 = arith.constant 0 : i32
    return %c0_i32, %c0_i32_0 : i32, i32
  }
  func.func @transform_4(%arg0: i32) -> (i32, i32) {
    %c0_i32 = arith.constant 0 : i32
    %c0_i32_0 = arith.constant 0 : i32
    return %arg0, %c0_i32 : i32, i32
  }
  func.func @transform_5(%arg0: i32) -> (i32, i32) {
    %c0_i32 = arith.constant 0 : i32
    %c0_i32_0 = arith.constant 0 : i32
    return %c0_i32, %arg0 : i32, i32
  }
  func.func @transform_6(%arg0: i32) -> (i32, i32) {
    %c0_i32 = arith.constant 0 : i32
    %c0_i32_0 = arith.constant 0 : i32
    return %c0_i32, %arg0 : i32, i32
  }
  func.func @transform_7(%arg0: i32) -> (i32, i32) {
    %c0_i32 = arith.constant 0 : i32
    %c0_i32_0 = arith.constant 0 : i32
    %c0_i32_1 = arith.constant 0 : i32
    return %c0_i32, %c0_i32_0 : i32, i32
  }
}

module attributes {stable_mosaic.version = 14 : i64} {
  func.func @_norm_dense_attn_body(%arg0: i32, %arg1: memref<2x512x128xf32, #tpu.memory_space<vmem>>, %arg2: memref<2x16x512xf32, #tpu.memory_space<vmem>>, %arg3: memref<1x128xf32, #tpu.memory_space<vmem>>, %arg4: memref<128x128xf32, #tpu.memory_space<vmem>>, %arg5: memref<1x128xf32, #tpu.memory_space<vmem>>, %arg6: memref<1x128xf32, #tpu.memory_space<vmem>>, %arg7: memref<512x128xf32, #tpu.memory_space<vmem>>, %arg8: memref<1x512xf32, #tpu.memory_space<vmem>>, %arg9: memref<1x512xf32, #tpu.memory_space<vmem>>, %arg10: memref<1x1xf32, #tpu.memory_space<vmem>>) attributes {dimension_semantics = [#tpu.dimension_semantics<arbitrary>], iteration_bounds = array<i64: 20>, scalar_prefetch = 0 : i64, scratch_operands = 0 : i64, tpu.core_type = #tpu.core_type<tc>, window_params = [{transform_indices = @transform_0, window_bounds = array<i64: 2, 512, 128>}, {transform_indices = @transform_1, window_bounds = array<i64: 2, 16, 512>}, {pipeline_mode = #tpu.pipeline_mode<synchronous>, transform_indices = @transform_2, window_bounds = array<i64: 1, 128>}, {pipeline_mode = #tpu.pipeline_mode<synchronous>, transform_indices = @transform_3, window_bounds = array<i64: 128, 128>}, {pipeline_mode = #tpu.pipeline_mode<synchronous>, transform_indices = @transform_4, window_bounds = array<i64: 1, 128>}, {pipeline_mode = #tpu.pipeline_mode<synchronous>, transform_indices = @transform_5, window_bounds = array<i64: 1, 128>}, {transform_indices = @transform_6, window_bounds = array<i64: 512, 128>}, {transform_indices = @transform_7, window_bounds = array<i64: 1, 512>}, {transform_indices = @transform_8, window_bounds = array<i64: 1, 512>}, {pipeline_mode = #tpu.pipeline_mode<synchronous>, transform_indices = @transform_9, window_bounds = array<i64: 1, 1>}]} {
    %get3A = arith.constant 0 : index
    %get3A_0 = arith.constant 0 : index
    %get3A_1 = arith.constant 0 : index
    %get3A_2 = vector.load %arg2[%get3A, %get3A_0, %get3A_1] : memref<2x16x512xf32, #tpu.memory_space<vmem>>, vector<2x16x512xf32>
    %reduce_sum3A = arith.constant dense<0.000000e+00> : vector<512xf32>
    %reduce_sum3A_3 = vector.multi_reduction <add>, %get3A_2, %reduce_sum3A [0, 1] : vector<2x16x512xf32> to vector<512xf32>
    %get3A_4 = arith.constant 0 : index
    %get3A_5 = arith.constant 0 : index
    %get3A_6 = arith.constant 0 : index
    %get3A_7 = vector.load %arg1[%get3A_4, %get3A_5, %get3A_6] : memref<2x512x128xf32, #tpu.memory_space<vmem>>, vector<1x512x128xf32>
    %get3A_8 = vector.shape_cast %get3A_7 : vector<1x512x128xf32> to vector<512x128xf32>
    %get3A_9 = arith.constant 1 : index
    %get3A_10 = arith.constant 0 : index
    %get3A_11 = arith.constant 0 : index
    %get3A_12 = vector.load %arg1[%get3A_9, %get3A_10, %get3A_11] : memref<2x512x128xf32, #tpu.memory_space<vmem>>, vector<1x512x128xf32>
    %get3A_13 = vector.shape_cast %get3A_12 : vector<1x512x128xf32> to vector<512x128xf32>
    %add3A = arith.addf %get3A_8, %get3A_13 : vector<512x128xf32>
    %add3A_14 = arith.constant 1.000000e-16 : f32
    %add3A_15 = vector.broadcast %add3A_14 : f32 to vector<512xf32>
    %add3A_16 = arith.addf %reduce_sum3A_3, %add3A_15 : vector<512xf32>
    %broadcast_in_dim3A = vector.shape_cast %add3A_16 : vector<512xf32> to vector<512x1xf32>
    %div3A = vector.broadcast %broadcast_in_dim3A : vector<512x1xf32> to vector<512x128xf32>
    %div3A_17 = arith.divf %add3A, %div3A : vector<512x128xf32>
    %get3A_18 = arith.constant 0 : index
    %get3A_19 = arith.constant 0 : index
    %get3A_20 = vector.load %arg3[%get3A_18, %get3A_19] : memref<1x128xf32, #tpu.memory_space<vmem>>, vector<1x128xf32>
    %add3A_21 = vector.broadcast %get3A_20 : vector<1x128xf32> to vector<512x128xf32>
    %add3A_22 = arith.addf %div3A_17, %add3A_21 : vector<512x128xf32>
    %max3A = arith.constant 0.000000e+00 : f32
    %max3A_23 = vector.broadcast %max3A : f32 to vector<512x128xf32>
    %max3A_24 = arith.maximumf %add3A_22, %max3A_23 : vector<512x128xf32>
    %get3A_25 = arith.constant 0 : index
    %get3A_26 = arith.constant 0 : index
    %get3A_27 = vector.load %arg4[%get3A_25, %get3A_26] : memref<128x128xf32, #tpu.memory_space<vmem>>, vector<128x128xf32>
    %dot_general3A = arith.constant dense<0.000000e+00> : vector<512x128xf32>
    %dot_general3A_28 = tpu.matmul %max3A_24, %get3A_27, %dot_general3A {dimension_numbers = #tpu.dot_dimension_numbers<[1], [0], [0], [1], [0, 0, 1, 1], [], []>, transpose_lhs_hint = false} : vector<512x128xf32>, vector<128x128xf32>, vector<512x128xf32> -> vector<512x128xf32>
    %swap3A = arith.constant 0 : index
    %swap3A_29 = arith.constant 0 : index
    %swap3A_30 = vector.load %arg7[%swap3A, %swap3A_29] : memref<512x128xf32, #tpu.memory_space<vmem>>, vector<512x128xf32>
    tpu.vector_store %arg7[%swap3A, %swap3A_29], %dot_general3A_28 {strides = array<i32>} : memref<512x128xf32, #tpu.memory_space<vmem>>, vector<512x128xf32>,
    %get3A_31 = arith.constant 0 : index
    %get3A_32 = arith.constant 0 : index
    %get3A_33 = vector.load %arg5[%get3A_31, %get3A_32] : memref<1x128xf32, #tpu.memory_space<vmem>>, vector<1x128xf32>
    %mul3A = vector.broadcast %get3A_33 : vector<1x128xf32> to vector<512x128xf32>
    %mul3A_34 = arith.mulf %dot_general3A_28, %mul3A : vector<512x128xf32>
    %reduce_sum3A_35 = arith.constant dense<0.000000e+00> : vector<512xf32>
    %reduce_sum3A_36 = vector.multi_reduction <add>, %mul3A_34, %reduce_sum3A_35 [1] : vector<512x128xf32> to vector<512xf32>
    %broadcast_in_dim3A_37 = vector.shape_cast %reduce_sum3A_36 : vector<512xf32> to vector<1x512xf32>
    %get3A_38 = arith.constant 0 : index
    %get3A_39 = arith.constant 0 : index
    %get3A_40 = vector.load %arg6[%get3A_38, %get3A_39] : memref<1x128xf32, #tpu.memory_space<vmem>>, vector<1x128xf32>
    %mul3A_41 = vector.broadcast %get3A_40 : vector<1x128xf32> to vector<512x128xf32>
    %mul3A_42 = arith.mulf %dot_general3A_28, %mul3A_41 : vector<512x128xf32>
    %reduce_sum3A_43 = arith.constant dense<0.000000e+00> : vector<512xf32>
    %reduce_sum3A_44 = vector.multi_reduction <add>, %mul3A_42, %reduce_sum3A_43 [1] : vector<512x128xf32> to vector<512xf32>
    %broadcast_in_dim3A_45 = vector.shape_cast %reduce_sum3A_44 : vector<512xf32> to vector<1x512xf32>
    %swap3A_46 = arith.constant 0 : index
    %swap3A_47 = arith.constant 0 : index
    %swap3A_48 = vector.load %arg8[%swap3A_46, %swap3A_47] : memref<1x512xf32, #tpu.memory_space<vmem>>, vector<1x512xf32>
    tpu.vector_store %arg8[%swap3A_46, %swap3A_47], %broadcast_in_dim3A_37 {strides = array<i32>} : memref<1x512xf32, #tpu.memory_space<vmem>>, vector<1x512xf32>,
    %swap3A_49 = arith.constant 0 : index
    %swap3A_50 = arith.constant 0 : index
    %swap3A_51 = vector.load %arg9[%swap3A_49, %swap3A_50] : memref<1x512xf32, #tpu.memory_space<vmem>>, vector<1x512xf32>
    tpu.vector_store %arg9[%swap3A_49, %swap3A_50], %broadcast_in_dim3A_45 {strides = array<i32>} : memref<1x512xf32, #tpu.memory_space<vmem>>, vector<1x512xf32>,
    %eq3A = arith.constant 0 : i32
    %eq3A_52 = arith.cmpi eq, %arg0, %eq3A : i32
    %broadcast_in_dim3A_53 = arith.constant 0xFF800000 : f32
    %broadcast_in_dim3A_54 = vector.broadcast %broadcast_in_dim3A_53 : f32 to vector<1x1xf32>
    %get3A_55 = arith.constant 0 : index
    %get3A_56 = arith.constant 0 : index
    %get3A_57 = vector.load %arg10[%get3A_55, %get3A_56] : memref<1x1xf32, #tpu.memory_space<vmem>>, vector<1x1xf32>
    %select_n3A = arith.select %eq3A_52, %broadcast_in_dim3A_54, %get3A_57 : vector<1x1xf32>
    %reduce_max3A = vector.shape_cast %broadcast_in_dim3A_37 : vector<1x512xf32> to vector<1x1x512xf32>
    %reduce_max3A_58 = arith.constant dense<0xFF800000> : vector<1xf32>
    %reduce_max3A_59 = vector.multi_reduction <maximumf>, %reduce_max3A, %reduce_max3A_58 [1, 2] : vector<1x1x512xf32> to vector<1xf32>
    %reduce_max3A_60 = vector.shape_cast %reduce_max3A_59 : vector<1xf32> to vector<1x1x1xf32>
    %reduce_max3A_61 = vector.extract %reduce_max3A_60[0, 0, 0] : f32 from vector<1x1x1xf32>
    %reshape3A = vector.broadcast %reduce_max3A_61 : f32 to vector<1x1xf32>
    %max3A_62 = arith.maximumf %select_n3A, %reshape3A : vector<1x1xf32>
    %swap3A_63 = arith.constant 0 : index
    %swap3A_64 = arith.constant 0 : index
    %swap3A_65 = vector.load %arg10[%swap3A_63, %swap3A_64] : memref<1x1xf32, #tpu.memory_space<vmem>>, vector<1x1xf32>
    tpu.vector_store %arg10[%swap3A_63, %swap3A_64], %max3A_62 {strides = array<i32>} : memref<1x1xf32, #tpu.memory_space<vmem>>, vector<1x1xf32>,
    return
  }
  func.func @transform_0(%arg0: i32) -> (i32, i32, i32) {
    %c0_i32 = arith.constant 0 : i32
    %c0_i32_0 = arith.constant 0 : i32
    %c0_i32_1 = arith.constant 0 : i32
    return %c0_i32, %arg0, %c0_i32_0 : i32, i32, i32
  }
  func.func @transform_1(%arg0: i32) -> (i32, i32, i32) {
    %c0_i32 = arith.constant 0 : i32
    %c0_i32_0 = arith.constant 0 : i32
    %c0_i32_1 = arith.constant 0 : i32
    return %c0_i32, %c0_i32_0, %arg0 : i32, i32, i32
  }
  func.func @transform_2(%arg0: i32) -> (i32, i32) {
    %c0_i32 = arith.constant 0 : i32
    %c0_i32_0 = arith.constant 0 : i32
    %c0_i32_1 = arith.constant 0 : i32
    return %c0_i32, %c0_i32_0 : i32, i32
  }
  func.func @transform_3(%arg0: i32) -> (i32, i32) {
    %c0_i32 = arith.constant 0 : i32
    %c0_i32_0 = arith.constant 0 : i32
    %c0_i32_1 = arith.constant 0 : i32
    return %c0_i32, %c0_i32_0 : i32, i32
  }
  func.func @transform_4(%arg0: i32) -> (i32, i32) {
    %c0_i32 = arith.constant 0 : i32
    %c0_i32_0 = arith.constant 0 : i32
    %c0_i32_1 = arith.constant 0 : i32
    return %c0_i32, %c0_i32_0 : i32, i32
  }
  func.func @transform_5(%arg0: i32) -> (i32, i32) {
    %c0_i32 = arith.constant 0 : i32
    %c0_i32_0 = arith.constant 0 : i32
    %c0_i32_1 = arith.constant 0 : i32
    return %c0_i32, %c0_i32_0 : i32, i32
  }
  func.func @transform_6(%arg0: i32) -> (i32, i32) {
    %c0_i32 = arith.constant 0 : i32
    %c0_i32_0 = arith.constant 0 : i32
    return %arg0, %c0_i32 : i32, i32
  }
  func.func @transform_7(%arg0: i32) -> (i32, i32) {
    %c0_i32 = arith.constant 0 : i32
    %c0_i32_0 = arith.constant 0 : i32
    return %c0_i32, %arg0 : i32, i32
  }
  func.func @transform_8(%arg0: i32) -> (i32, i32) {
    %c0_i32 = arith.constant 0 : i32
    %c0_i32_0 = arith.constant 0 : i32
    return %c0_i32, %arg0 : i32, i32
  }
  func.func @transform_9(%arg0: i32) -> (i32, i32) {
    %c0_i32 = arith.constant 0 : i32
    %c0_i32_0 = arith.constant 0 : i32
    %c0_i32_1 = arith.constant 0 : i32
    return %c0_i32, %c0_i32_0 : i32, i32
  }
}

module attributes {stable_mosaic.version = 14 : i64} {
  func.func @_norm_tanh_body(%arg0: i32, %arg1: memref<2x512x128xf32, #tpu.memory_space<vmem>>, %arg2: memref<2x16x512xf32, #tpu.memory_space<vmem>>, %arg3: memref<1x64xf32, #tpu.memory_space<vmem>>, %arg4: memref<512x64xf32, #tpu.memory_space<vmem>>) attributes {dimension_semantics = [#tpu.dimension_semantics<arbitrary>], iteration_bounds = array<i64: 20>, scalar_prefetch = 0 : i64, scratch_operands = 0 : i64, tpu.core_type = #tpu.core_type<tc>, window_params = [{transform_indices = @transform_0, window_bounds = array<i64: 2, 512, 128>}, {transform_indices = @transform_1, window_bounds = array<i64: 2, 16, 512>}, {pipeline_mode = #tpu.pipeline_mode<synchronous>, transform_indices = @transform_2, window_bounds = array<i64: 1, 64>}, {transform_indices = @transform_3, window_bounds = array<i64: 512, 64>}]} {
    %get3A = arith.constant 0 : index
    %get3A_0 = arith.constant 0 : index
    %get3A_1 = arith.constant 0 : index
    %get3A_2 = vector.load %arg2[%get3A, %get3A_0, %get3A_1] : memref<2x16x512xf32, #tpu.memory_space<vmem>>, vector<2x16x512xf32>
    %reduce_sum3A = arith.constant dense<0.000000e+00> : vector<512xf32>
    %reduce_sum3A_3 = vector.multi_reduction <add>, %get3A_2, %reduce_sum3A [0, 1] : vector<2x16x512xf32> to vector<512xf32>
    %get3A_4 = arith.constant 0 : index
    %get3A_5 = arith.constant 0 : index
    %get3A_6 = arith.constant 0 : index
    %get3A_7 = vector.load %arg1[%get3A_4, %get3A_5, %get3A_6] : memref<2x512x128xf32, #tpu.memory_space<vmem>>, vector<1x512x128xf32>
    %get3A_8 = vector.shape_cast %get3A_7 : vector<1x512x128xf32> to vector<512x128xf32>
    %slice3A = vector.extract_strided_slice %get3A_8 {offsets = [0, 0], sizes = [512, 64], strides = [1, 1]} : vector<512x128xf32> to vector<512x64xf32>
    %get3A_9 = arith.constant 1 : index
    %get3A_10 = arith.constant 0 : index
    %get3A_11 = arith.constant 0 : index
    %get3A_12 = vector.load %arg1[%get3A_9, %get3A_10, %get3A_11] : memref<2x512x128xf32, #tpu.memory_space<vmem>>, vector<1x512x128xf32>
    %get3A_13 = vector.shape_cast %get3A_12 : vector<1x512x128xf32> to vector<512x128xf32>
    %slice3A_14 = vector.extract_strided_slice %get3A_13 {offsets = [0, 0], sizes = [512, 64], strides = [1, 1]} : vector<512x128xf32> to vector<512x64xf32>
    %add3A = arith.addf %slice3A, %slice3A_14 : vector<512x64xf32>
    %add3A_15 = arith.constant 1.000000e-16 : f32
    %add3A_16 = vector.broadcast %add3A_15 : f32 to vector<512xf32>
    %add3A_17 = arith.addf %reduce_sum3A_3, %add3A_16 : vector<512xf32>
    %broadcast_in_dim3A = vector.shape_cast %add3A_17 : vector<512xf32> to vector<512x1xf32>
    %div3A = vector.broadcast %broadcast_in_dim3A : vector<512x1xf32> to vector<512x64xf32>
    %div3A_18 = arith.divf %add3A, %div3A : vector<512x64xf32>
    %get3A_19 = arith.constant 0 : index
    %get3A_20 = arith.constant 0 : index
    %get3A_21 = vector.load %arg3[%get3A_19, %get3A_20] : memref<1x64xf32, #tpu.memory_space<vmem>>, vector<1x64xf32>
    %add3A_22 = vector.broadcast %get3A_21 : vector<1x64xf32> to vector<512x64xf32>
    %add3A_23 = arith.addf %div3A_18, %add3A_22 : vector<512x64xf32>
    %tanh3A = math.tanh %add3A_23 : vector<512x64xf32>
    %swap3A = arith.constant 0 : index
    %swap3A_24 = arith.constant 0 : index
    %swap3A_25 = vector.load %arg4[%swap3A, %swap3A_24] : memref<512x64xf32, #tpu.memory_space<vmem>>, vector<512x64xf32>
    tpu.vector_store %arg4[%swap3A, %swap3A_24], %tanh3A {strides = array<i32>} : memref<512x64xf32, #tpu.memory_space<vmem>>, vector<512x64xf32>,
    return
  }
  func.func @transform_0(%arg0: i32) -> (i32, i32, i32) {
    %c0_i32 = arith.constant 0 : i32
    %c0_i32_0 = arith.constant 0 : i32
    %c0_i32_1 = arith.constant 0 : i32
    return %c0_i32, %arg0, %c0_i32_0 : i32, i32, i32
  }
  func.func @transform_1(%arg0: i32) -> (i32, i32, i32) {
    %c0_i32 = arith.constant 0 : i32
    %c0_i32_0 = arith.constant 0 : i32
    %c0_i32_1 = arith.constant 0 : i32
    return %c0_i32, %c0_i32_0, %arg0 : i32, i32, i32
  }
  func.func @transform_2(%arg0: i32) -> (i32, i32) {
    %c0_i32 = arith.constant 0 : i32
    %c0_i32_0 = arith.constant 0 : i32
    %c0_i32_1 = arith.constant 0 : i32
    return %c0_i32, %c0_i32_0 : i32, i32
  }
  func.func @transform_3(%arg0: i32) -> (i32, i32) {
    %c0_i32 = arith.constant 0 : i32
    %c0_i32_0 = arith.constant 0 : i32
    return %arg0, %c0_i32 : i32, i32
  }
}

module attributes {stable_mosaic.version = 14 : i64} {
  func.func @_decode_body(%arg0: i32, %arg1: i32, %arg2: memref<512x64xf32, #tpu.memory_space<vmem>>, %arg3: memref<512x64xf32, #tpu.memory_space<vmem>>, %arg4: memref<512x512xf32, #tpu.memory_space<vmem>>) attributes {dimension_semantics = [#tpu.dimension_semantics<arbitrary>, #tpu.dimension_semantics<arbitrary>], iteration_bounds = array<i64: 20, 20>, scalar_prefetch = 0 : i64, scratch_operands = 0 : i64, tpu.core_type = #tpu.core_type<tc>, window_params = [{transform_indices = @transform_0, window_bounds = array<i64: 512, 64>}, {transform_indices = @transform_1, window_bounds = array<i64: 512, 64>}, {transform_indices = @transform_2, window_bounds = array<i64: 512, 512>}]} {
    %get3A = arith.constant 0 : index
    %get3A_0 = arith.constant 0 : index
    %get3A_1 = vector.load %arg2[%get3A, %get3A_0] : memref<512x64xf32, #tpu.memory_space<vmem>>, vector<512x64xf32>
    %get3A_2 = arith.constant 0 : index
    %get3A_3 = arith.constant 0 : index
    %get3A_4 = vector.load %arg3[%get3A_2, %get3A_3] : memref<512x64xf32, #tpu.memory_space<vmem>>, vector<512x64xf32>
    %dot_general3A = arith.constant dense<0.000000e+00> : vector<512x512xf32>
    %dot_general3A_5 = tpu.matmul %get3A_1, %get3A_4, %dot_general3A {dimension_numbers = #tpu.dot_dimension_numbers<[1], [1], [0], [0], [0, 0, 1, 0], [], []>, transpose_lhs_hint = false} : vector<512x64xf32>, vector<512x64xf32>, vector<512x512xf32> -> vector<512x512xf32>
    %mul3A = arith.constant 5.000000e-01 : f32
    %mul3A_6 = vector.broadcast %mul3A : f32 to vector<512x512xf32>
    %mul3A_7 = arith.mulf %mul3A_6, %dot_general3A_5 : vector<512x512xf32>
    %tanh3A = math.tanh %mul3A_7 : vector<512x512xf32>
    %mul3A_8 = arith.constant 5.000000e-01 : f32
    %mul3A_9 = vector.broadcast %mul3A_8 : f32 to vector<512x512xf32>
    %mul3A_10 = arith.mulf %mul3A_9, %tanh3A : vector<512x512xf32>
    %add3A = arith.constant 5.000000e-01 : f32
    %add3A_11 = vector.broadcast %add3A : f32 to vector<512x512xf32>
    %add3A_12 = arith.addf %mul3A_10, %add3A_11 : vector<512x512xf32>
    %swap3A = arith.constant 0 : index
    %swap3A_13 = arith.constant 0 : index
    %swap3A_14 = vector.load %arg4[%swap3A, %swap3A_13] : memref<512x512xf32, #tpu.memory_space<vmem>>, vector<512x512xf32>
    tpu.vector_store %arg4[%swap3A, %swap3A_13], %add3A_12 {strides = array<i32>} : memref<512x512xf32, #tpu.memory_space<vmem>>, vector<512x512xf32>,
    return
  }
  func.func @transform_0(%arg0: i32, %arg1: i32) -> (i32, i32) {
    %c0_i32 = arith.constant 0 : i32
    %c0_i32_0 = arith.constant 0 : i32
    return %arg0, %c0_i32 : i32, i32
  }
  func.func @transform_1(%arg0: i32, %arg1: i32) -> (i32, i32) {
    %c0_i32 = arith.constant 0 : i32
    %c0_i32_0 = arith.constant 0 : i32
    return %arg1, %c0_i32 : i32, i32
  }
  func.func @transform_2(%arg0: i32, %arg1: i32) -> (i32, i32) {
    %c0_i32 = arith.constant 0 : i32
    return %arg0, %arg1 : i32, i32
  }
}

</mosaic_0001>

<sc_bundles>
// kernel: kernel.11.cloned.1.call-start
scs
__scs_entry_jumppad:
0x0: {  	(pc) =	sbr.rel $0x88, $3  }
0x1: {  	(tag) =	ssettag $0x0;
	lr =	simm.s32 $0x1  }
0x2: {  	[smem:$0x3F97] =	sst lr;
	_ =	strace $0xD0000000  }
0x3: {  	_ = 	snop  }
0x4: {  	_ = 	snop  }
0x5: {  	_ = 	snop  }
0x6: {  	_ = 	snop  }
0x7: {  	_ = 	snop  }
__scs_overlays_trampoline_lowered:
0x8: {  	[smem:$0x3FA6] =	sst s0  }
0x9: {  	[smem:$0x3FA7] =	sst s1  }
0xa: {  	[smem:$0x3FA8] =	sst s2  }
0xb: {  	[smem:$0x3FA9] =	sst s3  }
0xc: {  	[smem:$0x3FAA] =	sst s4  }
0xd: {  	[smem:$0x3FAB] =	sst s5  }
0xe: {  	[smem:$0x3FAC] =	sst s6  }
0xf: {  	[smem:$0x3FAD] =	sst s7  }
0x10: {  	[smem:$0x3FAE] =	sst s8  }
0x11: {  	[smem:$0x3FAF] =	sst s9;
	s0 =	simm.s32 @!p0 $0x0  }
0x12: {  	s1 =	sld [smem:$0x3F95];
	s0 =	simm.s32 @p0 $0x1  }
0x13: {  	[smem:$0x3FB0] =	sst s0;
	s0 =	simm.s32 @!p1 $0x0  }
0x14: {  	s2 =	sld [smem:$0x3F94];
	s0 =	simm.s32 @p1 $0x1  }
0x15: {  	[smem:$0x3FB1] =	sst s0;
	s0 =	simm.s32 @!p2 $0x0  }
0x16: {  	s3 =	sld [smem:$0x3FDB];
	s0 =	simm.s32 @p2 $0x1  }
0x17: {  	s4 =	simm.s32 $0x1BF5;
	[smem:$0x3FB3] =	sst s0  }
0x18: {  	s0 =	sld [smem:$0x3F96];
	_ =	swait.ge [sflag:s4], $0x0  }
0x19: {  	s7 =	sld [smem:$0x3F97]  }
0x1a: {  	s8 =	sadd.s32 $0xFFFFE003, lr  }
0x1b: {  	s9 =	sadd.s32 $0xFFFFFEF7, lr;
	s5 =	simm.s32 $0xFFFFFFFF;
	p2 =	slt.u32 s8, $0xFFFFF086  }
0x1c: {  	p1 =	slt.u32 s9, $0xF7A;
	s5 =	simm.s32 @!p2 $0x0  }
0x1d: {  	s5 =	simm.s32 @p1 $0x1;
	p0 =	seq.s32 s7, s2  }
0x1e: {  	s7 =	smul.u32 @!p0 $0xF7A, s2;
	p2 =	seq.s32 @!p0 s5, $0x0  }
0x1f: {  	s9 =	smul.u32 $0xF7A, s1;
	s8 =	simm.s32 @!p0 $0x1BF5;
	p2 =	por !p2, p0  }
0x20: {  	[sflag:s8] =	ssyncset.s32 @!p0 $0xFFFFF086;
	s6 =	sadd.s32 @!p0 s3, s7;
	s7 =	simm.s32 @!p0 $0x108  }
0x21: {  	s3 =	sadd.s32 s3, s9;
	s6 =	sadd.s32 @!p0 $0x88, s6;
	s7 =	simm.s32 @p2 $0x1082  }
0x22: {  	[simem:s7], [sflag:s8] =	dma.local @!p0 [hbm:s6], $0xF7A  }
0x23: {  	s9 =	sor.u32 $0xD0000000, s2;
	s6 =	simm.s32 $0x108;
	_ =	swait.ge @!p0 [sflag:s8], $0x0  }
0x24: {  	s3 =	sadd.s32 $0x88, s3;
	s6 =	simm.s32 @!p1 $0x1082;
	[sflag:s4] =	ssyncset.s32 $0xFFFFF086  }
0x25: {  	[simem:s6], [sflag:s4] =	dma.local [hbm:s3], $0xF7A  }
0x26: {  	[smem:$0x3F97] =	sst s1;
	(tag) =	ssettag s2;
	_ =	strace s9  }
0x27: {  	s1 =	sld [smem:$0x3FA7]  }
0x28: {  	s2 =	sld [smem:$0x3FA8]  }
0x29: {  	s4 =	sld [smem:$0x3FAA]  }
0x2a: {  	p0 =	seq.s32 s5, $0x0;
	s5 =	sld [smem:$0x3FAB]  }
0x2b: {  	s6 =	sld [smem:$0x3FAC]  }
0x2c: {  	s7 =	sld [smem:$0x3FAD]  }
0x2d: {  	s3 =	simm.s32 $0x108;
	s8 =	sld [smem:$0x3FAE]  }
0x2e: {  	s3 =	simm.s32 @!p0 $0x1082;
	s9 =	sld [smem:$0x3FAF]  }
0x2f: {  	lr =	sadd.s32 s0, s3;
	s0 =	sld [smem:$0x3FA6]  }
0x30: {  	s3 =	sld [smem:$0x3FA9]  }
0x31: {  	[smem:$0x3FB2] =	sst s10  }
0x32: {  	s10 =	sld [smem:$0x3FB0];
	_ =	sdelay $0x3  }
0x33: {  	p0 =	seq.s32 s10, $0x1;
	s10 =	sld [smem:$0x3FB2];
	_ =	sdelay $0x3  }
0x34: {  	[smem:$0x3FB2] =	sst s10  }
0x35: {  	s10 =	sld [smem:$0x3FB1];
	_ =	sdelay $0x3  }
0x36: {  	p1 =	seq.s32 s10, $0x1;
	s10 =	sld [smem:$0x3FB2];
	_ =	sdelay $0x3  }
0x37: {  	[smem:$0x3FB2] =	sst s10  }
0x38: {  	s10 =	sld [smem:$0x3FB3]  }
0x39: {  	_ = 	snop;
	(pc) =	sbr.ind lr, $3  }
0x3a: {  	_ = 	snop  }
0x3b: {  	_ = 	snop  }
0x3c: {  	p2 =	seq.s32 s10, $0x1;
	s10 =	sld [smem:$0x3FB2]  }
0x3d: {  	_ =	shalt  }
0x3e: {  	_ =	shalt  }
0x3f: {  	_ =	shalt  }
0x40: {  	_ =	shalt  }
0x41: {  	_ =	shalt  }
0x42: {  	_ =	shalt  }
0x43: {  	_ =	shalt  }
0x44: {  	_ =	shalt  }
0x45: {  	_ =	shalt  }
0x46: {  	_ =	shalt  }
0x47: {  	_ =	shalt  }
0x48: {  	_ =	shalt  }
0x49: {  	_ =	shalt  }
0x4a: {  	_ =	shalt  }
0x4b: {  	_ =	shalt  }
0x4c: {  	_ =	shalt  }
0x4d: {  	_ =	shalt  }
0x4e: {  	_ =	shalt  }
0x4f: {  	_ =	shalt  }
0x50: {  	_ =	shalt  }
0x51: {  	_ =	shalt  }
0x52: {  	_ =	shalt  }
0x53: {  	_ =	shalt  }
0x54: {  	_ =	shalt  }
0x55: {  	_ =	shalt  }
0x56: {  	_ =	shalt  }
0x57: {  	_ =	shalt  }
0x58: {  	_ =	shalt  }
0x59: {  	_ =	shalt  }
0x5a: {  	_ =	shalt  }
0x5b: {  	_ =	shalt  }
0x5c: {  	_ =	shalt  }
0x5d: {  	_ =	shalt  }
0x5e: {  	_ =	shalt  }
0x5f: {  	_ =	shalt  }
0x60: {  	_ =	shalt  }
0x61: {  	_ =	shalt  }
0x62: {  	_ =	shalt  }
0x63: {  	_ =	shalt  }
0x64: {  	_ =	shalt  }
0x65: {  	_ =	shalt  }
0x66: {  	_ =	shalt  }
0x67: {  	_ =	shalt  }
0x68: {  	_ =	shalt  }
0x69: {  	_ =	shalt  }
0x6a: {  	_ =	shalt  }
0x6b: {  	_ =	shalt  }
0x6c: {  	_ =	shalt  }
0x6d: {  	_ =	shalt  }
0x6e: {  	_ =	shalt  }
0x6f: {  	_ =	shalt  }
0x70: {  	_ =	shalt  }
0x71: {  	_ =	shalt  }
0x72: {  	_ =	shalt  }
0x73: {  	_ =	shalt  }
0x74: {  	_ =	shalt  }
0x75: {  	_ =	shalt  }
0x76: {  	_ =	shalt  }
0x77: {  	_ =	shalt  }
0x78: {  	_ =	shalt  }
0x79: {  	_ =	shalt  }
0x7a: {  	_ =	shalt  }
0x7b: {  	_ =	shalt  }
0x7c: {  	_ =	shalt  }
0x7d: {  	_ =	shalt  }
0x7e: {  	_ =	shalt  }
0x7f: {  	_ =	shalt  }
0x80: {  	_ =	shalt  }
0x81: {  	_ =	shalt  }
0x82: {  	_ =	shalt  }
0x83: {  	_ =	shalt  }
0x84: {  	_ =	shalt  }
0x85: {  	_ =	shalt  }
0x86: {  	_ =	shalt  }
0x87: {  	_ =	shalt  }
.Lfunc_end0:
.L_simem_size_0:
called_computation.1_lowered:
.L_overlay_start_0:
0x88: {  	s2 =	sld [smem:$0x3FD9]  }
0x89: {  	s3 =	sld [smem:$0x3FFE];
	_ =	sdelay $0x1  }
0x8a: {  	s1 =	srdreg.scid  }
0x8b: {  	s0 =	sand.u32 $0x1, s1  }
0x8c: {  	s14 =	sshll.u32 s0, $0xA;
	s2 =	sadd.s32 s3, s2  }
0x8d: {  	s2 =	sadd.s32 s2, s14  }
0x8e: {  	[smem:$0x3FBE] =	sst s2  }
0x8f: {  	_ = 	snop  }
0x90: {  	s2 =	sld [smem:$0x3FD0];
	_ =	sdelay $0x2  }
0x91: {  	s15 =	simm.s32 $0xA;
	s4 =	simm.s32 $0x10  }
0x92: {  	[smem:s4], [sflag:s15] =	dma.local [hbm:s2], $0x1  }
0x93: {  	_ =	swait.eq [sflag:s15], $0x1  }
0x94: {  	[sflag:s15] =	ssyncset.done $0x0  }
0x95: {  	s16 =	sld [smem:$0x10];
	[sflag:s15] =	ssyncadd.s32 $0xFFFFFFFF  }
0x96: {  	s17 =	sld [smem:$0x11];
	(tm) =	ssettm $0x1  }
0x97: {  	s18 =	sld [smem:$0x3FFB];
	_ =	sdelay $0x3  }
0x98: {  	_ =	strace s18  }
0x99: {  	s4 =	sld [smem:$0x3FFC];
	_ =	sdelay $0x3  }
0x9a: {  	_ =	strace s4  }
0x9b: {  	s4 =	sld [smem:$0x3FFD];
	_ =	sdelay $0x3  }
0x9c: {  	_ =	strace s4  }
0x9d: {  	_ =	strace $0x8FFFFFFF  }
0x9e: {  	s19 =	sld [smem:$0x3FDB];
	_ =	sdelay $0x1  }
0x9f: {  	s5 =	simm.s32 $_scs_section_size  }
0xa0: {  	s6 =	simm.s32 $_size__tile_overlayer_lowered;
	s7 =	simm.s32 $_tile_overlayer_lowered  }
0xa1: {  	s22 =	simm.s32 $0x1BFF;
	s21 =	sshll.u32 s7, $0x1;
	s4 =	sadd.s32 s5, s19  }
0xa2: {  	s8 =	simm.s32 $0x0;
	s20 =	sshll.u32 s6, $0x1;
	s6 =	sadd.s32 s21, s4  }
0xa3: {  	[timem:s8], [sflag:s22] =	dma.local [hbm:s6], s20  }
0xa4: {  	_ =	swait.ge [sflag:s22], s20  }
0xa5: {  	s5 =	ssub.s32 $0x0, s20;
	[sflag:s22] =	ssyncset.done $0x0  }
0xa6: {  	[sflag:s22] =	ssyncadd.s32 s5;
	_ =	sdelay $0x1  }
0xa7: {  	s23 =	simm.s32 $0x1B8B  }
0xa8: {  	_ =	swait.ge [sflag:s23], $0x1  }
0xa9: {  	[sflag:s23] =	ssyncset.done $0x0  }
0xaa: {  	s25 =	simm.s32 $0x1B8E;
	s24 =	sld [smem:$0x3FFE];
	[sflag:s23] =	ssyncadd.s32 $0xFFFFFFFF  }
0xab: {  	s26 =	simm.s32 $execute0_lowered;
	[smem:$0x3FD2] =	sst s25  }
0xac: {  	s6 =	sshll.u32 s26, $0x1;
	_ =	strace $0x80000049;
	[dreg:$0x1] =	wrdreg $0xFFFFFFFF  }
0xad: {  	s28 =	simm.s32 $_size_execute0_lowered;
	s4 =	sadd.s32 s4, s6;
	[dreg:$0x0] =	wrdreg $0x0  }
0xae: {  	s6 =	sshll.u32 s28, $0x1;
	[dreg:$0x2] =	wrdreg s4  }
0xaf: {  	[dreg:$0x3] =	wrdreg s6  }
0xb0: {  	[dreg:$0x4] =	wrdreg $0xC0  }
0xb1: {  	_ =	task [dreg:s8], $0x5FFFF  }
0xb2: {  	[dreg:$0x1] =	wrdreg $0xFFFFFFFF  }
0xb3: {  	[dreg:$0x0] =	wrdreg $0x60  }
0xb4: {  	[dreg:$0x2] =	wrdreg s24  }
0xb5: {  	[dreg:$0x3] =	wrdreg s17  }
0xb6: {  	[dreg:$0x4] =	wrdreg s16  }
0xb7: {  	[dreg:$0x5] =	wrdreg $0xBA000  }
0xb8: {  	[dreg:$0x6] =	wrdreg $0x9  }
0xb9: {  	_ =	task.clear_ibuf [dreg:s8], $0x7FFFF;
	_ =	strace $0x90000049  }
0xba: {  	s29 =	simm.s32 $0x9;
	_ =	strace $0x8000004B  }
0xbb: {  	_ =	swait.ge [sflag:s29], $0x1  }
0xbc: {  	[sflag:s29] =	ssyncadd.s32 $0xFFFFFFFF  }
0xbd: {  	_ =	strace $0x9000004B  }
0xbe: {  	_ =	sfence  }
0xbf: {  	s30 =	sld [smem:$0x0];
	_ =	sdelay $0x2  }
0xc0: {  	s31 =	sshll.u32 s1, $0xD;
	s1 =	sshrl.u32 s1, $0x2  }
0xc1: {  	s3 =	sand.u32 $0x4000, s31;
	s1 =	sadd.s32 s1, s30  }
0xc2: {  	s0 =	sor.u32 s3, s0;
	s1 =	sshll.u32 s1, $0x11  }
0xc3: {  	s0 =	sor.u32 s1, s0  }
0xc4: {  	s0 =	sadd.s32 $0x8F2B, s0  }
0xc5: {  	[sflag:s0] =	ssyncadd.remote.s32 $0x1  }
0xc6: {  	_ =	sfence.sel $0xFFFF  }
0xc7: {  	[dreg:$0x0] =	wrdreg $0xFFFFFFFF;
	(pc) =	sbr.abs _section_cstart, $3  }
0xc8: {  	[dreg:$0x1] =	wrdreg $0xFFFFFFFF  }
0xc9: {  	_ =	task.clear_ibuf [dreg:s8], $0x2FFFF;
	_ =	strace $0x9FFFFFFF  }
0xca: {  	(tm) =	ssettm $0x7FFFFFFF  }
0xcb: {  	_ =	shalt  }
tec
execute0_lowered:
.L_overlay_start_1:
0x0: {  	(tag) =	ssettag $0x1  }
0x1: {  	s0 =	rddreg [dreg:$0x0]  }
0x2: {  	s2 =	rddreg [dreg:$0x1]  }
0x3: {  	s12 =	rddreg [dreg:$0x2]  }
0x4: {  	s1 =	rddreg [dreg:$0x3]  }
0x5: {  	s3 =	srdreg.scid;
	s6 =	stileid.u32  }
0x6: {  	s19 =	simm.s32 $0x40;
	s29 =	simm.s32 $0x0;
	s9 =	sand.u32 $0x1, s3  }
0x7: {  	s3 =	simm.s32 $0x0;
	s7 =	sshrl.u32 s6, $0x3;
	s22 =	smul.u32 $0x50000, s6  }
0x8: {  	s8 =	sadd.s32 $0x36000, s0;
	s20 =	sadd.s32 $0x36200, s0;
	s17 =	smul.u32 $0x14000, s6  }
0x9: {  	s15 =	sshll.u32 s6, $0x7;
	s31 =	sshll.u32 s6, $0x6;
	s11 =	smul.u32 $0x28000, s9  }
0xa: {  	s4 =	sshll.u32 s9, $0x4;
	[smem:$0x7FF] =	sst s3;
	s14 =	smul.u32 $0x14000, s7  }
0xb: {  	s7 =	sadd.s32 $0xD400, s0;
	s21 =	sand.u32 $0x380, s15;
	s23 =	ssub.s32 $0x2, s9  }
0xc: {  	s16 =	smul.u32 $0x140000, s9;
	s15 =	simm.s32 $0x80;
	s5 =	sor.u32 s6, s4  }
0xd: {  	_ =	strace $0x8000004A;
	s4 =	sadd.s32 $0x35400, s0;
	[dreg:$0x5] =	wrdreg s8  }
0xe: {  	[dreg:$0x6] =	wrdreg s20;
	s25 =	sshrl.u32 s23, $0x1;
	s26 =	sshrl.u32 s22, $0x2  }
0xf: {  	s10 =	smul.u32 $0x500, s5;
	s5 =	sadd.s32 $0x35A00, s0;
	s11 =	sadd.s32 s11, s14  }
0x10: {  	s14 =	ssub.s32 s23, s25;
	s28 =	sadd.s32 s17, s16;
	s16 =	simm.s32 $0x2880  }
0x11: {  	s17 =	sor.u32 $0x1C03, s31;
	s23 =	simm.s32 $0x1;
	s25 =	simm.s32 $0x5080  }
0x12: {  	s11 =	sor.u32 s21, s11;
	s30 =	sshrl.u32 s28, $0x3;
	s13 =	sadd.s32 s10, s0  }
0x13: {  	s24 =	sshrl.u32 s11, $0x3;
	s9 =	sadd.s32 s2, s10;
	s2 =	sadd.s32 s26, s1  }
0x14: {  	s12 =	sadd.s32 s12, s30;
	s26 =	simm.s32 $0x2;
	s0 =	sadd.s32 s24, s0  }
0x15: {  	s10 =	sadd.s32 $0x3400, s13;
	s13 =	smax.u32 s14, $0x1;
	s14 =	simm.s32 $0x3  }
0x16: {  	v0 =	vimm.f32 $0.0e+00;
	s18 =	sshrl.u32 s2, $0x3;
	s24 =	simm.s32 $0x9200;
	s11 =	sadd.s32 $0x38A00, s0  }
.LBB2_1:
0x17: {  	s0 =	rddreg [dreg:$0x5]  }
0x18: {  	[tilespmem:s3], [sflag:$0x3] =	stream.linear.gather [hbm4b:s0+s3], $0x80, $0x38;
	[tilespmem:$0x1FA00] =	vst v63  }
0x19: {  	_ =	swait.ge [sflag:s14], $0x80  }
0x1a: {  	[sflag:s14] =	ssyncset.done $0x0  }
0x1b: {  	[sflag:s14] =	ssyncadd.s32 $0xFFFFFF80  }
0x1c: {  	[tilespmem:s15], [sflag:$0x3] =	stream.linear.gather [hbm4b:s9+s3], $0x2800, $0x38;
	[tilespmem:$0x1FA00] =	vst v63  }
0x1d: {  	_ =	swait.ge [sflag:s14], $0x2800  }
0x1e: {  	[sflag:s14] =	ssyncset.done $0x0  }
0x1f: {  	[sflag:s14] =	ssyncadd.s32 $0xFFFFD800  }
0x20: {  	[tilespmem:s16], [sflag:$0x3] =	stream.linear.gather [hbm4b:s10+s3], $0x2800, $0x38;
	[tilespmem:$0x1FA00] =	vst v63  }
0x21: {  	_ =	swait.ge [sflag:s14], $0x2800  }
0x22: {  	[sflag:s14] =	ssyncset.done $0x0  }
0x23: {  	s31 =	rddreg [dreg:$0x6];
	[sflag:s14] =	ssyncadd.s32 $0xFFFFD800  }
0x24: {  	[spmem:s18], [sflag:s17] =	dma.local [hbm:s31], $0x2800  }
0x25: {  	_ =	swait.ge [sflag:s14], $0x2800  }
0x26: {  	[sflag:s14] =	ssyncset.done $0x0  }
0x27: {  	s0 =	simm.s32 $0x9240;
	[sflag:s14] =	ssyncadd.s32 $0xFFFFD800  }
0x28: {  	[tilespmem:s0+$0xFFFFFFC0] =	vst v0  }
0x29: {  	[tilespmem:s0+$0x30] =	vst v0  }
0x2a: {  	[tilespmem:s0+$0x20] =	vst v0  }
0x2b: {  	[tilespmem:s0+$0x10] =	vst v0  }
0x2c: {  	[tilespmem:s0+$0x0] =	vst v0  }
0x2d: {  	[tilespmem:s0+$0xFFFFFFF0] =	vst v0  }
0x2e: {  	s2 =	simm.s32 $0x0;
	[tilespmem:s0+$0xFFFFFFE0] =	vst v0  }
.LBB2_2:
0x2f: {  	s2 =	sadd.s32 $0x8, s2;
	[tilespmem:s0+$0xFFFFFFD0] =	vst v0;
	s0 =	sadd.s32 $0x80, s0  }
0x30: {  	[tilespmem:s0+$0xFFFFFFC0] =	vst v0;
	p0 =	slt.u32 s2, $0x278  }
0x31: {  	[tilespmem:s0+$0x30] =	vst v0  }
.Ltmp0:
0x32: {  	[tilespmem:s0+$0x20] =	vst v0;
	(pc) =	sbr.rel @p0 .LBB2_2-.Ltmp0, $4  }
0x33: {  	[tilespmem:s0+$0x10] =	vst v0  }
0x34: {  	[tilespmem:s0+$0x0] =	vst v0  }
0x35: {  	[tilespmem:s0+$0xFFFFFFF0] =	vst v0  }
0x36: {  	[tilespmem:s0+$0xFFFFFFE0] =	vst v0  }
0x37: {  	[tilespmem:s0+$0xFFFFFFD0] =	vst v0  }
0x38: {  	s28 =	simm.s32 $0x5200;
	[bflag:$0x0] =	sbarrier.arrive $0xFFFF  }
0x39: {  	v1 =	vld [tilespmem:$0x0];
	[tilespmem:s28], [sflag:$0x1] =	stream.indirect.gather [hbm4b:s7+s19], $0x80, s15, s19, $0xb8  }
0x3a: {  	s30 =	simm.s32 $0x5100  }
0x3b: {  	[tilespmem:s30], [sflag:$0x1] =	stream.indirect.gather [hbm4b:s4+s19], $0x1, s15, s19, $0xb8;
	[tilespmem:$0x1FA00] =	vst v63  }
0x3c: {  	s31 =	simm.s32 $0x5180;
	s0 =	simm.s32 $0x0  }
0x3d: {  	[tilespmem:s31], [sflag:$0x1] =	stream.indirect.gather [hbm4b:s5+s19], $0x1, s16, s19, $0xb8;
	[tilespmem:$0x1FA00] =	vst v63  }
.LBB2_4:
0x3e: {  	_ =	swait.ge [sflag:s23], $0x2000  }
0x3f: {  	[sflag:s23] =	ssyncset.done $0x0  }
0x40: {  	[sflag:s23] =	ssyncadd.s32 $0xFFFFE000  }
0x41: {  	_ =	swait.ge [sflag:s23], $0x40  }
0x42: {  	p0 =	seq.s32 s0, $0x0;
	[sflag:s23] =	ssyncset.done $0x0  }
0x43: {  	p1 =	seq.s32 @!p0 s0, $0x4F;
	[sflag:s23] =	ssyncadd.s32 $0xFFFFFFC0  }
0x44: {  	p1 =	por p0, !p1;
	_ =	swait.ge [sflag:s23], $0x40  }
.Ltmp1:
0x45: {  	[sflag:s23] =	ssyncset.done $0x0;
	(pc) =	sbr.rel @!p1 .LBB2_6-.Ltmp1, $4  }
0x46: {  	s2 =	simm.s32 @!p0 $0x2;
	[sflag:s23] =	ssyncadd.s32 $0xFFFFFFC0  }
0x47: {  	_ =	swait.ge @!p0 [sflag:s2], $0x2000  }
0x48: {  	s20 =	sshll.u32 s0, $0x6;
	[sflag:s2] =	ssyncset.done @!p0 $0x0  }
0x49: {  	s31 =	sand.u32 $0x40, s20;
	s30 =	simm.s32 @!p0 $0x50;
	[sflag:s2] =	ssyncadd.s32 @!p0 $0xFFFFE000  }
0x4a: {  	s30 =	sadd.s32 @!p0 $0x1, s0  }
0x4b: {  	s2 =	sxor.u32 $0x40, s31;
	s30 =	simm.s32 @p0 $0x1  }
0x4c: {  	s20 =	sshll.u32 s2, $0x7;
	s21 =	sshll.u32 s30, $0x7  }
0x4d: {  	s20 =	sadd.s32 $0x5200, s20;
	s22 =	sadd.s32 $0x80, s21  }
0x4e: {  	[tilespmem:s20], [sflag:$0x1] =	stream.indirect.gather [hbm4b:s7+s19], $0x80, s22, s19, $0xb8;
	[tilespmem:$0x1FA00] =	vst v63  }
0x4f: {  	s8 =	sor.u32 $0x5100, s2  }
0x50: {  	[tilespmem:s8], [sflag:$0x1] =	stream.indirect.gather [hbm4b:s4+s19], $0x1, s22, s19, $0xb8;
	[tilespmem:$0x1FA00] =	vst v63  }
0x51: {  	s2 =	sor.u32 $0x5180, s2;
	s28 =	sadd.s32 $0x2880, s21  }
0x52: {  	[tilespmem:s2], [sflag:$0x1] =	stream.indirect.gather [hbm4b:s5+s19], $0x1, s28, s19, $0xb8;
	[tilespmem:$0x1FA00] =	vst v63  }
.LBB2_6:
0x53: {  	v2 =	vld [tilespmem:s31+$0x5100]  }
0x54: {  	v3 =	vld [tilespmem:s31+$0x5180];
	_ =	sdelay $0x4  }
0x55: {  	v2 =	vadd.f32 v3, v2;
	v3 =	vadd.f32 v3, v1;
	_ =	sdelay $0x1  }
0x56: {  	v4 =	vmul.f32 $2.000000030e-01, v2;
	v5 =	vmul.f32 $2.000000030e-01, v3  }
0x57: {  	vm0 =	vge.f32 v2, $0.0e+00;
	vm1 =	vge.f32 v3, $0.0e+00  }
0x58: {  	v2 =	vsel vm0, v2, v4;
	v3 =	vsel vm1, v3, v5  }
0x59: {  	v2 =	vsub.f32 v2, v3;
	_ =	sdelay $0x1  }
0x5a: {  	v2 =	vmul.f32 $1.442695020e+00, v2;
	_ =	sdelay $0x1  }
0x5b: {  	(erf) = vpow2.f32 v2  }
0x5c: {  	s2 =	sshll.u32 s0, $0x7  }
0x5d: {  	s2 =	sand.u32 $0x3FFFFF80, s2  }
0x5e: {  	v2 =	vld [tilespmem:s2+$0x2880];
	_ =	sdelay $0x5  }
0x5f: {  	v3 =	vpop (erf)  }
0x60: {  	[tilespmem:s31+$0x5080] =	vst v3  }
0x61: {  	s20 =	sor.u32 $0x5110, s31;
	[tilespmem:v2+s24+$0x0] =	vst.idx.add.f32.msk $0xffff, v3  }
0x62: {  	s21 =	sor.u32 $0x5190, s31;
	v2 =	vld [tilespmem:s20+$0x0]  }
0x63: {  	v3 =	vld [tilespmem:s21+$0x0];
	_ =	sdelay $0x4  }
0x64: {  	v2 =	vadd.f32 v3, v2;
	v3 =	vadd.f32 v3, v1;
	_ =	sdelay $0x1  }
0x65: {  	v4 =	vmul.f32 $2.000000030e-01, v2;
	v5 =	vmul.f32 $2.000000030e-01, v3  }
0x66: {  	vm10 =	vge.f32 v2, $0.0e+00;
	vm11 =	vge.f32 v3, $0.0e+00  }
0x67: {  	v2 =	vsel vm10, v2, v4;
	v3 =	vsel vm11, v3, v5  }
0x68: {  	v2 =	vsub.f32 v2, v3;
	_ =	sdelay $0x1  }
0x69: {  	v2 =	vmul.f32 $1.442695020e+00, v2;
	_ =	sdelay $0x1  }
0x6a: {  	(erf) = vpow2.f32 v2;
	_ =	sdelay $0x2  }
0x6b: {  	v2 =	vld [tilespmem:s2+$0x2890];
	_ =	sdelay $0x5  }
0x6c: {  	s22 =	sor.u32 $0x5090, s31;
	v3 =	vpop (erf)  }
0x6d: {  	[tilespmem:s22+$0x0] =	vst v3  }
0x6e: {  	s28 =	sor.u32 $0x5120, s31;
	[tilespmem:v2+s24+$0x0] =	vst.idx.add.f32.msk $0xffff, v3  }
0x6f: {  	s6 =	sor.u32 $0x51A0, s31;
	v2 =	vld [tilespmem:s28+$0x0]  }
0x70: {  	v3 =	vld [tilespmem:s6+$0x0];
	_ =	sdelay $0x4  }
0x71: {  	v2 =	vadd.f32 v3, v2;
	v3 =	vadd.f32 v3, v1;
	_ =	sdelay $0x1  }
0x72: {  	v4 =	vmul.f32 $2.000000030e-01, v2;
	v5 =	vmul.f32 $2.000000030e-01, v3  }
0x73: {  	vm12 =	vge.f32 v2, $0.0e+00;
	vm13 =	vge.f32 v3, $0.0e+00  }
0x74: {  	v2 =	vsel vm12, v2, v4;
	v3 =	vsel vm13, v3, v5  }
0x75: {  	v2 =	vsub.f32 v2, v3;
	_ =	sdelay $0x1  }
0x76: {  	v2 =	vmul.f32 $1.442695020e+00, v2;
	_ =	sdelay $0x1  }
0x77: {  	(erf) = vpow2.f32 v2;
	_ =	sdelay $0x2  }
0x78: {  	v2 =	vld [tilespmem:s2+$0x28A0];
	_ =	sdelay $0x5  }
0x79: {  	s8 =	sor.u32 $0x50A0, s31;
	v3 =	vpop (erf)  }
0x7a: {  	[tilespmem:s8+$0x0] =	vst v3  }
0x7b: {  	s21 =	sor.u32 $0x5130, s31;
	[tilespmem:v2+s24+$0x0] =	vst.idx.add.f32.msk $0xffff, v3  }
0x7c: {  	s22 =	sor.u32 $0x51B0, s31;
	v2 =	vld [tilespmem:s21+$0x0]  }
0x7d: {  	v3 =	vld [tilespmem:s22+$0x0];
	_ =	sdelay $0x4  }
0x7e: {  	v2 =	vadd.f32 v3, v2;
	v3 =	vadd.f32 v3, v1;
	_ =	sdelay $0x1  }
0x7f: {  	v4 =	vmul.f32 $2.000000030e-01, v2;
	v5 =	vmul.f32 $2.000000030e-01, v3  }
0x80: {  	vm14 =	vge.f32 v2, $0.0e+00;
	vm15 =	vge.f32 v3, $0.0e+00  }
0x81: {  	v2 =	vsel vm14, v2, v4;
	v3 =	vsel vm15, v3, v5  }
0x82: {  	v2 =	vsub.f32 v2, v3;
	_ =	sdelay $0x1  }
0x83: {  	v2 =	vmul.f32 $1.442695020e+00, v2;
	_ =	sdelay $0x1  }
0x84: {  	(erf) = vpow2.f32 v2;
	_ =	sdelay $0x2  }
0x85: {  	s20 =	sadd.s32 $0xFFFFFFFC, s31;
	v2 =	vld [tilespmem:s2+$0x28B0]  }
0x86: {  	s21 =	sadd.s32 $0x4, s20  }
0x87: {  	v3 =	vmov s21  }
0x88: {  	v3 =	vand.u32 $0xFFFFFFFC, v3  }
0x89: {  	v3 =	vbroadcast v3, $0x0;
	_ =	sdelay $0x1  }
0x8a: {  	s28 =	sor.u32 $0x50B0, s31;
	s6 =	sand.u32 $0x1, s0;
	v4 =	vpop (erf)  }
0x8b: {  	s0 =	sshll.u32 s6, $0xD;
	[tilespmem:s28+$0x0] =	vst v4  }
0x8c: {  	s21 =	sor.u32 $0x5300, s0;
	[tilespmem:v2+s24+$0x0] =	vst.idx.add.f32.msk $0xffff, v4  }
0x8d: {  	v2 =	vld [tilespmem:s21+$0xFFFFFF30]  }
0x8e: {  	v3 =	vld.idx.msk [tilespmem:v3+s25+$0x0], $0xffff  }
0x8f: {  	v4 =	vld [tilespmem:s21+$0xFFFFFF00]  }
0x90: {  	s8 =	sadd.s32 $0x5, s20;
	v5 =	vld [tilespmem:s21+$0xFFFFFF10]  }
0x91: {  	v6 =	vmov s8;
	v7 =	vld [tilespmem:s21+$0xFFFFFF20]  }
0x92: {  	v6 =	vand.u32 $0xFFFFFFFD, v6  }
0x93: {  	v6 =	vbroadcast v6, $0x0;
	v2 =	vmul.f32 v2, v3  }
0x94: {  	v4 =	vmul.f32 v4, v3  }
0x95: {  	v5 =	vmul.f32 v5, v3;
	[tilespmem:s21+$0xFFFFFF30] =	vst v2  }
0x96: {  	v2 =	vmul.f32 v7, v3;
	[tilespmem:s21+$0xFFFFFF00] =	vst v4  }
0x97: {  	[tilespmem:s21+$0xFFFFFF10] =	vst v5  }
0x98: {  	v3 =	vld [tilespmem:s21+$0xFFFFFF80];
	[tilespmem:s21+$0xFFFFFF20] =	vst v2  }
0x99: {  	v2 =	vld.idx.msk [tilespmem:v6+s25+$0x0], $0xffff  }
0x9a: {  	v4 =	vld [tilespmem:s21+$0xFFFFFFB0]  }
0x9b: {  	s22 =	sadd.s32 $0x6, s20;
	v5 =	vld [tilespmem:s21+$0xFFFFFF90]  }
0x9c: {  	v61 =	vmov s22;
	v62 =	vld [tilespmem:s21+$0xFFFFFFA0]  }
0x9d: {  	v6 =	vand.u32 $0xFFFFFFFE, v61  }
0x9e: {  	v6 =	vbroadcast v6, $0x0;
	v3 =	vmul.f32 v3, v2  }
0x9f: {  	v4 =	vmul.f32 v4, v2  }
0xa0: {  	v5 =	vmul.f32 v5, v2;
	[tilespmem:s21+$0xFFFFFF80] =	vst v3  }
0xa1: {  	v2 =	vmul.f32 v62, v2;
	[tilespmem:s21+$0xFFFFFFB0] =	vst v4  }
0xa2: {  	[tilespmem:s21+$0xFFFFFF90] =	vst v5  }
0xa3: {  	[tilespmem:s21+$0xFFFFFFA0] =	vst v2;
	v2 =	vld [tilespmem:s21+$0x0]  }
0xa4: {  	v3 =	vld.idx.msk [tilespmem:v6+s25+$0x0], $0xffff;
	_ =	sdelay $0x1  }
0xa5: {  	v4 =	vld [tilespmem:s21+$0x30]  }
0xa6: {  	v5 =	vld [tilespmem:s21+$0x20]  }
0xa7: {  	v63 =	vld [tilespmem:s21+$0x10]  }
0xa8: {  	v2 =	vmul.f32 v2, v3  }
0xa9: {  	s28 =	sadd.s32 $0x7, s20  }
0xaa: {  	v4 =	vmul.f32 v4, v3;
	[tilespmem:s21+$0x0] =	vst v2;
	v2 =	vmov s28  }
0xab: {  	v5 =	vmul.f32 v5, v3  }
0xac: {  	v3 =	vmul.f32 v63, v3;
	[tilespmem:s21+$0x30] =	vst v4  }
0xad: {  	s0 =	smov.u32 s21;
	s2 =	sadd.s32 $0x2880, s2;
	s20 =	simm.s32 $0x0;
	[tilespmem:s21+$0x20] =	vst v5  }
.LBB2_7:
0xae: {  	[tilespmem:s21+$0x10] =	vst v3;
	v3 =	vld [tilespmem:s21+$0xB0];
	s0 =	sadd.s32 $0x200, s0;
	s22 =	smov.u32 s20;
	s20 =	sadd.s32 $0x4, s20  }
0xaf: {  	p0 =	slt.u32 s20, $0x3C;
	v2 =	vld.idx.msk [tilespmem:v2+s25+$0x0], $0xffff  }
0xb0: {  	v4 =	vld [tilespmem:s21+$0x80]  }
0xb1: {  	s22 =	sadd.s32 s22, s31;
	v5 =	vld [tilespmem:s21+$0x90]  }
0xb2: {  	s28 =	sadd.s32 $0x4, s22;
	s6 =	sadd.s32 $0x5, s22;
	s8 =	sadd.s32 $0x6, s22;
	v6 =	vld [tilespmem:s21+$0xA0]  }
0xb3: {  	s22 =	sadd.s32 $0x7, s22;
	v7 =	vmov s28;
	v8 =	vmov s6;
	v9 =	vmov s8  }
0xb4: {  	v7 =	vand.u32 $0xFFFFFFFC, v7;
	v8 =	vand.u32 $0xFFFFFFFD, v8;
	v9 =	vand.u32 $0xFFFFFFFE, v9  }
0xb5: {  	v7 =	vbroadcast v7, $0x0;
	v4 =	vmul.f32 v4, v2  }
0xb6: {  	v3 =	vmul.f32 v3, v2;
	v5 =	vmul.f32 v5, v2  }
0xb7: {  	[tilespmem:s21+$0x80] =	vst v4;
	v2 =	vmul.f32 v6, v2  }
0xb8: {  	[tilespmem:s21+$0xB0] =	vst v3  }
0xb9: {  	v3 =	vld [tilespmem:s0+$0xFFFFFF20];
	[tilespmem:s21+$0x90] =	vst v5  }
0xba: {  	v4 =	vld [tilespmem:s0+$0xFFFFFF30];
	[tilespmem:s21+$0xA0] =	vst v2;
	s21 =	smov.u32 s0  }
0xbb: {  	v2 =	vld.idx.msk [tilespmem:v7+s25+$0x0], $0xffff  }
0xbc: {  	v5 =	vld [tilespmem:s0+$0xFFFFFF00]  }
0xbd: {  	v6 =	vld [tilespmem:s0+$0xFFFFFF10];
	_ =	sdelay $0x2  }
0xbe: {  	v7 =	vbroadcast v8, $0x0  }
0xbf: {  	v4 =	vmul.f32 v4, v2;
	v5 =	vmul.f32 v5, v2  }
0xc0: {  	v6 =	vmul.f32 v6, v2;
	v2 =	vmul.f32 v3, v2  }
0xc1: {  	[tilespmem:s0+$0xFFFFFF30] =	vst v4  }
0xc2: {  	[tilespmem:s0+$0xFFFFFF00] =	vst v5  }
0xc3: {  	[tilespmem:s0+$0xFFFFFF10] =	vst v6;
	v3 =	vld [tilespmem:s0+$0xFFFFFFB0]  }
0xc4: {  	[tilespmem:s0+$0xFFFFFF20] =	vst v2;
	v2 =	vld [tilespmem:s0+$0xFFFFFF90]  }
0xc5: {  	v4 =	vld.idx.msk [tilespmem:v7+s25+$0x0], $0xffff  }
0xc6: {  	v5 =	vld [tilespmem:s0+$0xFFFFFF80]  }
0xc7: {  	v6 =	vld [tilespmem:s0+$0xFFFFFFA0];
	_ =	sdelay $0x2  }
0xc8: {  	v7 =	vbroadcast v9, $0x0  }
0xc9: {  	v2 =	vmul.f32 v2, v4;
	v5 =	vmul.f32 v5, v4  }
0xca: {  	v3 =	vmul.f32 v3, v4;
	v6 =	vmul.f32 v6, v4  }
0xcb: {  	[tilespmem:s0+$0xFFFFFF80] =	vst v5  }
0xcc: {  	[tilespmem:s0+$0xFFFFFFB0] =	vst v3  }
0xcd: {  	[tilespmem:s0+$0xFFFFFF90] =	vst v2;
	v2 =	vld [tilespmem:s0+$0x30]  }
0xce: {  	[tilespmem:s0+$0xFFFFFFA0] =	vst v6;
	v3 =	vld [tilespmem:s0+$0x0]  }
0xcf: {  	v4 =	vld.idx.msk [tilespmem:v7+s25+$0x0], $0xffff  }
0xd0: {  	v5 =	vld [tilespmem:s0+$0x10]  }
0xd1: {  	v6 =	vld [tilespmem:s0+$0x20];
	_ =	sdelay $0x3  }
.Ltmp2:
0xd2: {  	v7 =	vmul.f32 v3, v4;
	v3 =	vmul.f32 v5, v4;
	(pc) =	sbr.rel @p0 .LBB2_7-.Ltmp2, $4  }
0xd3: {  	v5 =	vmul.f32 v6, v4;
	v4 =	vmul.f32 v2, v4;
	v2 =	vmov s22  }
0xd4: {  	[tilespmem:s0+$0x0] =	vst v7  }
0xd5: {  	[tilespmem:s0+$0x30] =	vst v4  }
0xd6: {  	[tilespmem:s0+$0x20] =	vst v5  }
0xd7: {  	_ =	sdelay $0x2  }
0xd8: {  	[tilespmem:s21+$0x10] =	vst v3;
	v3 =	vld [tilespmem:s21+$0x80]  }
0xd9: {  	v2 =	vld.idx.msk [tilespmem:v2+s25+$0x0], $0xffff  }
0xda: {  	v4 =	vld [tilespmem:s21+$0xB0]  }
0xdb: {  	v5 =	vld [tilespmem:s21+$0x90]  }
0xdc: {  	v6 =	vld [tilespmem:s21+$0xA0];
	_ =	sdelay $0x1  }
0xdd: {  	v3 =	vmul.f32 v3, v2  }
0xde: {  	v4 =	vmul.f32 v4, v2  }
0xdf: {  	p0 =	slt.u32 s30, $0x50;
	v5 =	vmul.f32 v5, v2;
	[tilespmem:s21+$0x80] =	vst v3  }
.Ltmp3:
0xe0: {  	v2 =	vmul.f32 v6, v2;
	[tilespmem:s21+$0xB0] =	vst v4;
	(pc) =	sbr.rel @p0 .LBB2_4-.Ltmp3, $4  }
0xe1: {  	s0 =	sshll.u32 s31, $0x7;
	[tilespmem:s21+$0x90] =	vst v5  }
0xe2: {  	s0 =	sadd.s32 $0x5200, s0;
	[tilespmem:s21+$0xA0] =	vst v2  }
0xe3: {  	[spmem:s1] =	stream.indirect.scatter.add.f32 [tilespmem:s0], [sflag:$0x2], $0x80, s2, s19, $0xb8;
	[tilespmem:$0x1FA00] =	vst v63  }
0xe4: {  	s0 =	smov.u32 s30  }
0xe5: {  	_ =	swait.ge [sflag:s26], $0x2000  }
0xe6: {  	[sflag:s26] =	ssyncset.done $0x0  }
0xe7: {  	s0 =	simm.s32 $0x400;
	[sflag:s26] =	ssyncadd.s32 $0xFFFFE000  }
0xe8: {  	[hbm4b:s11+s15] =	stream.strided.scatter [tilespmem:s24], [sflag:$0x3], $0x2800, s0, s15, $0x38;
	[tilespmem:$0x1FA00] =	vst v63  }
0xe9: {  	_ =	swait.ge [sflag:s14], $0x2800  }
0xea: {  	s29 =	sadd.s32 $0x1, s29;
	[sflag:s14] =	ssyncset.done $0x0  }
0xeb: {  	p0 =	sne.s32 s29, s13;
	[sflag:s14] =	ssyncadd.s32 $0xFFFFD800  }
.Ltmp4:
0xec: {  	[bflag:$0x0] =	sbarrier.arrive $0xFFFF;
	(pc) =	sbr.rel @p0 .LBB2_1-.Ltmp4, $4  }
0xed: {  	[hbm:s12], [sflag:s17] =	dma.local [spmem:s18], $0x2800  }
0xee: {  	_ =	swait.ge [sflag:s14], $0x2800  }
0xef: {  	[sflag:s14] =	ssyncset.done $0x0  }
0xf0: {  	[sflag:s14] =	ssyncadd.s32 $0xFFFFD800  }
0xf1: {  	_ =	sfence.sel $0x180000  }
0xf2: {  	[bflag:$0x0] =	sbarrier.arrive $0xFFFF  }
0xf3: {  	_ =	strace $0x9000004A  }
0xf4: {  	s0 =	stileid.u32;
	[bflag:$0x2] =	sbarrier.arrive $0xFFFF  }
0xf5: {  	p0 =	sne.s32 s0, $0x0;
	s0 =	rddreg [dreg:$0x4]  }
0xf6: {  	s0 =	sadd.s32 @!p0 $0x100000, s0  }
0xf7: {  	[sflag:s0] =	ssyncadd.tile.s32 @!p0 $0x1;
	_ =	shalt  }
.Lfunc_end2:
_tile_overlayer_lowered:
.L_overlay_start_2:
0xf8: {  	(tag) =	ssettag $0x2  }
0xf9: {  	s0 =	rddreg [dreg:$0x0];
	s2 =	stileid.u32  }
0xfa: {  	s1 =	rddreg [dreg:$0x1];
	p0 =	sne.s32 s2, $0x0  }
0xfb: {  	s3 =	rddreg [dreg:$0x2];
	[bflag:$0x3] =	sbarrier.arrive $0xFFFF;
	s2 =	simm.s32 @!p0 $0x1C03  }
0xfc: {  	[timem:s3], [sflag:s2] =	dma.local @!p0 [hbm:s0], s1  }
0xfd: {  	s0 =	simm.s32 @!p0 $0x3  }
0xfe: {  	_ =	swait.ge @!p0 [sflag:s0], s1  }
0xff: {  	s1 =	ssub.s32 @!p0 $0x0, s1;
	[sflag:s0] =	ssyncset.done @!p0 $0x0  }
0x100: {  	[sflag:s0] =	ssyncadd.s32 @!p0 s1  }
0x101: {  	[bflag:$0x3] =	sbarrier.arrive $0xFFFF  }
0x102: {  	_ =	shalt  }

// kernel: kernel.8.cloned.1.call-start
scs
__scs_entry_jumppad:
0x0: {  	(pc) =	sbr.rel $0x88, $3  }
0x1: {  	(tag) =	ssettag $0x0;
	lr =	simm.s32 $0x1  }
0x2: {  	[smem:$0x3F97] =	sst lr;
	_ =	strace $0xD0000000  }
0x3: {  	_ = 	snop  }
0x4: {  	_ = 	snop  }
0x5: {  	_ = 	snop  }
0x6: {  	_ = 	snop  }
0x7: {  	_ = 	snop  }
__scs_overlays_trampoline_lowered:
0x8: {  	[smem:$0x3FA6] =	sst s0  }
0x9: {  	[smem:$0x3FA7] =	sst s1  }
0xa: {  	[smem:$0x3FA8] =	sst s2  }
0xb: {  	[smem:$0x3FA9] =	sst s3  }
0xc: {  	[smem:$0x3FAA] =	sst s4  }
0xd: {  	[smem:$0x3FAB] =	sst s5  }
0xe: {  	[smem:$0x3FAC] =	sst s6  }
0xf: {  	[smem:$0x3FAD] =	sst s7  }
0x10: {  	[smem:$0x3FAE] =	sst s8  }
0x11: {  	[smem:$0x3FAF] =	sst s9;
	s0 =	simm.s32 @!p0 $0x0  }
0x12: {  	s1 =	sld [smem:$0x3F95];
	s0 =	simm.s32 @p0 $0x1  }
0x13: {  	[smem:$0x3FB0] =	sst s0;
	s0 =	simm.s32 @!p1 $0x0  }
0x14: {  	s2 =	sld [smem:$0x3F94];
	s0 =	simm.s32 @p1 $0x1  }
0x15: {  	[smem:$0x3FB1] =	sst s0;
	s0 =	simm.s32 @!p2 $0x0  }
0x16: {  	s3 =	sld [smem:$0x3FDB];
	s0 =	simm.s32 @p2 $0x1  }
0x17: {  	s4 =	simm.s32 $0x1BF5;
	[smem:$0x3FB3] =	sst s0  }
0x18: {  	s0 =	sld [smem:$0x3F96];
	_ =	swait.ge [sflag:s4], $0x0  }
0x19: {  	s7 =	sld [smem:$0x3F97]  }
0x1a: {  	s8 =	sadd.s32 $0xFFFFE003, lr  }
0x1b: {  	s9 =	sadd.s32 $0xFFFFFEF7, lr;
	s5 =	simm.s32 $0xFFFFFFFF;
	p2 =	slt.u32 s8, $0xFFFFF086  }
0x1c: {  	p1 =	slt.u32 s9, $0xF7A;
	s5 =	simm.s32 @!p2 $0x0  }
0x1d: {  	s5 =	simm.s32 @p1 $0x1;
	p0 =	seq.s32 s7, s2  }
0x1e: {  	s7 =	smul.u32 @!p0 $0xF7A, s2;
	p2 =	seq.s32 @!p0 s5, $0x0  }
0x1f: {  	s9 =	smul.u32 $0xF7A, s1;
	s8 =	simm.s32 @!p0 $0x1BF5;
	p2 =	por !p2, p0  }
0x20: {  	[sflag:s8] =	ssyncset.s32 @!p0 $0xFFFFF086;
	s6 =	sadd.s32 @!p0 s3, s7;
	s7 =	simm.s32 @!p0 $0x108  }
0x21: {  	s3 =	sadd.s32 s3, s9;
	s6 =	sadd.s32 @!p0 $0x88, s6;
	s7 =	simm.s32 @p2 $0x1082  }
0x22: {  	[simem:s7], [sflag:s8] =	dma.local @!p0 [hbm:s6], $0xF7A  }
0x23: {  	s9 =	sor.u32 $0xD0000000, s2;
	s6 =	simm.s32 $0x108;
	_ =	swait.ge @!p0 [sflag:s8], $0x0  }
0x24: {  	s3 =	sadd.s32 $0x88, s3;
	s6 =	simm.s32 @!p1 $0x1082;
	[sflag:s4] =	ssyncset.s32 $0xFFFFF086  }
0x25: {  	[simem:s6], [sflag:s4] =	dma.local [hbm:s3], $0xF7A  }
0x26: {  	[smem:$0x3F97] =	sst s1;
	(tag) =	ssettag s2;
	_ =	strace s9  }
0x27: {  	s1 =	sld [smem:$0x3FA7]  }
0x28: {  	s2 =	sld [smem:$0x3FA8]  }
0x29: {  	s4 =	sld [smem:$0x3FAA]  }
0x2a: {  	p0 =	seq.s32 s5, $0x0;
	s5 =	sld [smem:$0x3FAB]  }
0x2b: {  	s6 =	sld [smem:$0x3FAC]  }
0x2c: {  	s7 =	sld [smem:$0x3FAD]  }
0x2d: {  	s3 =	simm.s32 $0x108;
	s8 =	sld [smem:$0x3FAE]  }
0x2e: {  	s3 =	simm.s32 @!p0 $0x1082;
	s9 =	sld [smem:$0x3FAF]  }
0x2f: {  	lr =	sadd.s32 s0, s3;
	s0 =	sld [smem:$0x3FA6]  }
0x30: {  	s3 =	sld [smem:$0x3FA9]  }
0x31: {  	[smem:$0x3FB2] =	sst s10  }
0x32: {  	s10 =	sld [smem:$0x3FB0];
	_ =	sdelay $0x3  }
0x33: {  	p0 =	seq.s32 s10, $0x1;
	s10 =	sld [smem:$0x3FB2];
	_ =	sdelay $0x3  }
0x34: {  	[smem:$0x3FB2] =	sst s10  }
0x35: {  	s10 =	sld [smem:$0x3FB1];
	_ =	sdelay $0x3  }
0x36: {  	p1 =	seq.s32 s10, $0x1;
	s10 =	sld [smem:$0x3FB2];
	_ =	sdelay $0x3  }
0x37: {  	[smem:$0x3FB2] =	sst s10  }
0x38: {  	s10 =	sld [smem:$0x3FB3]  }
0x39: {  	_ = 	snop;
	(pc) =	sbr.ind lr, $3  }
0x3a: {  	_ = 	snop  }
0x3b: {  	_ = 	snop  }
0x3c: {  	p2 =	seq.s32 s10, $0x1;
	s10 =	sld [smem:$0x3FB2]  }
0x3d: {  	_ =	shalt  }
0x3e: {  	_ =	shalt  }
0x3f: {  	_ =	shalt  }
0x40: {  	_ =	shalt  }
0x41: {  	_ =	shalt  }
0x42: {  	_ =	shalt  }
0x43: {  	_ =	shalt  }
0x44: {  	_ =	shalt  }
0x45: {  	_ =	shalt  }
0x46: {  	_ =	shalt  }
0x47: {  	_ =	shalt  }
0x48: {  	_ =	shalt  }
0x49: {  	_ =	shalt  }
0x4a: {  	_ =	shalt  }
0x4b: {  	_ =	shalt  }
0x4c: {  	_ =	shalt  }
0x4d: {  	_ =	shalt  }
0x4e: {  	_ =	shalt  }
0x4f: {  	_ =	shalt  }
0x50: {  	_ =	shalt  }
0x51: {  	_ =	shalt  }
0x52: {  	_ =	shalt  }
0x53: {  	_ =	shalt  }
0x54: {  	_ =	shalt  }
0x55: {  	_ =	shalt  }
0x56: {  	_ =	shalt  }
0x57: {  	_ =	shalt  }
0x58: {  	_ =	shalt  }
0x59: {  	_ =	shalt  }
0x5a: {  	_ =	shalt  }
0x5b: {  	_ =	shalt  }
0x5c: {  	_ =	shalt  }
0x5d: {  	_ =	shalt  }
0x5e: {  	_ =	shalt  }
0x5f: {  	_ =	shalt  }
0x60: {  	_ =	shalt  }
0x61: {  	_ =	shalt  }
0x62: {  	_ =	shalt  }
0x63: {  	_ =	shalt  }
0x64: {  	_ =	shalt  }
0x65: {  	_ =	shalt  }
0x66: {  	_ =	shalt  }
0x67: {  	_ =	shalt  }
0x68: {  	_ =	shalt  }
0x69: {  	_ =	shalt  }
0x6a: {  	_ =	shalt  }
0x6b: {  	_ =	shalt  }
0x6c: {  	_ =	shalt  }
0x6d: {  	_ =	shalt  }
0x6e: {  	_ =	shalt  }
0x6f: {  	_ =	shalt  }
0x70: {  	_ =	shalt  }
0x71: {  	_ =	shalt  }
0x72: {  	_ =	shalt  }
0x73: {  	_ =	shalt  }
0x74: {  	_ =	shalt  }
0x75: {  	_ =	shalt  }
0x76: {  	_ =	shalt  }
0x77: {  	_ =	shalt  }
0x78: {  	_ =	shalt  }
0x79: {  	_ =	shalt  }
0x7a: {  	_ =	shalt  }
0x7b: {  	_ =	shalt  }
0x7c: {  	_ =	shalt  }
0x7d: {  	_ =	shalt  }
0x7e: {  	_ =	shalt  }
0x7f: {  	_ =	shalt  }
0x80: {  	_ =	shalt  }
0x81: {  	_ =	shalt  }
0x82: {  	_ =	shalt  }
0x83: {  	_ =	shalt  }
0x84: {  	_ =	shalt  }
0x85: {  	_ =	shalt  }
0x86: {  	_ =	shalt  }
0x87: {  	_ =	shalt  }
.Lfunc_end0:
.L_simem_size_0:
called_computation_lowered:
.L_overlay_start_0:
0x88: {  	s2 =	sld [smem:$0x3FD9]  }
0x89: {  	s3 =	sld [smem:$0x3FFE];
	_ =	sdelay $0x1  }
0x8a: {  	s1 =	srdreg.scid  }
0x8b: {  	s0 =	sand.u32 $0x1, s1  }
0x8c: {  	s14 =	sshll.u32 s0, $0xA;
	s2 =	sadd.s32 s3, s2  }
0x8d: {  	s2 =	sadd.s32 s2, s14  }
0x8e: {  	[smem:$0x3FBE] =	sst s2  }
0x8f: {  	_ = 	snop  }
0x90: {  	s2 =	sld [smem:$0x3FD0];
	_ =	sdelay $0x2  }
0x91: {  	s15 =	simm.s32 $0xA;
	s4 =	simm.s32 $0x10  }
0x92: {  	[smem:s4], [sflag:s15] =	dma.local [hbm:s2], $0x1  }
0x93: {  	_ =	swait.eq [sflag:s15], $0x1  }
0x94: {  	[sflag:s15] =	ssyncset.done $0x0  }
0x95: {  	s16 =	sld [smem:$0x10];
	[sflag:s15] =	ssyncadd.s32 $0xFFFFFFFF  }
0x96: {  	s17 =	sld [smem:$0x11];
	(tm) =	ssettm $0x1  }
0x97: {  	s18 =	sld [smem:$0x3FFB];
	_ =	sdelay $0x3  }
0x98: {  	_ =	strace s18  }
0x99: {  	s4 =	sld [smem:$0x3FFC];
	_ =	sdelay $0x3  }
0x9a: {  	_ =	strace s4  }
0x9b: {  	s4 =	sld [smem:$0x3FFD];
	_ =	sdelay $0x3  }
0x9c: {  	_ =	strace s4  }
0x9d: {  	_ =	strace $0x8FFFFFFF  }
0x9e: {  	s19 =	sld [smem:$0x3FDB];
	_ =	sdelay $0x1  }
0x9f: {  	s5 =	simm.s32 $_scs_section_size  }
0xa0: {  	s6 =	simm.s32 $_size__tile_overlayer_lowered;
	s7 =	simm.s32 $_tile_overlayer_lowered  }
0xa1: {  	s22 =	simm.s32 $0x1BFF;
	s21 =	sshll.u32 s7, $0x1;
	s4 =	sadd.s32 s5, s19  }
0xa2: {  	s8 =	simm.s32 $0x0;
	s20 =	sshll.u32 s6, $0x1;
	s6 =	sadd.s32 s21, s4  }
0xa3: {  	[timem:s8], [sflag:s22] =	dma.local [hbm:s6], s20  }
0xa4: {  	_ =	swait.ge [sflag:s22], s20  }
0xa5: {  	s5 =	ssub.s32 $0x0, s20;
	[sflag:s22] =	ssyncset.done $0x0  }
0xa6: {  	[sflag:s22] =	ssyncadd.s32 s5;
	_ =	sdelay $0x1  }
0xa7: {  	s23 =	simm.s32 $0x1B8B  }
0xa8: {  	_ =	swait.ge [sflag:s23], $0x1  }
0xa9: {  	[sflag:s23] =	ssyncset.done $0x0  }
0xaa: {  	s25 =	simm.s32 $0x1B8E;
	s24 =	sld [smem:$0x3FFE];
	[sflag:s23] =	ssyncadd.s32 $0xFFFFFFFF  }
0xab: {  	s26 =	simm.s32 $execute0_lowered;
	[smem:$0x3FD2] =	sst s25  }
0xac: {  	s6 =	sshll.u32 s26, $0x1;
	_ =	strace $0x80000046;
	[dreg:$0x1] =	wrdreg $0xFFFFFFFF  }
0xad: {  	s28 =	simm.s32 $_size_execute0_lowered;
	s4 =	sadd.s32 s4, s6;
	[dreg:$0x0] =	wrdreg $0x0  }
0xae: {  	s6 =	sshll.u32 s28, $0x1;
	[dreg:$0x2] =	wrdreg s4  }
0xaf: {  	[dreg:$0x3] =	wrdreg s6  }
0xb0: {  	[dreg:$0x4] =	wrdreg $0xC0  }
0xb1: {  	_ =	task [dreg:s8], $0x5FFFF  }
0xb2: {  	[dreg:$0x1] =	wrdreg $0xFFFFFFFF  }
0xb3: {  	[dreg:$0x0] =	wrdreg $0x60  }
0xb4: {  	[dreg:$0x2] =	wrdreg s24  }
0xb5: {  	[dreg:$0x3] =	wrdreg s17  }
0xb6: {  	[dreg:$0x4] =	wrdreg s16  }
0xb7: {  	[dreg:$0x5] =	wrdreg $0xBA000  }
0xb8: {  	[dreg:$0x6] =	wrdreg $0x9  }
0xb9: {  	_ =	task.clear_ibuf [dreg:s8], $0x7FFFF;
	_ =	strace $0x90000046  }
0xba: {  	s29 =	simm.s32 $0x9;
	_ =	strace $0x80000048  }
0xbb: {  	_ =	swait.ge [sflag:s29], $0x1  }
0xbc: {  	[sflag:s29] =	ssyncadd.s32 $0xFFFFFFFF  }
0xbd: {  	_ =	strace $0x90000048  }
0xbe: {  	_ =	sfence  }
0xbf: {  	s30 =	sld [smem:$0x0];
	_ =	sdelay $0x2  }
0xc0: {  	s31 =	sshll.u32 s1, $0xD;
	s1 =	sshrl.u32 s1, $0x2  }
0xc1: {  	s3 =	sand.u32 $0x4000, s31;
	s1 =	sadd.s32 s1, s30  }
0xc2: {  	s0 =	sor.u32 s3, s0;
	s1 =	sshll.u32 s1, $0x11  }
0xc3: {  	s0 =	sor.u32 s1, s0  }
0xc4: {  	s0 =	sadd.s32 $0x8F2B, s0  }
0xc5: {  	[sflag:s0] =	ssyncadd.remote.s32 $0x1  }
0xc6: {  	_ =	sfence.sel $0xFFFF  }
0xc7: {  	[dreg:$0x0] =	wrdreg $0xFFFFFFFF;
	(pc) =	sbr.abs _section_cstart, $3  }
0xc8: {  	[dreg:$0x1] =	wrdreg $0xFFFFFFFF  }
0xc9: {  	_ =	task.clear_ibuf [dreg:s8], $0x2FFFF;
	_ =	strace $0x9FFFFFFF  }
0xca: {  	(tm) =	ssettm $0x7FFFFFFF  }
0xcb: {  	_ =	shalt  }
tec
execute0_lowered:
.L_overlay_start_1:
0x0: {  	(tag) =	ssettag $0x1  }
0x1: {  	s0 =	rddreg [dreg:$0x0]  }
0x2: {  	s2 =	rddreg [dreg:$0x1]  }
0x3: {  	s12 =	rddreg [dreg:$0x2]  }
0x4: {  	s1 =	rddreg [dreg:$0x3]  }
0x5: {  	s3 =	srdreg.scid;
	s6 =	stileid.u32  }
0x6: {  	s19 =	simm.s32 $0x40;
	s29 =	simm.s32 $0x0;
	s9 =	sand.u32 $0x1, s3  }
0x7: {  	s3 =	simm.s32 $0x0;
	s7 =	sshrl.u32 s6, $0x3;
	s22 =	smul.u32 $0x50000, s6  }
0x8: {  	s8 =	sadd.s32 $0x36000, s0;
	s20 =	sadd.s32 $0x36200, s0;
	s17 =	smul.u32 $0x14000, s6  }
0x9: {  	s15 =	sshll.u32 s6, $0x7;
	s31 =	sshll.u32 s6, $0x6;
	s11 =	smul.u32 $0x28000, s9  }
0xa: {  	s4 =	sshll.u32 s9, $0x4;
	[smem:$0x7FF] =	sst s3;
	s14 =	smul.u32 $0x14000, s7  }
0xb: {  	s7 =	sadd.s32 $0xD400, s0;
	s21 =	sand.u32 $0x380, s15;
	s23 =	ssub.s32 $0x2, s9  }
0xc: {  	s16 =	smul.u32 $0x140000, s9;
	s15 =	simm.s32 $0x80;
	s5 =	sor.u32 s6, s4  }
0xd: {  	_ =	strace $0x80000047;
	s4 =	sadd.s32 $0x35400, s0;
	[dreg:$0x5] =	wrdreg s8  }
0xe: {  	[dreg:$0x6] =	wrdreg s20;
	s25 =	sshrl.u32 s23, $0x1;
	s26 =	sshrl.u32 s22, $0x2  }
0xf: {  	s10 =	smul.u32 $0x500, s5;
	s5 =	sadd.s32 $0x35A00, s0;
	s11 =	sadd.s32 s11, s14  }
0x10: {  	s14 =	ssub.s32 s23, s25;
	s28 =	sadd.s32 s17, s16;
	s16 =	simm.s32 $0x2880  }
0x11: {  	s17 =	sor.u32 $0x1C03, s31;
	s23 =	simm.s32 $0x1;
	s25 =	simm.s32 $0x5080  }
0x12: {  	s11 =	sor.u32 s21, s11;
	s30 =	sshrl.u32 s28, $0x3;
	s13 =	sadd.s32 s10, s0  }
0x13: {  	s24 =	sshrl.u32 s11, $0x3;
	s9 =	sadd.s32 s2, s10;
	s2 =	sadd.s32 s26, s1  }
0x14: {  	s12 =	sadd.s32 s12, s30;
	s26 =	simm.s32 $0x2;
	s0 =	sadd.s32 s24, s0  }
0x15: {  	s10 =	sadd.s32 $0x3400, s13;
	s13 =	smax.u32 s14, $0x1;
	s14 =	simm.s32 $0x3  }
0x16: {  	v0 =	vimm.f32 $0.0e+00;
	s18 =	sshrl.u32 s2, $0x3;
	s24 =	simm.s32 $0x9200;
	s11 =	sadd.s32 $0x38A00, s0  }
.LBB2_1:
0x17: {  	s0 =	rddreg [dreg:$0x5]  }
0x18: {  	[tilespmem:s3], [sflag:$0x3] =	stream.linear.gather [hbm4b:s0+s3], $0x80, $0x38;
	[tilespmem:$0x1FA00] =	vst v63  }
0x19: {  	_ =	swait.ge [sflag:s14], $0x80  }
0x1a: {  	[sflag:s14] =	ssyncset.done $0x0  }
0x1b: {  	[sflag:s14] =	ssyncadd.s32 $0xFFFFFF80  }
0x1c: {  	[tilespmem:s15], [sflag:$0x3] =	stream.linear.gather [hbm4b:s9+s3], $0x2800, $0x38;
	[tilespmem:$0x1FA00] =	vst v63  }
0x1d: {  	_ =	swait.ge [sflag:s14], $0x2800  }
0x1e: {  	[sflag:s14] =	ssyncset.done $0x0  }
0x1f: {  	[sflag:s14] =	ssyncadd.s32 $0xFFFFD800  }
0x20: {  	[tilespmem:s16], [sflag:$0x3] =	stream.linear.gather [hbm4b:s10+s3], $0x2800, $0x38;
	[tilespmem:$0x1FA00] =	vst v63  }
0x21: {  	_ =	swait.ge [sflag:s14], $0x2800  }
0x22: {  	[sflag:s14] =	ssyncset.done $0x0  }
0x23: {  	s31 =	rddreg [dreg:$0x6];
	[sflag:s14] =	ssyncadd.s32 $0xFFFFD800  }
0x24: {  	[spmem:s18], [sflag:s17] =	dma.local [hbm:s31], $0x2800  }
0x25: {  	_ =	swait.ge [sflag:s14], $0x2800  }
0x26: {  	[sflag:s14] =	ssyncset.done $0x0  }
0x27: {  	s0 =	simm.s32 $0x9240;
	[sflag:s14] =	ssyncadd.s32 $0xFFFFD800  }
0x28: {  	[tilespmem:s0+$0xFFFFFFC0] =	vst v0  }
0x29: {  	[tilespmem:s0+$0x30] =	vst v0  }
0x2a: {  	[tilespmem:s0+$0x20] =	vst v0  }
0x2b: {  	[tilespmem:s0+$0x10] =	vst v0  }
0x2c: {  	[tilespmem:s0+$0x0] =	vst v0  }
0x2d: {  	[tilespmem:s0+$0xFFFFFFF0] =	vst v0  }
0x2e: {  	s2 =	simm.s32 $0x0;
	[tilespmem:s0+$0xFFFFFFE0] =	vst v0  }
.LBB2_2:
0x2f: {  	s2 =	sadd.s32 $0x8, s2;
	[tilespmem:s0+$0xFFFFFFD0] =	vst v0;
	s0 =	sadd.s32 $0x80, s0  }
0x30: {  	[tilespmem:s0+$0xFFFFFFC0] =	vst v0;
	p0 =	slt.u32 s2, $0x278  }
0x31: {  	[tilespmem:s0+$0x30] =	vst v0  }
.Ltmp0:
0x32: {  	[tilespmem:s0+$0x20] =	vst v0;
	(pc) =	sbr.rel @p0 .LBB2_2-.Ltmp0, $4  }
0x33: {  	[tilespmem:s0+$0x10] =	vst v0  }
0x34: {  	[tilespmem:s0+$0x0] =	vst v0  }
0x35: {  	[tilespmem:s0+$0xFFFFFFF0] =	vst v0  }
0x36: {  	[tilespmem:s0+$0xFFFFFFE0] =	vst v0  }
0x37: {  	[tilespmem:s0+$0xFFFFFFD0] =	vst v0  }
0x38: {  	s28 =	simm.s32 $0x5200;
	[bflag:$0x0] =	sbarrier.arrive $0xFFFF  }
0x39: {  	v1 =	vld [tilespmem:$0x0];
	[tilespmem:s28], [sflag:$0x1] =	stream.indirect.gather [hbm4b:s7+s19], $0x80, s15, s19, $0xb8  }
0x3a: {  	s30 =	simm.s32 $0x5100  }
0x3b: {  	[tilespmem:s30], [sflag:$0x1] =	stream.indirect.gather [hbm4b:s4+s19], $0x1, s15, s19, $0xb8;
	[tilespmem:$0x1FA00] =	vst v63  }
0x3c: {  	s31 =	simm.s32 $0x5180;
	s2 =	simm.s32 $0x0  }
0x3d: {  	[tilespmem:s31], [sflag:$0x1] =	stream.indirect.gather [hbm4b:s5+s19], $0x1, s16, s19, $0xb8;
	[tilespmem:$0x1FA00] =	vst v63  }
.LBB2_4:
0x3e: {  	_ =	swait.ge [sflag:s23], $0x2000  }
0x3f: {  	[sflag:s23] =	ssyncset.done $0x0  }
0x40: {  	[sflag:s23] =	ssyncadd.s32 $0xFFFFE000  }
0x41: {  	_ =	swait.ge [sflag:s23], $0x40  }
0x42: {  	p0 =	seq.s32 s2, $0x0;
	[sflag:s23] =	ssyncset.done $0x0  }
0x43: {  	p1 =	seq.s32 @!p0 s2, $0x4F;
	[sflag:s23] =	ssyncadd.s32 $0xFFFFFFC0  }
0x44: {  	p1 =	por p0, !p1;
	_ =	swait.ge [sflag:s23], $0x40  }
.Ltmp1:
0x45: {  	[sflag:s23] =	ssyncset.done $0x0;
	(pc) =	sbr.rel @!p1 .LBB2_6-.Ltmp1, $4  }
0x46: {  	s0 =	simm.s32 @!p0 $0x2;
	[sflag:s23] =	ssyncadd.s32 $0xFFFFFFC0  }
0x47: {  	_ =	swait.ge @!p0 [sflag:s0], $0x2000  }
0x48: {  	s20 =	sshll.u32 s2, $0x6;
	[sflag:s0] =	ssyncset.done @!p0 $0x0  }
0x49: {  	s31 =	sand.u32 $0x40, s20;
	s30 =	simm.s32 @!p0 $0x50;
	[sflag:s0] =	ssyncadd.s32 @!p0 $0xFFFFE000  }
0x4a: {  	s30 =	sadd.s32 @!p0 $0x1, s2  }
0x4b: {  	s0 =	sxor.u32 $0x40, s31;
	s30 =	simm.s32 @p0 $0x1  }
0x4c: {  	s20 =	sshll.u32 s0, $0x7;
	s21 =	sshll.u32 s30, $0x7  }
0x4d: {  	s20 =	sadd.s32 $0x5200, s20;
	s22 =	sadd.s32 $0x80, s21  }
0x4e: {  	[tilespmem:s20], [sflag:$0x1] =	stream.indirect.gather [hbm4b:s7+s19], $0x80, s22, s19, $0xb8;
	[tilespmem:$0x1FA00] =	vst v63  }
0x4f: {  	s8 =	sor.u32 $0x5100, s0  }
0x50: {  	[tilespmem:s8], [sflag:$0x1] =	stream.indirect.gather [hbm4b:s4+s19], $0x1, s22, s19, $0xb8;
	[tilespmem:$0x1FA00] =	vst v63  }
0x51: {  	s0 =	sor.u32 $0x5180, s0;
	s28 =	sadd.s32 $0x2880, s21  }
0x52: {  	[tilespmem:s0], [sflag:$0x1] =	stream.indirect.gather [hbm4b:s5+s19], $0x1, s28, s19, $0xb8;
	[tilespmem:$0x1FA00] =	vst v63  }
.LBB2_6:
0x53: {  	v2 =	vld [tilespmem:s31+$0x5100]  }
0x54: {  	v3 =	vld [tilespmem:s31+$0x5180];
	_ =	sdelay $0x4  }
0x55: {  	v2 =	vadd.f32 v3, v2;
	v3 =	vadd.f32 v3, v1;
	_ =	sdelay $0x1  }
0x56: {  	v4 =	vmul.f32 $2.000000030e-01, v2;
	v5 =	vmul.f32 $2.000000030e-01, v3  }
0x57: {  	vm0 =	vge.f32 v2, $0.0e+00;
	vm1 =	vge.f32 v3, $0.0e+00  }
0x58: {  	v2 =	vsel vm0, v2, v4;
	v3 =	vsel vm1, v3, v5  }
0x59: {  	v2 =	vsub.f32 v2, v3;
	_ =	sdelay $0x1  }
0x5a: {  	v2 =	vmul.f32 $1.442695020e+00, v2;
	_ =	sdelay $0x1  }
0x5b: {  	(erf) = vpow2.f32 v2  }
0x5c: {  	s0 =	sshll.u32 s2, $0x7  }
0x5d: {  	s0 =	sand.u32 $0x3FFFFF80, s0  }
0x5e: {  	v2 =	vld [tilespmem:s0+$0x2880];
	_ =	sdelay $0x5  }
0x5f: {  	v3 =	vpop (erf)  }
0x60: {  	[tilespmem:s31+$0x5080] =	vst v3  }
0x61: {  	s20 =	sor.u32 $0x5110, s31;
	[tilespmem:v2+s24+$0x0] =	vst.idx.add.f32.msk $0xffff, v3  }
0x62: {  	s21 =	sor.u32 $0x5190, s31;
	v2 =	vld [tilespmem:s20+$0x0]  }
0x63: {  	v3 =	vld [tilespmem:s21+$0x0];
	_ =	sdelay $0x4  }
0x64: {  	v2 =	vadd.f32 v3, v2;
	v3 =	vadd.f32 v3, v1;
	_ =	sdelay $0x1  }
0x65: {  	v4 =	vmul.f32 $2.000000030e-01, v2;
	v5 =	vmul.f32 $2.000000030e-01, v3  }
0x66: {  	vm10 =	vge.f32 v2, $0.0e+00;
	vm11 =	vge.f32 v3, $0.0e+00  }
0x67: {  	v2 =	vsel vm10, v2, v4;
	v3 =	vsel vm11, v3, v5  }
0x68: {  	v2 =	vsub.f32 v2, v3;
	_ =	sdelay $0x1  }
0x69: {  	v2 =	vmul.f32 $1.442695020e+00, v2;
	_ =	sdelay $0x1  }
0x6a: {  	(erf) = vpow2.f32 v2;
	_ =	sdelay $0x2  }
0x6b: {  	v2 =	vld [tilespmem:s0+$0x2890];
	_ =	sdelay $0x5  }
0x6c: {  	s22 =	sor.u32 $0x5090, s31;
	v3 =	vpop (erf)  }
0x6d: {  	[tilespmem:s22+$0x0] =	vst v3  }
0x6e: {  	s28 =	sor.u32 $0x5120, s31;
	[tilespmem:v2+s24+$0x0] =	vst.idx.add.f32.msk $0xffff, v3  }
0x6f: {  	s6 =	sor.u32 $0x51A0, s31;
	v2 =	vld [tilespmem:s28+$0x0]  }
0x70: {  	v3 =	vld [tilespmem:s6+$0x0];
	_ =	sdelay $0x4  }
0x71: {  	v2 =	vadd.f32 v3, v2;
	v3 =	vadd.f32 v3, v1;
	_ =	sdelay $0x1  }
0x72: {  	v4 =	vmul.f32 $2.000000030e-01, v2;
	v5 =	vmul.f32 $2.000000030e-01, v3  }
0x73: {  	vm12 =	vge.f32 v2, $0.0e+00;
	vm13 =	vge.f32 v3, $0.0e+00  }
0x74: {  	v2 =	vsel vm12, v2, v4;
	v3 =	vsel vm13, v3, v5  }
0x75: {  	v2 =	vsub.f32 v2, v3;
	_ =	sdelay $0x1  }
0x76: {  	v2 =	vmul.f32 $1.442695020e+00, v2;
	_ =	sdelay $0x1  }
0x77: {  	(erf) = vpow2.f32 v2;
	_ =	sdelay $0x2  }
0x78: {  	v2 =	vld [tilespmem:s0+$0x28A0];
	_ =	sdelay $0x5  }
0x79: {  	s8 =	sor.u32 $0x50A0, s31;
	v3 =	vpop (erf)  }
0x7a: {  	[tilespmem:s8+$0x0] =	vst v3  }
0x7b: {  	s21 =	sor.u32 $0x5130, s31;
	[tilespmem:v2+s24+$0x0] =	vst.idx.add.f32.msk $0xffff, v3  }
0x7c: {  	s22 =	sor.u32 $0x51B0, s31;
	v2 =	vld [tilespmem:s21+$0x0]  }
0x7d: {  	v3 =	vld [tilespmem:s22+$0x0];
	_ =	sdelay $0x4  }
0x7e: {  	v2 =	vadd.f32 v3, v2;
	v3 =	vadd.f32 v3, v1;
	_ =	sdelay $0x1  }
0x7f: {  	v4 =	vmul.f32 $2.000000030e-01, v2;
	v5 =	vmul.f32 $2.000000030e-01, v3  }
0x80: {  	vm14 =	vge.f32 v2, $0.0e+00;
	vm15 =	vge.f32 v3, $0.0e+00  }
0x81: {  	v2 =	vsel vm14, v2, v4;
	v3 =	vsel vm15, v3, v5  }
0x82: {  	v2 =	vsub.f32 v2, v3;
	_ =	sdelay $0x1  }
0x83: {  	v2 =	vmul.f32 $1.442695020e+00, v2;
	_ =	sdelay $0x1  }
0x84: {  	(erf) = vpow2.f32 v2;
	_ =	sdelay $0x2  }
0x85: {  	s22 =	sadd.s32 $0xFFFFFFFC, s31;
	v2 =	vld [tilespmem:s0+$0x28B0]  }
0x86: {  	s28 =	sadd.s32 $0x4, s22  }
0x87: {  	v3 =	vmov s28  }
0x88: {  	v3 =	vand.u32 $0xFFFFFFFC, v3  }
0x89: {  	v3 =	vbroadcast v3, $0x0;
	_ =	sdelay $0x1  }
0x8a: {  	s6 =	sor.u32 $0x50B0, s31;
	s8 =	sand.u32 $0x1, s2;
	v4 =	vpop (erf)  }
0x8b: {  	s2 =	sshll.u32 s8, $0xD;
	[tilespmem:s6+$0x0] =	vst v4  }
0x8c: {  	s21 =	sor.u32 $0x5300, s2;
	[tilespmem:v2+s24+$0x0] =	vst.idx.add.f32.msk $0xffff, v4  }
0x8d: {  	v2 =	vld [tilespmem:s21+$0xFFFFFF70]  }
0x8e: {  	v3 =	vld.idx.msk [tilespmem:v3+s25+$0x0], $0xffff  }
0x8f: {  	v4 =	vld [tilespmem:s21+$0xFFFFFF00]  }
0x90: {  	v5 =	vld [tilespmem:s21+$0xFFFFFF20]  }
0x91: {  	v6 =	vld [tilespmem:s21+$0xFFFFFF50]  }
0x92: {  	v7 =	vld [tilespmem:s21+$0xFFFFFF40]  }
0x93: {  	v8 =	vld [tilespmem:s21+$0xFFFFFF60];
	v2 =	vmul.f32 v2, v3  }
0x94: {  	s20 =	sadd.s32 $0x5, s22;
	v9 =	vld [tilespmem:s21+$0xFFFFFF30];
	v4 =	vmul.f32 v4, v3  }
0x95: {  	v10 =	vmov s20;
	v11 =	vld [tilespmem:s21+$0xFFFFFF10];
	v5 =	vmul.f32 v5, v3;
	[tilespmem:s21+$0xFFFFFF70] =	vst v2  }
0x96: {  	v6 =	vmul.f32 v6, v3;
	v2 =	vand.u32 $0xFFFFFFFD, v10;
	[tilespmem:s21+$0xFFFFFF00] =	vst v4  }
0x97: {  	v4 =	vmul.f32 v7, v3;
	[tilespmem:s21+$0xFFFFFF20] =	vst v5;
	v2 =	vbroadcast v2, $0x0  }
0x98: {  	v5 =	vmul.f32 v8, v3;
	[tilespmem:s21+$0xFFFFFF50] =	vst v6  }
0x99: {  	v6 =	vmul.f32 v9, v3;
	[tilespmem:s21+$0xFFFFFF40] =	vst v4  }
0x9a: {  	v3 =	vmul.f32 v11, v3;
	[tilespmem:s21+$0xFFFFFF60] =	vst v5  }
0x9b: {  	[tilespmem:s21+$0xFFFFFF30] =	vst v6  }
0x9c: {  	[tilespmem:s21+$0xFFFFFF10] =	vst v3;
	v3 =	vld [tilespmem:s21+$0xFFFFFF90]  }
0x9d: {  	v4 =	vld.idx.msk [tilespmem:v2+s25+$0x0], $0xffff  }
0x9e: {  	v2 =	vld [tilespmem:s21+$0xFFFFFFA0]  }
0x9f: {  	v5 =	vld [tilespmem:s21+$0xFFFFFF80]  }
0xa0: {  	v6 =	vld [tilespmem:s21+$0xFFFFFFB0]  }
0xa1: {  	v7 =	vld [tilespmem:s21+$0xFFFFFFC0]  }
0xa2: {  	v8 =	vld [tilespmem:s21+$0xFFFFFFD0];
	v3 =	vmul.f32 v3, v4  }
0xa3: {  	s28 =	sadd.s32 $0x6, s22;
	v9 =	vld [tilespmem:s21+$0xFFFFFFF0];
	v2 =	vmul.f32 v2, v4  }
0xa4: {  	v10 =	vmov s28;
	v11 =	vld [tilespmem:s21+$0xFFFFFFE0];
	v5 =	vmul.f32 v5, v4;
	[tilespmem:s21+$0xFFFFFF90] =	vst v3  }
0xa5: {  	v6 =	vmul.f32 v6, v4;
	v3 =	vand.u32 $0xFFFFFFFE, v10;
	[tilespmem:s21+$0xFFFFFFA0] =	vst v2  }
0xa6: {  	v7 =	vmul.f32 v7, v4;
	[tilespmem:s21+$0xFFFFFF80] =	vst v5;
	v10 =	vbroadcast v3, $0x0  }
0xa7: {  	v5 =	vmul.f32 v8, v4;
	[tilespmem:s21+$0xFFFFFFB0] =	vst v6;
	v2 =	vld [tilespmem:s21+$0x20]  }
0xa8: {  	v6 =	vmul.f32 v9, v4;
	[tilespmem:s21+$0xFFFFFFC0] =	vst v7;
	v7 =	vld [tilespmem:s21+$0x60]  }
0xa9: {  	v4 =	vmul.f32 v11, v4;
	v8 =	vld [tilespmem:s21+$0x0];
	[tilespmem:s21+$0xFFFFFFD0] =	vst v5  }
0xaa: {  	v3 =	vld [tilespmem:s21+$0x30];
	[tilespmem:s21+$0xFFFFFFF0] =	vst v6  }
0xab: {  	v5 =	vld [tilespmem:s21+$0x40];
	[tilespmem:s21+$0xFFFFFFE0] =	vst v4  }
0xac: {  	s2 =	sadd.s32 $0x2880, s0;
	v4 =	vld.idx.msk [tilespmem:v10+s25+$0x0], $0xffff  }
0xad: {  	s20 =	simm.s32 $0x0;
	s22 =	sadd.s32 $0x7, s22;
	s0 =	smov.u32 s21;
	v6 =	vld [tilespmem:s21+$0x10]  }
.LBB2_7:
0xae: {  	v9 =	vld [tilespmem:s21+$0x50];
	s0 =	sadd.s32 $0x200, s0;
	s28 =	smov.u32 s20;
	s20 =	sadd.s32 $0x4, s20  }
0xaf: {  	p0 =	slt.u32 s20, $0x3C;
	v10 =	vld [tilespmem:s21+$0x70];
	_ =	sdelay $0x1  }
0xb0: {  	v7 =	vmul.f32 v7, v4;
	v8 =	vmul.f32 v8, v4  }
0xb1: {  	v5 =	vmul.f32 v5, v4;
	v6 =	vmul.f32 v6, v4  }
0xb2: {  	v2 =	vmul.f32 v2, v4;
	v3 =	vmul.f32 v3, v4;
	[tilespmem:s21+$0x60] =	vst v7  }
0xb3: {  	[tilespmem:s21+$0x40] =	vst v5;
	v5 =	vmul.f32 v9, v4;
	v4 =	vmul.f32 v10, v4  }
0xb4: {  	[tilespmem:s21+$0x20] =	vst v2;
	v7 =	vld [tilespmem:s21+$0x80]  }
0xb5: {  	v2 =	vld [tilespmem:s0+$0x20];
	[tilespmem:s21+$0x0] =	vst v8;
	v8 =	vmov s22  }
0xb6: {  	[tilespmem:s21+$0x50] =	vst v5;
	v5 =	vld [tilespmem:s21+$0xE0]  }
0xb7: {  	[tilespmem:s21+$0x30] =	vst v3;
	v9 =	vld [tilespmem:s21+$0xC0]  }
0xb8: {  	v3 =	vld [tilespmem:s0+$0x30];
	[tilespmem:s21+$0x10] =	vst v6  }
0xb9: {  	[tilespmem:s21+$0x70] =	vst v4;
	v4 =	vld [tilespmem:s21+$0xA0]  }
0xba: {  	v6 =	vld.idx.msk [tilespmem:v8+s25+$0x0], $0xffff  }
0xbb: {  	v8 =	vld [tilespmem:s21+$0x90]  }
0xbc: {  	v10 =	vld [tilespmem:s21+$0xB0]  }
0xbd: {  	v11 =	vld [tilespmem:s21+$0xD0]  }
0xbe: {  	v12 =	vld [tilespmem:s21+$0xF0];
	_ =	sdelay $0x1  }
0xbf: {  	s22 =	sadd.s32 s28, s31;
	v7 =	vmul.f32 v7, v6;
	v8 =	vmul.f32 v8, v6  }
0xc0: {  	s28 =	sadd.s32 $0x4, s22;
	s6 =	sadd.s32 $0x5, s22;
	s8 =	sadd.s32 $0x6, s22;
	v4 =	vmul.f32 v4, v6;
	v10 =	vmul.f32 v10, v6  }
0xc1: {  	s22 =	sadd.s32 $0x7, s22;
	v13 =	vmov s28;
	[tilespmem:s21+$0x80] =	vst v7;
	v7 =	vmul.f32 v9, v6;
	v9 =	vmul.f32 v11, v6  }
0xc2: {  	v11 =	vand.u32 $0xFFFFFFFC, v13;
	[tilespmem:s21+$0xA0] =	vst v4;
	v4 =	vmul.f32 v5, v6;
	v5 =	vmul.f32 v12, v6  }
0xc3: {  	v6 =	vbroadcast v11, $0x0;
	v11 =	vmov s6;
	v12 =	vmov s8;
	[tilespmem:s21+$0xC0] =	vst v7  }
0xc4: {  	v7 =	vand.u32 $0xFFFFFFFD, v11;
	v11 =	vand.u32 $0xFFFFFFFE, v12;
	[tilespmem:s21+$0xF0] =	vst v5  }
0xc5: {  	v5 =	vld [tilespmem:s0+$0xFFFFFF40];
	[tilespmem:s21+$0xE0] =	vst v4  }
0xc6: {  	v4 =	vld [tilespmem:s0+$0xFFFFFF50];
	[tilespmem:s21+$0x90] =	vst v8  }
0xc7: {  	v8 =	vld [tilespmem:s0+$0xFFFFFF60];
	[tilespmem:s21+$0xB0] =	vst v10  }
0xc8: {  	v10 =	vld [tilespmem:s0+$0xFFFFFF70];
	[tilespmem:s21+$0xD0] =	vst v9;
	s21 =	smov.u32 s0  }
0xc9: {  	v6 =	vld.idx.msk [tilespmem:v6+s25+$0x0], $0xffff  }
0xca: {  	v9 =	vld [tilespmem:s0+$0xFFFFFF00]  }
0xcb: {  	v12 =	vld [tilespmem:s0+$0xFFFFFF20]  }
0xcc: {  	v13 =	vld [tilespmem:s0+$0xFFFFFF10]  }
0xcd: {  	v14 =	vld [tilespmem:s0+$0xFFFFFF30];
	_ =	sdelay $0x1  }
0xce: {  	v10 =	vmul.f32 v10, v6;
	v9 =	vmul.f32 v9, v6  }
0xcf: {  	v8 =	vmul.f32 v8, v6;
	v12 =	vmul.f32 v12, v6  }
0xd0: {  	v4 =	vmul.f32 v4, v6;
	v13 =	vmul.f32 v13, v6;
	[tilespmem:s0+$0xFFFFFF70] =	vst v10  }
0xd1: {  	v5 =	vmul.f32 v5, v6;
	[tilespmem:s0+$0xFFFFFF00] =	vst v9;
	v9 =	vmul.f32 v14, v6  }
0xd2: {  	v6 =	vbroadcast v7, $0x0;
	[tilespmem:s0+$0xFFFFFF20] =	vst v12  }
0xd3: {  	[tilespmem:s0+$0xFFFFFF50] =	vst v4  }
0xd4: {  	[tilespmem:s0+$0xFFFFFF40] =	vst v5;
	v4 =	vld [tilespmem:s0+$0xFFFFFFF0]  }
0xd5: {  	[tilespmem:s0+$0xFFFFFF60] =	vst v8;
	v5 =	vld [tilespmem:s0+$0xFFFFFFC0]  }
0xd6: {  	[tilespmem:s0+$0xFFFFFF30] =	vst v9;
	v7 =	vld [tilespmem:s0+$0xFFFFFFD0]  }
0xd7: {  	[tilespmem:s0+$0xFFFFFF10] =	vst v13;
	v8 =	vld [tilespmem:s0+$0xFFFFFF90]  }
0xd8: {  	v6 =	vld.idx.msk [tilespmem:v6+s25+$0x0], $0xffff  }
0xd9: {  	v9 =	vld [tilespmem:s0+$0xFFFFFF80]  }
0xda: {  	v10 =	vld [tilespmem:s0+$0xFFFFFFA0]  }
0xdb: {  	v12 =	vld [tilespmem:s0+$0xFFFFFFB0]  }
0xdc: {  	v13 =	vld [tilespmem:s0+$0xFFFFFFE0];
	_ =	sdelay $0x1  }
0xdd: {  	v8 =	vmul.f32 v8, v6;
	v9 =	vmul.f32 v9, v6  }
0xde: {  	v7 =	vmul.f32 v7, v6;
	v10 =	vmul.f32 v10, v6  }
0xdf: {  	v5 =	vmul.f32 v5, v6;
	[tilespmem:s0+$0xFFFFFF90] =	vst v8;
	v8 =	vmul.f32 v12, v6  }
0xe0: {  	v4 =	vmul.f32 v4, v6;
	[tilespmem:s0+$0xFFFFFFA0] =	vst v10;
	v10 =	vmul.f32 v13, v6  }
0xe1: {  	v6 =	vbroadcast v11, $0x0;
	[tilespmem:s0+$0xFFFFFF80] =	vst v9  }
0xe2: {  	[tilespmem:s0+$0xFFFFFFB0] =	vst v8  }
0xe3: {  	[tilespmem:s0+$0xFFFFFFC0] =	vst v5  }
0xe4: {  	[tilespmem:s0+$0xFFFFFFD0] =	vst v7  }
.Ltmp2:
0xe5: {  	[tilespmem:s0+$0xFFFFFFF0] =	vst v4;
	v5 =	vld [tilespmem:s0+$0x40];
	(pc) =	sbr.rel @p0 .LBB2_7-.Ltmp2, $4  }
0xe6: {  	[tilespmem:s0+$0xFFFFFFE0] =	vst v10;
	v7 =	vld [tilespmem:s0+$0x60]  }
0xe7: {  	v4 =	vld.idx.msk [tilespmem:v6+s25+$0x0], $0xffff  }
0xe8: {  	v8 =	vld [tilespmem:s0+$0x0]  }
0xe9: {  	v6 =	vld [tilespmem:s0+$0x10]  }
0xea: {  	_ =	sdelay $0x1  }
0xeb: {  	v7 =	vmul.f32 v7, v4  }
0xec: {  	v9 =	vld [tilespmem:s21+$0x50];
	v5 =	vmul.f32 v5, v4  }
0xed: {  	v10 =	vld [tilespmem:s21+$0x70];
	v2 =	vmul.f32 v2, v4;
	[tilespmem:s21+$0x60] =	vst v7  }
0xee: {  	v50 =	vmul.f32 v8, v4;
	[tilespmem:s21+$0x40] =	vst v5  }
0xef: {  	[tilespmem:s21+$0x20] =	vst v2;
	v2 =	vmul.f32 v3, v4  }
0xf0: {  	v52 =	vmov s22;
	v6 =	vmul.f32 v6, v4;
	[tilespmem:s21+$0x0] =	vst v50  }
0xf1: {  	v51 =	vmul.f32 v9, v4;
	[tilespmem:s21+$0x30] =	vst v2  }
0xf2: {  	v53 =	vmul.f32 v10, v4;
	[tilespmem:s21+$0x10] =	vst v6  }
0xf3: {  	[tilespmem:s21+$0x50] =	vst v51  }
0xf4: {  	v3 =	vld [tilespmem:s21+$0x80];
	[tilespmem:s21+$0x70] =	vst v53  }
0xf5: {  	v2 =	vld.idx.msk [tilespmem:v52+s25+$0x0], $0xffff  }
0xf6: {  	v54 =	vld [tilespmem:s21+$0xA0]  }
0xf7: {  	v56 =	vld [tilespmem:s21+$0xF0]  }
0xf8: {  	v57 =	vld [tilespmem:s21+$0xE0]  }
0xf9: {  	v55 =	vld [tilespmem:s21+$0xC0]  }
0xfa: {  	v59 =	vld [tilespmem:s21+$0xB0];
	v3 =	vmul.f32 v3, v2  }
0xfb: {  	v58 =	vld [tilespmem:s21+$0x90];
	v4 =	vmul.f32 v54, v2  }
0xfc: {  	v60 =	vld [tilespmem:s21+$0xD0];
	v61 =	vmul.f32 v56, v2;
	[tilespmem:s21+$0x80] =	vst v3  }
0xfd: {  	v62 =	vmul.f32 v57, v2;
	[tilespmem:s21+$0xA0] =	vst v4  }
0xfe: {  	v3 =	vmul.f32 v55, v2;
	[tilespmem:s21+$0xF0] =	vst v61  }
0xff: {  	v63 =	vmul.f32 v59, v2;
	[tilespmem:s21+$0xE0] =	vst v62  }
0x100: {  	p0 =	slt.u32 s30, $0x50;
	[tilespmem:s21+$0xC0] =	vst v3;
	v3 =	vmul.f32 v58, v2  }
.Ltmp3:
0x101: {  	[tilespmem:s21+$0xB0] =	vst v63;
	v2 =	vmul.f32 v60, v2;
	(pc) =	sbr.rel @p0 .LBB2_4-.Ltmp3, $4  }
0x102: {  	s0 =	sshll.u32 s31, $0x7;
	[tilespmem:s21+$0x90] =	vst v3  }
0x103: {  	s0 =	sadd.s32 $0x5200, s0;
	[tilespmem:s21+$0xD0] =	vst v2  }
0x104: {  	[spmem:s1] =	stream.indirect.scatter.add.f32 [tilespmem:s0], [sflag:$0x2], $0x80, s2, s19, $0xb8;
	[tilespmem:$0x1FA00] =	vst v63  }
0x105: {  	s2 =	smov.u32 s30  }
0x106: {  	_ =	swait.ge [sflag:s26], $0x2000  }
0x107: {  	[sflag:s26] =	ssyncset.done $0x0  }
0x108: {  	s0 =	simm.s32 $0x400;
	[sflag:s26] =	ssyncadd.s32 $0xFFFFE000  }
0x109: {  	[hbm4b:s11+s15] =	stream.strided.scatter [tilespmem:s24], [sflag:$0x3], $0x2800, s0, s15, $0x38;
	[tilespmem:$0x1FA00] =	vst v63  }
0x10a: {  	_ =	swait.ge [sflag:s14], $0x2800  }
0x10b: {  	s29 =	sadd.s32 $0x1, s29;
	[sflag:s14] =	ssyncset.done $0x0  }
0x10c: {  	p0 =	sne.s32 s29, s13;
	[sflag:s14] =	ssyncadd.s32 $0xFFFFD800  }
.Ltmp4:
0x10d: {  	[bflag:$0x0] =	sbarrier.arrive $0xFFFF;
	(pc) =	sbr.rel @p0 .LBB2_1-.Ltmp4, $4  }
0x10e: {  	[hbm:s12], [sflag:s17] =	dma.local [spmem:s18], $0x2800  }
0x10f: {  	_ =	swait.ge [sflag:s14], $0x2800  }
0x110: {  	[sflag:s14] =	ssyncset.done $0x0  }
0x111: {  	[sflag:s14] =	ssyncadd.s32 $0xFFFFD800  }
0x112: {  	_ =	sfence.sel $0x180000  }
0x113: {  	[bflag:$0x0] =	sbarrier.arrive $0xFFFF  }
0x114: {  	_ =	strace $0x90000047  }
0x115: {  	s0 =	stileid.u32;
	[bflag:$0x2] =	sbarrier.arrive $0xFFFF  }
0x116: {  	p0 =	sne.s32 s0, $0x0;
	s0 =	rddreg [dreg:$0x4]  }
0x117: {  	s0 =	sadd.s32 @!p0 $0x100000, s0  }
0x118: {  	[sflag:s0] =	ssyncadd.tile.s32 @!p0 $0x1;
	_ =	shalt  }
.Lfunc_end2:
_tile_overlayer_lowered:
.L_overlay_start_2:
0x119: {  	(tag) =	ssettag $0x2  }
0x11a: {  	s0 =	rddreg [dreg:$0x0];
	s2 =	stileid.u32  }
0x11b: {  	s1 =	rddreg [dreg:$0x1];
	p0 =	sne.s32 s2, $0x0  }
0x11c: {  	s3 =	rddreg [dreg:$0x2];
	[bflag:$0x3] =	sbarrier.arrive $0xFFFF;
	s2 =	simm.s32 @!p0 $0x1C03  }
0x11d: {  	[timem:s3], [sflag:s2] =	dma.local @!p0 [hbm:s0], s1  }
0x11e: {  	s0 =	simm.s32 @!p0 $0x3  }
0x11f: {  	_ =	swait.ge @!p0 [sflag:s0], s1  }
0x120: {  	s1 =	ssub.s32 @!p0 $0x0, s1;
	[sflag:s0] =	ssyncset.done @!p0 $0x0  }
0x121: {  	[sflag:s0] =	ssyncadd.s32 @!p0 s1  }
0x122: {  	[bflag:$0x3] =	sbarrier.arrive $0xFFFF  }
0x123: {  	_ =	shalt  }

</sc_bundles>
